<compile_context>
chip_gen: v7x
topology: tpu7x:2x2x1
jax: 0.10.2.dev20260603
libtpu: 0.0.44.dev20260713+nightly
codegen_flags: <defaults>
</compile_context>

<pallas_src>
import functools

import jax
import jax.numpy as jnp
from jax import lax
from jax.experimental import pallas as pl
from jax.experimental.pallas import tpu as pltpu
from jax.experimental.pallas import tpu_sc as plsc

NC = 2
NS = 16
NW = NC * NS
L = 16


@functools.lru_cache(maxsize=None)
def _make_sc_gather(B, D, n_head, n_tail):
    assert B % (NW * L) == 0
    b_per_w = B // NW
    b_per_c = NS * b_per_w
    pad = b_per_w

    mesh = plsc.VectorSubcoreMesh(core_axis_name="c", subcore_axis_name="s")

    scratch = [
        pltpu.VMEM((b_per_w,), jnp.int32),
        pltpu.VMEM((b_per_w,), jnp.int32),
        pltpu.VMEM((b_per_w,), jnp.int32),
        pltpu.VMEM((b_per_w,), jnp.int32),
        pltpu.VMEM((b_per_w,), jnp.int32),
        pltpu.VMEM((b_per_w, D), jnp.float32),
        pltpu.VMEM((b_per_w, D), jnp.float32),
        pltpu.VMEM_SHARED((b_per_c + pad, D), jnp.float32),
        pltpu.SemaphoreType.DMA,
        pltpu.SemaphoreType.DMA,
        pltpu.SemaphoreType.DMA,
    ]

    @functools.partial(
        pl.kernel,
        mesh=mesh,
        out_type=jax.ShapeDtypeStruct((B, D), jnp.float32),
        scratch_types=scratch,
        compiler_params=pltpu.CompilerParams(use_tc_tiling_on_sc=False),
    )
    def k(head_hbm, tail_hbm, ids_hbm, out_hbm, ids_v, idx_a, idx_b,
          pos_a, pos_b, buf_a, buf_b, merged, sem_a, sem_b, sem_s):
        cid = lax.axis_index("c")
        sid = lax.axis_index("s")
        wid = cid * NS + sid
        base = wid * b_per_w
        pltpu.sync_copy(ids_hbm.at[pl.ds(base, b_per_w)], ids_v)

        lbase = sid * b_per_w
        iota = lax.iota(jnp.int32, L)
        for i in range(b_per_w // L):
            v = ids_v[pl.ds(i * L, L)]
            m = v >= n_head
            spread = (sid * (b_per_w // L) + i) * L + iota
            idx_a[pl.ds(i * L, L)] = jnp.where(m, spread, v)
            idx_b[pl.ds(i * L, L)] = jnp.where(m, v - n_head, spread % n_tail)
            rows = lbase + i * L + iota
            trash = b_per_c + (i * L + iota)
            pos_a[pl.ds(i * L, L)] = jnp.where(m, trash, rows)
            pos_b[pl.ds(i * L, L)] = jnp.where(m, rows, trash)

        ga = pltpu.async_copy(head_hbm.at[idx_a], buf_a, sem_a)
        gb = pltpu.async_copy(tail_hbm.at[idx_b], buf_b, sem_b)
        ga.wait()
        sa = pltpu.async_copy(buf_a, merged.at[pos_a], sem_s)
        gb.wait()
        sb = pltpu.async_copy(buf_b, merged.at[pos_b], sem_s)
        sa.wait()
        sb.wait()
        plsc.subcore_barrier()

        pltpu.sync_copy(merged.at[pl.ds(lbase, b_per_w)], buf_a)
        pltpu.sync_copy(buf_a, out_hbm.at[pl.ds(base, b_per_w)])

    return k


def kernel(weight_head, trainable_buffer, input_ids):
    n_head, D = weight_head.shape
    n_tail = trainable_buffer.shape[0]
    B = input_ids.shape[0]
    k = _make_sc_gather(B, D, n_head, n_tail)
    return k(weight_head, trainable_buffer, input_ids.astype(jnp.int32))

# --- scband reference (transcript-rebuilt; emitter-appended) ---
"""Pipeline reference for scband-sparse-embedding-71494025609808 (READ-ONLY COPY).

The authoritative reference and input builder live on the scoring server;
editing this copy changes nothing except your own understanding.
"""

import jax, jax.numpy as jnp
import numpy as np

V = 1000000
D = 64
START = 900000
B = 16384


def setup_inputs(seed: int = 0) -> dict:
    key = jax.random.key(seed)
    k1, k2, k3 = jax.random.split(key, 3)
    # Frozen head of the tied weight matrix (rows [0, START)).
    weight_head = jax.random.normal(k1, (START, D), dtype=jnp.float32) * 0.02
    # Trainable tail buffer (rows [START, V)), kept in float32 like the torch module.
    trainable_buffer = jax.random.normal(k2, (V - START, D), dtype=jnp.float32) * 0.02
    input_ids = jax.random.randint(k3, (B,), 0, V, dtype=jnp.int64) if jax.config.jax_enable_x64 else jax.random.randint(k3, (B,), 0, V, dtype=jnp.int32)
    return {"weight_head": weight_head, "trainable_buffer": trainable_buffer, "input_ids": input_ids}


def reference(weight_head, trainable_buffer, input_ids):
    # SparseEmbeddingFunction.forward: tied_weights.weight[input_ids]
    # where tied_weights.weight = concat(frozen head, trainable tail buffer).
    weight = jnp.concatenate([weight_head, trainable_buffer], axis=0)
    return jnp.take(weight, input_ids, axis=0)

if __name__ == "__main__":
    import jax
    _d = setup_inputs()
    print(jax.jit(kernel)(*tuple(_d.values())))

</pallas_src>

<mosaic_0001>
#map = affine_map<(d0, d1) -> (0, 0)>
#map1 = affine_map<(d0, d1) -> (0)>
module attributes {stable_mosaic.version = 14 : i64} {
  func.func @k(%arg0: i32, %arg1: i32, %arg2: memref<900000x64xf32, #tpu.memory_space<hbm>>, %arg3: memref<100000x64xf32, #tpu.memory_space<hbm>>, %arg4: memref<16384xi32, #tpu.memory_space<hbm>>, %arg5: memref<16384x64xf32, #tpu.memory_space<hbm>>, %arg6: memref<512xi32, #tpu.memory_space<vmem>>, %arg7: memref<512xi32, #tpu.memory_space<vmem>>, %arg8: memref<512xi32, #tpu.memory_space<vmem>>, %arg9: memref<512xi32, #tpu.memory_space<vmem>>, %arg10: memref<512xi32, #tpu.memory_space<vmem>>, %arg11: memref<512x64xf32, #tpu.memory_space<vmem>>, %arg12: memref<512x64xf32, #tpu.memory_space<vmem>>, %arg13: memref<8704x64xf32, #tpu.memory_space<vmem_shared>>, %arg14: memref<!tpu.dma_semaphore, #tpu.memory_space<semaphore_mem>>, %arg15: memref<!tpu.dma_semaphore, #tpu.memory_space<semaphore_mem>>, %arg16: memref<!tpu.dma_semaphore, #tpu.memory_space<semaphore_mem>>) attributes {dimension_semantics = [#tpu.dimension_semantics<core_parallel>, #tpu.dimension_semantics<subcore_parallel>], iteration_bounds = array<i64: 2, 16>, scalar_prefetch = 0 : i64, scratch_operands = 11 : i64, tpu.core_type = #tpu.core_type<sc_vector_subcore>, window_params = [{transform_indices = #map}, {transform_indices = #map}, {transform_indices = #map1}, {transform_indices = #map}]} {
    %mul3A = arith.constant 16 : i32
    %mul3A_0 = arith.muli %arg0, %mul3A : i32
    %add3A = arith.addi %mul3A_0, %arg1 : i32
    %mul3A_1 = arith.constant 512 : i32
    %mul3A_2 = arith.muli %add3A, %mul3A_1 : i32
    "tpu.region"() ({
      %run_scoped3A = tpu.sem_alloc : memref<!tpu.dma_semaphore, #tpu.memory_space<semaphore_mem>>
      %dma_start3A_2224 = tpu.memref_slice %arg4[%mul3A_2] : memref<16384xi32, #tpu.memory_space<hbm>> -> memref<512xi32, #tpu.memory_space<hbm>>
      %dma_start3A_2225 = tpu.memref_slice %arg4[%mul3A_2] : memref<16384xi32, #tpu.memory_space<hbm>> -> memref<512xi32, #tpu.memory_space<hbm>>
      tpu.enqueue_dma source(%dma_start3A_2225 : memref<512xi32, #tpu.memory_space<hbm>>) target(%arg6 : memref<512xi32, #tpu.memory_space<vmem>>) target_semaphore(%run_scoped3A : memref<!tpu.dma_semaphore, #tpu.memory_space<semaphore_mem>>)
      %dma_wait3A_2226 = tpu.memref_slice %arg4[%mul3A_2] : memref<16384xi32, #tpu.memory_space<hbm>> -> memref<512xi32, #tpu.memory_space<hbm>>
      %dma_wait3A_2227 = tpu.memref_slice %arg4[%mul3A_2] : memref<16384xi32, #tpu.memory_space<hbm>> -> memref<512xi32, #tpu.memory_space<hbm>>
      tpu.wait_dma2 semaphore(%run_scoped3A : memref<!tpu.dma_semaphore, #tpu.memory_space<semaphore_mem>>) src(%dma_wait3A_2227 : memref<512xi32, #tpu.memory_space<hbm>>) dst(%arg6 : memref<512xi32, #tpu.memory_space<vmem>>)
      tpu.yield
    }) : () -> ()
    %mul3A_3 = arith.constant 512 : i32
    %mul3A_4 = arith.muli %arg1, %mul3A_3 : i32
    %iota3A = tpu.iota {dimensions = array<i32: 0>} : vector<16xi32>
    %get3A = arith.constant 0 : index
    %get3A_5 = tpu.vector_load %arg6[%get3A] {strides = array<i32>} : memref<512xi32, #tpu.memory_space<vmem>>, vector<16xi32>,
    %get3A_6 = vector.shape_cast %get3A_5 : vector<16xi32> to vector<16xi32>
    %ge3A = arith.constant 900000 : i32
    %ge3A_7 = vector.broadcast %ge3A : i32 to vector<16xi32>
    %ge3A_8 = arith.cmpi sge, %get3A_6, %ge3A_7 : vector<16xi32>
    %mul3A_9 = arith.constant 32 : i32
    %mul3A_10 = arith.muli %arg1, %mul3A_9 : i32
    %add3A_11 = arith.constant 0 : i32
    %add3A_12 = arith.addi %mul3A_10, %add3A_11 : i32
    %mul3A_13 = arith.constant 16 : i32
    %mul3A_14 = arith.muli %add3A_12, %mul3A_13 : i32
    %add3A_15 = vector.broadcast %mul3A_14 : i32 to vector<16xi32>
    %add3A_16 = arith.addi %add3A_15, %iota3A : vector<16xi32>
    %select_n3A = arith.select %ge3A_8, %add3A_16, %get3A_6 : vector<16xi1>, vector<16xi32>
    %swap3A = arith.constant 0 : index
    %swap3A_17 = tpu.vector_load %arg7[%swap3A] {strides = array<i32>} : memref<512xi32, #tpu.memory_space<vmem>>, vector<16xi32>,
    %swap3A_18 = vector.shape_cast %swap3A_17 : vector<16xi32> to vector<16xi32>
    %swap3A_19 = vector.shape_cast %select_n3A : vector<16xi32> to vector<16xi32>
    tpu.vector_store %arg7[%swap3A], %swap3A_19 {strides = array<i32>} : memref<512xi32, #tpu.memory_space<vmem>>, vector<16xi32>,
    %sub3A = arith.constant 900000 : i32
    %sub3A_20 = vector.broadcast %sub3A : i32 to vector<16xi32>
    %sub3A_21 = arith.subi %get3A_6, %sub3A_20 : vector<16xi32>
    %jit3A = arith.constant 100000 : i32
    %eq3A = arith.constant 0 : i32
    %eq3A_22 = arith.cmpi eq, %jit3A, %eq3A : i32
    %jit3A_23 = arith.constant 1 : i32
    %select_n3A_24 = arith.select %eq3A_22, %jit3A_23, %jit3A : i32
    %rem3A = vector.broadcast %select_n3A_24 : i32 to vector<16xi32>
    %rem3A_25 = arith.remsi %add3A_16, %rem3A : vector<16xi32>
    %ne3A = arith.constant 0 : i32
    %ne3A_26 = vector.broadcast %ne3A : i32 to vector<16xi32>
    %ne3A_27 = arith.cmpi ne, %rem3A_25, %ne3A_26 : vector<16xi32>
    %lt3A = arith.constant 0 : i32
    %lt3A_28 = vector.broadcast %lt3A : i32 to vector<16xi32>
    %lt3A_29 = arith.cmpi slt, %rem3A_25, %lt3A_28 : vector<16xi32>
    %lt3A_30 = arith.constant 0 : i32
    %lt3A_31 = arith.cmpi slt, %select_n3A_24, %lt3A_30 : i32
    %ne3A_32 = vector.broadcast %lt3A_31 : i1 to vector<16xi1>
    %ne3A_33 = vector.broadcast %ne3A_32 : vector<16xi1> to vector<16xi1>
    %ne3A_34 = arith.xori %lt3A_29, %ne3A_33 : vector<16xi1>
    %and3A = arith.andi %ne3A_34, %ne3A_27 : vector<16xi1>
    %add3A_35 = vector.broadcast %select_n3A_24 : i32 to vector<16xi32>
    %add3A_36 = arith.addi %rem3A_25, %add3A_35 : vector<16xi32>
    %select_n3A_37 = arith.select %and3A, %add3A_36, %rem3A_25 : vector<16xi1>, vector<16xi32>
    %select_n3A_38 = arith.select %ge3A_8, %sub3A_21, %select_n3A_37 : vector<16xi1>, vector<16xi32>
    %swap3A_39 = arith.constant 0 : index
    %swap3A_40 = tpu.vector_load %arg8[%swap3A_39] {strides = array<i32>} : memref<512xi32, #tpu.memory_space<vmem>>, vector<16xi32>,
    %swap3A_41 = vector.shape_cast %swap3A_40 : vector<16xi32> to vector<16xi32>
    %swap3A_42 = vector.shape_cast %select_n3A_38 : vector<16xi32> to vector<16xi32>
    tpu.vector_store %arg8[%swap3A_39], %swap3A_42 {strides = array<i32>} : memref<512xi32, #tpu.memory_space<vmem>>, vector<16xi32>,
    %add3A_43 = arith.constant 0 : i32
    %add3A_44 = arith.addi %mul3A_4, %add3A_43 : i32
    %add3A_45 = vector.broadcast %add3A_44 : i32 to vector<16xi32>
    %add3A_46 = arith.addi %add3A_45, %iota3A : vector<16xi32>
    %add3A_47 = arith.constant 0 : i32
    %add3A_48 = vector.broadcast %add3A_47 : i32 to vector<16xi32>
    %add3A_49 = arith.addi %add3A_48, %iota3A : vector<16xi32>
    %add3A_50 = arith.constant 8192 : i32
    %add3A_51 = vector.broadcast %add3A_50 : i32 to vector<16xi32>
    %add3A_52 = arith.addi %add3A_51, %add3A_49 : vector<16xi32>
    %select_n3A_53 = arith.select %ge3A_8, %add3A_52, %add3A_46 : vector<16xi1>, vector<16xi32>
    %swap3A_54 = arith.constant 0 : index
    %swap3A_55 = tpu.vector_load %arg9[%swap3A_54] {strides = array<i32>} : memref<512xi32, #tpu.memory_space<vmem>>, vector<16xi32>,
    %swap3A_56 = vector.shape_cast %swap3A_55 : vector<16xi32> to vector<16xi32>
    %swap3A_57 = vector.shape_cast %select_n3A_53 : vector<16xi32> to vector<16xi32>
    tpu.vector_store %arg9[%swap3A_54], %swap3A_57 {strides = array<i32>} : memref<512xi32, #tpu.memory_space<vmem>>, vector<16xi32>,
    %select_n3A_58 = arith.select %ge3A_8, %add3A_46, %add3A_52 : vector<16xi1>, vector<16xi32>
    %swap3A_59 = arith.constant 0 : index
    %swap3A_60 = tpu.vector_load %arg10[%swap3A_59] {strides = array<i32>} : memref<512xi32, #tpu.memory_space<vmem>>, vector<16xi32>,
    %swap3A_61 = vector.shape_cast %swap3A_60 : vector<16xi32> to vector<16xi32>
    %swap3A_62 = vector.shape_cast %select_n3A_58 : vector<16xi32> to vector<16xi32>
    tpu.vector_store %arg10[%swap3A_59], %swap3A_62 {strides = array<i32>} : memref<512xi32, #tpu.memory_space<vmem>>, vector<16xi32>,
    %get3A_63 = arith.constant 16 : index
    %get3A_64 = tpu.vector_load %arg6[%get3A_63] {strides = array<i32>} : memref<512xi32, #tpu.memory_space<vmem>>, vector<16xi32>,
    %get3A_65 = vector.shape_cast %get3A_64 : vector<16xi32> to vector<16xi32>
    %ge3A_66 = arith.constant 900000 : i32
    %ge3A_67 = vector.broadcast %ge3A_66 : i32 to vector<16xi32>
    %ge3A_68 = arith.cmpi sge, %get3A_65, %ge3A_67 : vector<16xi32>
    %mul3A_69 = arith.constant 32 : i32
    %mul3A_70 = arith.muli %arg1, %mul3A_69 : i32
    %add3A_71 = arith.constant 1 : i32
    %add3A_72 = arith.addi %mul3A_70, %add3A_71 : i32
    %mul3A_73 = arith.constant 16 : i32
    %mul3A_74 = arith.muli %add3A_72, %mul3A_73 : i32
    %add3A_75 = vector.broadcast %mul3A_74 : i32 to vector<16xi32>
    %add3A_76 = arith.addi %add3A_75, %iota3A : vector<16xi32>
    %select_n3A_77 = arith.select %ge3A_68, %add3A_76, %get3A_65 : vector<16xi1>, vector<16xi32>
    %swap3A_78 = arith.constant 16 : index
    %swap3A_79 = tpu.vector_load %arg7[%swap3A_78] {strides = array<i32>} : memref<512xi32, #tpu.memory_space<vmem>>, vector<16xi32>,
    %swap3A_80 = vector.shape_cast %swap3A_79 : vector<16xi32> to vector<16xi32>
    %swap3A_81 = vector.shape_cast %select_n3A_77 : vector<16xi32> to vector<16xi32>
    tpu.vector_store %arg7[%swap3A_78], %swap3A_81 {strides = array<i32>} : memref<512xi32, #tpu.memory_space<vmem>>, vector<16xi32>,
    %sub3A_82 = arith.constant 900000 : i32
    %sub3A_83 = vector.broadcast %sub3A_82 : i32 to vector<16xi32>
    %sub3A_84 = arith.subi %get3A_65, %sub3A_83 : vector<16xi32>
    %jit3A_85 = arith.constant 100000 : i32
    %eq3A_86 = arith.constant 0 : i32
    %eq3A_87 = arith.cmpi eq, %jit3A_85, %eq3A_86 : i32
    %jit3A_88 = arith.constant 1 : i32
    %select_n3A_89 = arith.select %eq3A_87, %jit3A_88, %jit3A_85 : i32
    %rem3A_90 = vector.broadcast %select_n3A_89 : i32 to vector<16xi32>
    %rem3A_91 = arith.remsi %add3A_76, %rem3A_90 : vector<16xi32>
    %ne3A_92 = arith.constant 0 : i32
    %ne3A_93 = vector.broadcast %ne3A_92 : i32 to vector<16xi32>
    %ne3A_94 = arith.cmpi ne, %rem3A_91, %ne3A_93 : vector<16xi32>
    %lt3A_95 = arith.constant 0 : i32
    %lt3A_96 = vector.broadcast %lt3A_95 : i32 to vector<16xi32>
    %lt3A_97 = arith.cmpi slt, %rem3A_91, %lt3A_96 : vector<16xi32>
    %lt3A_98 = arith.constant 0 : i32
    %lt3A_99 = arith.cmpi slt, %select_n3A_89, %lt3A_98 : i32
    %ne3A_100 = vector.broadcast %lt3A_99 : i1 to vector<16xi1>
    %ne3A_101 = vector.broadcast %ne3A_100 : vector<16xi1> to vector<16xi1>
    %ne3A_102 = arith.xori %lt3A_97, %ne3A_101 : vector<16xi1>
    %and3A_103 = arith.andi %ne3A_102, %ne3A_94 : vector<16xi1>
    %add3A_104 = vector.broadcast %select_n3A_89 : i32 to vector<16xi32>
    %add3A_105 = arith.addi %rem3A_91, %add3A_104 : vector<16xi32>
    %select_n3A_106 = arith.select %and3A_103, %add3A_105, %rem3A_91 : vector<16xi1>, vector<16xi32>
    %select_n3A_107 = arith.select %ge3A_68, %sub3A_84, %select_n3A_106 : vector<16xi1>, vector<16xi32>
    %swap3A_108 = arith.constant 16 : index
    %swap3A_109 = tpu.vector_load %arg8[%swap3A_108] {strides = array<i32>} : memref<512xi32, #tpu.memory_space<vmem>>, vector<16xi32>,
    %swap3A_110 = vector.shape_cast %swap3A_109 : vector<16xi32> to vector<16xi32>
    %swap3A_111 = vector.shape_cast %select_n3A_107 : vector<16xi32> to vector<16xi32>
    tpu.vector_store %arg8[%swap3A_108], %swap3A_111 {strides = array<i32>} : memref<512xi32, #tpu.memory_space<vmem>>, vector<16xi32>,
    %add3A_112 = arith.constant 16 : i32
    %add3A_113 = arith.addi %mul3A_4, %add3A_112 : i32
    %add3A_114 = vector.broadcast %add3A_113 : i32 to vector<16xi32>
    %add3A_115 = arith.addi %add3A_114, %iota3A : vector<16xi32>
    %add3A_116 = arith.constant 16 : i32
    %add3A_117 = vector.broadcast %add3A_116 : i32 to vector<16xi32>
    %add3A_118 = arith.addi %add3A_117, %iota3A : vector<16xi32>
    %add3A_119 = arith.constant 8192 : i32
    %add3A_120 = vector.broadcast %add3A_119 : i32 to vector<16xi32>
    %add3A_121 = arith.addi %add3A_120, %add3A_118 : vector<16xi32>
    %select_n3A_122 = arith.select %ge3A_68, %add3A_121, %add3A_115 : vector<16xi1>, vector<16xi32>
    %swap3A_123 = arith.constant 16 : index
    %swap3A_124 = tpu.vector_load %arg9[%swap3A_123] {strides = array<i32>} : memref<512xi32, #tpu.memory_space<vmem>>, vector<16xi32>,
    %swap3A_125 = vector.shape_cast %swap3A_124 : vector<16xi32> to vector<16xi32>
    %swap3A_126 = vector.shape_cast %select_n3A_122 : vector<16xi32> to vector<16xi32>
    tpu.vector_store %arg9[%swap3A_123], %swap3A_126 {strides = array<i32>} : memref<512xi32, #tpu.memory_space<vmem>>, vector<16xi32>,
    %select_n3A_127 = arith.select %ge3A_68, %add3A_115, %add3A_121 : vector<16xi1>, vector<16xi32>
    %swap3A_128 = arith.constant 16 : index
    %swap3A_129 = tpu.vector_load %arg10[%swap3A_128] {strides = array<i32>} : memref<512xi32, #tpu.memory_space<vmem>>, vector<16xi32>,
    %swap3A_130 = vector.shape_cast %swap3A_129 : vector<16xi32> to vector<16xi32>
    %swap3A_131 = vector.shape_cast %select_n3A_127 : vector<16xi32> to vector<16xi32>
    tpu.vector_store %arg10[%swap3A_128], %swap3A_131 {strides = array<i32>} : memref<512xi32, #tpu.memory_space<vmem>>, vector<16xi32>,
    %get3A_132 = arith.constant 32 : index
    %get3A_133 = tpu.vector_load %arg6[%get3A_132] {strides = array<i32>} : memref<512xi32, #tpu.memory_space<vmem>>, vector<16xi32>,
    %get3A_134 = vector.shape_cast %get3A_133 : vector<16xi32> to vector<16xi32>
    %ge3A_135 = arith.constant 900000 : i32
    %ge3A_136 = vector.broadcast %ge3A_135 : i32 to vector<16xi32>
    %ge3A_137 = arith.cmpi sge, %get3A_134, %ge3A_136 : vector<16xi32>
    %mul3A_138 = arith.constant 32 : i32
    %mul3A_139 = arith.muli %arg1, %mul3A_138 : i32
    %add3A_140 = arith.constant 2 : i32
    %add3A_141 = arith.addi %mul3A_139, %add3A_140 : i32
    %mul3A_142 = arith.constant 16 : i32
    %mul3A_143 = arith.muli %add3A_141, %mul3A_142 : i32
    %add3A_144 = vector.broadcast %mul3A_143 : i32 to vector<16xi32>
    %add3A_145 = arith.addi %add3A_144, %iota3A : vector<16xi32>
    %select_n3A_146 = arith.select %ge3A_137, %add3A_145, %get3A_134 : vector<16xi1>, vector<16xi32>
    %swap3A_147 = arith.constant 32 : index
    %swap3A_148 = tpu.vector_load %arg7[%swap3A_147] {strides = array<i32>} : memref<512xi32, #tpu.memory_space<vmem>>, vector<16xi32>,
    %swap3A_149 = vector.shape_cast %swap3A_148 : vector<16xi32> to vector<16xi32>
    %swap3A_150 = vector.shape_cast %select_n3A_146 : vector<16xi32> to vector<16xi32>
    tpu.vector_store %arg7[%swap3A_147], %swap3A_150 {strides = array<i32>} : memref<512xi32, #tpu.memory_space<vmem>>, vector<16xi32>,
    %sub3A_151 = arith.constant 900000 : i32
    %sub3A_152 = vector.broadcast %sub3A_151 : i32 to vector<16xi32>
    %sub3A_153 = arith.subi %get3A_134, %sub3A_152 : vector<16xi32>
    %jit3A_154 = arith.constant 100000 : i32
    %eq3A_155 = arith.constant 0 : i32
    %eq3A_156 = arith.cmpi eq, %jit3A_154, %eq3A_155 : i32
    %jit3A_157 = arith.constant 1 : i32
    %select_n3A_158 = arith.select %eq3A_156, %jit3A_157, %jit3A_154 : i32
    %rem3A_159 = vector.broadcast %select_n3A_158 : i32 to vector<16xi32>
    %rem3A_160 = arith.remsi %add3A_145, %rem3A_159 : vector<16xi32>
    %ne3A_161 = arith.constant 0 : i32
    %ne3A_162 = vector.broadcast %ne3A_161 : i32 to vector<16xi32>
    %ne3A_163 = arith.cmpi ne, %rem3A_160, %ne3A_162 : vector<16xi32>
    %lt3A_164 = arith.constant 0 : i32
    %lt3A_165 = vector.broadcast %lt3A_164 : i32 to vector<16xi32>
    %lt3A_166 = arith.cmpi slt, %rem3A_160, %lt3A_165 : vector<16xi32>
    %lt3A_167 = arith.constant 0 : i32
    %lt3A_168 = arith.cmpi slt, %select_n3A_158, %lt3A_167 : i32
    %ne3A_169 = vector.broadcast %lt3A_168 : i1 to vector<16xi1>
    %ne3A_170 = vector.broadcast %ne3A_169 : vector<16xi1> to vector<16xi1>
    %ne3A_171 = arith.xori %lt3A_166, %ne3A_170 : vector<16xi1>
    %and3A_172 = arith.andi %ne3A_171, %ne3A_163 : vector<16xi1>
    %add3A_173 = vector.broadcast %select_n3A_158 : i32 to vector<16xi32>
    %add3A_174 = arith.addi %rem3A_160, %add3A_173 : vector<16xi32>
    %select_n3A_175 = arith.select %and3A_172, %add3A_174, %rem3A_160 : vector<16xi1>, vector<16xi32>
    %select_n3A_176 = arith.select %ge3A_137, %sub3A_153, %select_n3A_175 : vector<16xi1>, vector<16xi32>
    %swap3A_177 = arith.constant 32 : index
    %swap3A_178 = tpu.vector_load %arg8[%swap3A_177] {strides = array<i32>} : memref<512xi32, #tpu.memory_space<vmem>>, vector<16xi32>,
    %swap3A_179 = vector.shape_cast %swap3A_178 : vector<16xi32> to vector<16xi32>
    %swap3A_180 = vector.shape_cast %select_n3A_176 : vector<16xi32> to vector<16xi32>
    tpu.vector_store %arg8[%swap3A_177], %swap3A_180 {strides = array<i32>} : memref<512xi32, #tpu.memory_space<vmem>>, vector<16xi32>,
    %add3A_181 = arith.constant 32 : i32
    %add3A_182 = arith.addi %mul3A_4, %add3A_181 : i32
    %add3A_183 = vector.broadcast %add3A_182 : i32 to vector<16xi32>
    %add3A_184 = arith.addi %add3A_183, %iota3A : vector<16xi32>
    %add3A_185 = arith.constant 32 : i32
    %add3A_186 = vector.broadcast %add3A_185 : i32 to vector<16xi32>
    %add3A_187 = arith.addi %add3A_186, %iota3A : vector<16xi32>
    %add3A_188 = arith.constant 8192 : i32
    %add3A_189 = vector.broadcast %add3A_188 : i32 to vector<16xi32>
    %add3A_190 = arith.addi %add3A_189, %add3A_187 : vector<16xi32>
    %select_n3A_191 = arith.select %ge3A_137, %add3A_190, %add3A_184 : vector<16xi1>, vector<16xi32>
    %swap3A_192 = arith.constant 32 : index
    %swap3A_193 = tpu.vector_load %arg9[%swap3A_192] {strides = array<i32>} : memref<512xi32, #tpu.memory_space<vmem>>, vector<16xi32>,
    %swap3A_194 = vector.shape_cast %swap3A_193 : vector<16xi32> to vector<16xi32>
    %swap3A_195 = vector.shape_cast %select_n3A_191 : vector<16xi32> to vector<16xi32>
    tpu.vector_store %arg9[%swap3A_192], %swap3A_195 {strides = array<i32>} : memref<512xi32, #tpu.memory_space<vmem>>, vector<16xi32>,
    %select_n3A_196 = arith.select %ge3A_137, %add3A_184, %add3A_190 : vector<16xi1>, vector<16xi32>
    %swap3A_197 = arith.constant 32 : index
    %swap3A_198 = tpu.vector_load %arg10[%swap3A_197] {strides = array<i32>} : memref<512xi32, #tpu.memory_space<vmem>>, vector<16xi32>,
    %swap3A_199 = vector.shape_cast %swap3A_198 : vector<16xi32> to vector<16xi32>
    %swap3A_200 = vector.shape_cast %select_n3A_196 : vector<16xi32> to vector<16xi32>
    tpu.vector_store %arg10[%swap3A_197], %swap3A_200 {strides = array<i32>} : memref<512xi32, #tpu.memory_space<vmem>>, vector<16xi32>,
    %get3A_201 = arith.constant 48 : index
    %get3A_202 = tpu.vector_load %arg6[%get3A_201] {strides = array<i32>} : memref<512xi32, #tpu.memory_space<vmem>>, vector<16xi32>,
    %get3A_203 = vector.shape_cast %get3A_202 : vector<16xi32> to vector<16xi32>
    %ge3A_204 = arith.constant 900000 : i32
    %ge3A_205 = vector.broadcast %ge3A_204 : i32 to vector<16xi32>
    %ge3A_206 = arith.cmpi sge, %get3A_203, %ge3A_205 : vector<16xi32>
    %mul3A_207 = arith.constant 32 : i32
    %mul3A_208 = arith.muli %arg1, %mul3A_207 : i32
    %add3A_209 = arith.constant 3 : i32
    %add3A_210 = arith.addi %mul3A_208, %add3A_209 : i32
    %mul3A_211 = arith.constant 16 : i32
    %mul3A_212 = arith.muli %add3A_210, %mul3A_211 : i32
    %add3A_213 = vector.broadcast %mul3A_212 : i32 to vector<16xi32>
    %add3A_214 = arith.addi %add3A_213, %iota3A : vector<16xi32>
    %select_n3A_215 = arith.select %ge3A_206, %add3A_214, %get3A_203 : vector<16xi1>, vector<16xi32>
    %swap3A_216 = arith.constant 48 : index
    %swap3A_217 = tpu.vector_load %arg7[%swap3A_216] {strides = array<i32>} : memref<512xi32, #tpu.memory_space<vmem>>, vector<16xi32>,
    %swap3A_218 = vector.shape_cast %swap3A_217 : vector<16xi32> to vector<16xi32>
    %swap3A_219 = vector.shape_cast %select_n3A_215 : vector<16xi32> to vector<16xi32>
    tpu.vector_store %arg7[%swap3A_216], %swap3A_219 {strides = array<i32>} : memref<512xi32, #tpu.memory_space<vmem>>, vector<16xi32>,
    %sub3A_220 = arith.constant 900000 : i32
    %sub3A_221 = vector.broadcast %sub3A_220 : i32 to vector<16xi32>
    %sub3A_222 = arith.subi %get3A_203, %sub3A_221 : vector<16xi32>
    %jit3A_223 = arith.constant 100000 : i32
    %eq3A_224 = arith.constant 0 : i32
    %eq3A_225 = arith.cmpi eq, %jit3A_223, %eq3A_224 : i32
    %jit3A_226 = arith.constant 1 : i32
    %select_n3A_227 = arith.select %eq3A_225, %jit3A_226, %jit3A_223 : i32
    %rem3A_228 = vector.broadcast %select_n3A_227 : i32 to vector<16xi32>
    %rem3A_229 = arith.remsi %add3A_214, %rem3A_228 : vector<16xi32>
    %ne3A_230 = arith.constant 0 : i32
    %ne3A_231 = vector.broadcast %ne3A_230 : i32 to vector<16xi32>
    %ne3A_232 = arith.cmpi ne, %rem3A_229, %ne3A_231 : vector<16xi32>
    %lt3A_233 = arith.constant 0 : i32
    %lt3A_234 = vector.broadcast %lt3A_233 : i32 to vector<16xi32>
    %lt3A_235 = arith.cmpi slt, %rem3A_229, %lt3A_234 : vector<16xi32>
    %lt3A_236 = arith.constant 0 : i32
    %lt3A_237 = arith.cmpi slt, %select_n3A_227, %lt3A_236 : i32
    %ne3A_238 = vector.broadcast %lt3A_237 : i1 to vector<16xi1>
    %ne3A_239 = vector.broadcast %ne3A_238 : vector<16xi1> to vector<16xi1>
    %ne3A_240 = arith.xori %lt3A_235, %ne3A_239 : vector<16xi1>
    %and3A_241 = arith.andi %ne3A_240, %ne3A_232 : vector<16xi1>
    %add3A_242 = vector.broadcast %select_n3A_227 : i32 to vector<16xi32>
    %add3A_243 = arith.addi %rem3A_229, %add3A_242 : vector<16xi32>
    %select_n3A_244 = arith.select %and3A_241, %add3A_243, %rem3A_229 : vector<16xi1>, vector<16xi32>
    %select_n3A_245 = arith.select %ge3A_206, %sub3A_222, %select_n3A_244 : vector<16xi1>, vector<16xi32>
    %swap3A_246 = arith.constant 48 : index
    %swap3A_247 = tpu.vector_load %arg8[%swap3A_246] {strides = array<i32>} : memref<512xi32, #tpu.memory_space<vmem>>, vector<16xi32>,
    %swap3A_248 = vector.shape_cast %swap3A_247 : vector<16xi32> to vector<16xi32>
    %swap3A_249 = vector.shape_cast %select_n3A_245 : vector<16xi32> to vector<16xi32>
    tpu.vector_store %arg8[%swap3A_246], %swap3A_249 {strides = array<i32>} : memref<512xi32, #tpu.memory_space<vmem>>, vector<16xi32>,
    %add3A_250 = arith.constant 48 : i32
    %add3A_251 = arith.addi %mul3A_4, %add3A_250 : i32
    %add3A_252 = vector.broadcast %add3A_251 : i32 to vector<16xi32>
    %add3A_253 = arith.addi %add3A_252, %iota3A : vector<16xi32>
    %add3A_254 = arith.constant 48 : i32
    %add3A_255 = vector.broadcast %add3A_254 : i32 to vector<16xi32>
    %add3A_256 = arith.addi %add3A_255, %iota3A : vector<16xi32>
    %add3A_257 = arith.constant 8192 : i32
    %add3A_258 = vector.broadcast %add3A_257 : i32 to vector<16xi32>
    %add3A_259 = arith.addi %add3A_258, %add3A_256 : vector<16xi32>
    %select_n3A_260 = arith.select %ge3A_206, %add3A_259, %add3A_253 : vector<16xi1>, vector<16xi32>
    %swap3A_261 = arith.constant 48 : index
    %swap3A_262 = tpu.vector_load %arg9[%swap3A_261] {strides = array<i32>} : memref<512xi32, #tpu.memory_space<vmem>>, vector<16xi32>,
    %swap3A_263 = vector.shape_cast %swap3A_262 : vector<16xi32> to vector<16xi32>
    %swap3A_264 = vector.shape_cast %select_n3A_260 : vector<16xi32> to vector<16xi32>
    tpu.vector_store %arg9[%swap3A_261], %swap3A_264 {strides = array<i32>} : memref<512xi32, #tpu.memory_space<vmem>>, vector<16xi32>,
    %select_n3A_265 = arith.select %ge3A_206, %add3A_253, %add3A_259 : vector<16xi1>, vector<16xi32>
    %swap3A_266 = arith.constant 48 : index
    %swap3A_267 = tpu.vector_load %arg10[%swap3A_266] {strides = array<i32>} : memref<512xi32, #tpu.memory_space<vmem>>, vector<16xi32>,
    %swap3A_268 = vector.shape_cast %swap3A_267 : vector<16xi32> to vector<16xi32>
    %swap3A_269 = vector.shape_cast %select_n3A_265 : vector<16xi32> to vector<16xi32>
    tpu.vector_store %arg10[%swap3A_266], %swap3A_269 {strides = array<i32>} : memref<512xi32, #tpu.memory_space<vmem>>, vector<16xi32>,
    %get3A_270 = arith.constant 64 : index
    %get3A_271 = tpu.vector_load %arg6[%get3A_270] {strides = array<i32>} : memref<512xi32, #tpu.memory_space<vmem>>, vector<16xi32>,
    %get3A_272 = vector.shape_cast %get3A_271 : vector<16xi32> to vector<16xi32>
    %ge3A_273 = arith.constant 900000 : i32
    %ge3A_274 = vector.broadcast %ge3A_273 : i32 to vector<16xi32>
    %ge3A_275 = arith.cmpi sge, %get3A_272, %ge3A_274 : vector<16xi32>
    %mul3A_276 = arith.constant 32 : i32
    %mul3A_277 = arith.muli %arg1, %mul3A_276 : i32
    %add3A_278 = arith.constant 4 : i32
    %add3A_279 = arith.addi %mul3A_277, %add3A_278 : i32
    %mul3A_280 = arith.constant 16 : i32
    %mul3A_281 = arith.muli %add3A_279, %mul3A_280 : i32
    %add3A_282 = vector.broadcast %mul3A_281 : i32 to vector<16xi32>
    %add3A_283 = arith.addi %add3A_282, %iota3A : vector<16xi32>
    %select_n3A_284 = arith.select %ge3A_275, %add3A_283, %get3A_272 : vector<16xi1>, vector<16xi32>
    %swap3A_285 = arith.constant 64 : index
    %swap3A_286 = tpu.vector_load %arg7[%swap3A_285] {strides = array<i32>} : memref<512xi32, #tpu.memory_space<vmem>>, vector<16xi32>,
    %swap3A_287 = vector.shape_cast %swap3A_286 : vector<16xi32> to vector<16xi32>
    %swap3A_288 = vector.shape_cast %select_n3A_284 : vector<16xi32> to vector<16xi32>
    tpu.vector_store %arg7[%swap3A_285], %swap3A_288 {strides = array<i32>} : memref<512xi32, #tpu.memory_space<vmem>>, vector<16xi32>,
    %sub3A_289 = arith.constant 900000 : i32
    %sub3A_290 = vector.broadcast %sub3A_289 : i32 to vector<16xi32>
    %sub3A_291 = arith.subi %get3A_272, %sub3A_290 : vector<16xi32>
    %jit3A_292 = arith.constant 100000 : i32
    %eq3A_293 = arith.constant 0 : i32
    %eq3A_294 = arith.cmpi eq, %jit3A_292, %eq3A_293 : i32
    %jit3A_295 = arith.constant 1 : i32
    %select_n3A_296 = arith.select %eq3A_294, %jit3A_295, %jit3A_292 : i32
    %rem3A_297 = vector.broadcast %select_n3A_296 : i32 to vector<16xi32>
    %rem3A_298 = arith.remsi %add3A_283, %rem3A_297 : vector<16xi32>
    %ne3A_299 = arith.constant 0 : i32
    %ne3A_300 = vector.broadcast %ne3A_299 : i32 to vector<16xi32>
    %ne3A_301 = arith.cmpi ne, %rem3A_298, %ne3A_300 : vector<16xi32>
    %lt3A_302 = arith.constant 0 : i32
    %lt3A_303 = vector.broadcast %lt3A_302 : i32 to vector<16xi32>
    %lt3A_304 = arith.cmpi slt, %rem3A_298, %lt3A_303 : vector<16xi32>
    %lt3A_305 = arith.constant 0 : i32
    %lt3A_306 = arith.cmpi slt, %select_n3A_296, %lt3A_305 : i32
    %ne3A_307 = vector.broadcast %lt3A_306 : i1 to vector<16xi1>
    %ne3A_308 = vector.broadcast %ne3A_307 : vector<16xi1> to vector<16xi1>
    %ne3A_309 = arith.xori %lt3A_304, %ne3A_308 : vector<16xi1>
    %and3A_310 = arith.andi %ne3A_309, %ne3A_301 : vector<16xi1>
    %add3A_311 = vector.broadcast %select_n3A_296 : i32 to vector<16xi32>
    %add3A_312 = arith.addi %rem3A_298, %add3A_311 : vector<16xi32>
    %select_n3A_313 = arith.select %and3A_310, %add3A_312, %rem3A_298 : vector<16xi1>, vector<16xi32>
    %select_n3A_314 = arith.select %ge3A_275, %sub3A_291, %select_n3A_313 : vector<16xi1>, vector<16xi32>
    %swap3A_315 = arith.constant 64 : index
    %swap3A_316 = tpu.vector_load %arg8[%swap3A_315] {strides = array<i32>} : memref<512xi32, #tpu.memory_space<vmem>>, vector<16xi32>,
    %swap3A_317 = vector.shape_cast %swap3A_316 : vector<16xi32> to vector<16xi32>
    %swap3A_318 = vector.shape_cast %select_n3A_314 : vector<16xi32> to vector<16xi32>
    tpu.vector_store %arg8[%swap3A_315], %swap3A_318 {strides = array<i32>} : memref<512xi32, #tpu.memory_space<vmem>>, vector<16xi32>,
    %add3A_319 = arith.constant 64 : i32
    %add3A_320 = arith.addi %mul3A_4, %add3A_319 : i32
    %add3A_321 = vector.broadcast %add3A_320 : i32 to vector<16xi32>
    %add3A_322 = arith.addi %add3A_321, %iota3A : vector<16xi32>
    %add3A_323 = arith.constant 64 : i32
    %add3A_324 = vector.broadcast %add3A_323 : i32 to vector<16xi32>
    %add3A_325 = arith.addi %add3A_324, %iota3A : vector<16xi32>
    %add3A_326 = arith.constant 8192 : i32
    %add3A_327 = vector.broadcast %add3A_326 : i32 to vector<16xi32>
    %add3A_328 = arith.addi %add3A_327, %add3A_325 : vector<16xi32>
    %select_n3A_329 = arith.select %ge3A_275, %add3A_328, %add3A_322 : vector<16xi1>, vector<16xi32>
    %swap3A_330 = arith.constant 64 : index
    %swap3A_331 = tpu.vector_load %arg9[%swap3A_330] {strides = array<i32>} : memref<512xi32, #tpu.memory_space<vmem>>, vector<16xi32>,
    %swap3A_332 = vector.shape_cast %swap3A_331 : vector<16xi32> to vector<16xi32>
    %swap3A_333 = vector.shape_cast %select_n3A_329 : vector<16xi32> to vector<16xi32>
    tpu.vector_store %arg9[%swap3A_330], %swap3A_333 {strides = array<i32>} : memref<512xi32, #tpu.memory_space<vmem>>, vector<16xi32>,
    %select_n3A_334 = arith.select %ge3A_275, %add3A_322, %add3A_328 : vector<16xi1>, vector<16xi32>
    %swap3A_335 = arith.constant 64 : index
    %swap3A_336 = tpu.vector_load %arg10[%swap3A_335] {strides = array<i32>} : memref<512xi32, #tpu.memory_space<vmem>>, vector<16xi32>,
    %swap3A_337 = vector.shape_cast %swap3A_336 : vector<16xi32> to vector<16xi32>
    %swap3A_338 = vector.shape_cast %select_n3A_334 : vector<16xi32> to vector<16xi32>
    tpu.vector_store %arg10[%swap3A_335], %swap3A_338 {strides = array<i32>} : memref<512xi32, #tpu.memory_space<vmem>>, vector<16xi32>,
    %get3A_339 = arith.constant 80 : index
    %get3A_340 = tpu.vector_load %arg6[%get3A_339] {strides = array<i32>} : memref<512xi32, #tpu.memory_space<vmem>>, vector<16xi32>,
    %get3A_341 = vector.shape_cast %get3A_340 : vector<16xi32> to vector<16xi32>
    %ge3A_342 = arith.constant 900000 : i32
    %ge3A_343 = vector.broadcast %ge3A_342 : i32 to vector<16xi32>
    %ge3A_344 = arith.cmpi sge, %get3A_341, %ge3A_343 : vector<16xi32>
    %mul3A_345 = arith.constant 32 : i32
    %mul3A_346 = arith.muli %arg1, %mul3A_345 : i32
    %add3A_347 = arith.constant 5 : i32
    %add3A_348 = arith.addi %mul3A_346, %add3A_347 : i32
    %mul3A_349 = arith.constant 16 : i32
    %mul3A_350 = arith.muli %add3A_348, %mul3A_349 : i32
    %add3A_351 = vector.broadcast %mul3A_350 : i32 to vector<16xi32>
    %add3A_352 = arith.addi %add3A_351, %iota3A : vector<16xi32>
    %select_n3A_353 = arith.select %ge3A_344, %add3A_352, %get3A_341 : vector<16xi1>, vector<16xi32>
    %swap3A_354 = arith.constant 80 : index
    %swap3A_355 = tpu.vector_load %arg7[%swap3A_354] {strides = array<i32>} : memref<512xi32, #tpu.memory_space<vmem>>, vector<16xi32>,
    %swap3A_356 = vector.shape_cast %swap3A_355 : vector<16xi32> to vector<16xi32>
    %swap3A_357 = vector.shape_cast %select_n3A_353 : vector<16xi32> to vector<16xi32>
    tpu.vector_store %arg7[%swap3A_354], %swap3A_357 {strides = array<i32>} : memref<512xi32, #tpu.memory_space<vmem>>, vector<16xi32>,
    %sub3A_358 = arith.constant 900000 : i32
    %sub3A_359 = vector.broadcast %sub3A_358 : i32 to vector<16xi32>
    %sub3A_360 = arith.subi %get3A_341, %sub3A_359 : vector<16xi32>
    %jit3A_361 = arith.constant 100000 : i32
    %eq3A_362 = arith.constant 0 : i32
    %eq3A_363 = arith.cmpi eq, %jit3A_361, %eq3A_362 : i32
    %jit3A_364 = arith.constant 1 : i32
    %select_n3A_365 = arith.select %eq3A_363, %jit3A_364, %jit3A_361 : i32
    %rem3A_366 = vector.broadcast %select_n3A_365 : i32 to vector<16xi32>
    %rem3A_367 = arith.remsi %add3A_352, %rem3A_366 : vector<16xi32>
    %ne3A_368 = arith.constant 0 : i32
    %ne3A_369 = vector.broadcast %ne3A_368 : i32 to vector<16xi32>
    %ne3A_370 = arith.cmpi ne, %rem3A_367, %ne3A_369 : vector<16xi32>
    %lt3A_371 = arith.constant 0 : i32
    %lt3A_372 = vector.broadcast %lt3A_371 : i32 to vector<16xi32>
    %lt3A_373 = arith.cmpi slt, %rem3A_367, %lt3A_372 : vector<16xi32>
    %lt3A_374 = arith.constant 0 : i32
    %lt3A_375 = arith.cmpi slt, %select_n3A_365, %lt3A_374 : i32
    %ne3A_376 = vector.broadcast %lt3A_375 : i1 to vector<16xi1>
    %ne3A_377 = vector.broadcast %ne3A_376 : vector<16xi1> to vector<16xi1>
    %ne3A_378 = arith.xori %lt3A_373, %ne3A_377 : vector<16xi1>
    %and3A_379 = arith.andi %ne3A_378, %ne3A_370 : vector<16xi1>
    %add3A_380 = vector.broadcast %select_n3A_365 : i32 to vector<16xi32>
    %add3A_381 = arith.addi %rem3A_367, %add3A_380 : vector<16xi32>
    %select_n3A_382 = arith.select %and3A_379, %add3A_381, %rem3A_367 : vector<16xi1>, vector<16xi32>
    %select_n3A_383 = arith.select %ge3A_344, %sub3A_360, %select_n3A_382 : vector<16xi1>, vector<16xi32>
    %swap3A_384 = arith.constant 80 : index
    %swap3A_385 = tpu.vector_load %arg8[%swap3A_384] {strides = array<i32>} : memref<512xi32, #tpu.memory_space<vmem>>, vector<16xi32>,
    %swap3A_386 = vector.shape_cast %swap3A_385 : vector<16xi32> to vector<16xi32>
    %swap3A_387 = vector.shape_cast %select_n3A_383 : vector<16xi32> to vector<16xi32>
    tpu.vector_store %arg8[%swap3A_384], %swap3A_387 {strides = array<i32>} : memref<512xi32, #tpu.memory_space<vmem>>, vector<16xi32>,
    %add3A_388 = arith.constant 80 : i32
    %add3A_389 = arith.addi %mul3A_4, %add3A_388 : i32
    %add3A_390 = vector.broadcast %add3A_389 : i32 to vector<16xi32>
    %add3A_391 = arith.addi %add3A_390, %iota3A : vector<16xi32>
    %add3A_392 = arith.constant 80 : i32
    %add3A_393 = vector.broadcast %add3A_392 : i32 to vector<16xi32>
    %add3A_394 = arith.addi %add3A_393, %iota3A : vector<16xi32>
    %add3A_395 = arith.constant 8192 : i32
    %add3A_396 = vector.broadcast %add3A_395 : i32 to vector<16xi32>
    %add3A_397 = arith.addi %add3A_396, %add3A_394 : vector<16xi32>
    %select_n3A_398 = arith.select %ge3A_344, %add3A_397, %add3A_391 : vector<16xi1>, vector<16xi32>
    %swap3A_399 = arith.constant 80 : index
    %swap3A_400 = tpu.vector_load %arg9[%swap3A_399] {strides = array<i32>} : memref<512xi32, #tpu.memory_space<vmem>>, vector<16xi32>,
    %swap3A_401 = vector.shape_cast %swap3A_400 : vector<16xi32> to vector<16xi32>
    %swap3A_402 = vector.shape_cast %select_n3A_398 : vector<16xi32> to vector<16xi32>
    tpu.vector_store %arg9[%swap3A_399], %swap3A_402 {strides = array<i32>} : memref<512xi32, #tpu.memory_space<vmem>>, vector<16xi32>,
    %select_n3A_403 = arith.select %ge3A_344, %add3A_391, %add3A_397 : vector<16xi1>, vector<16xi32>
    %swap3A_404 = arith.constant 80 : index
    %swap3A_405 = tpu.vector_load %arg10[%swap3A_404] {strides = array<i32>} : memref<512xi32, #tpu.memory_space<vmem>>, vector<16xi32>,
    %swap3A_406 = vector.shape_cast %swap3A_405 : vector<16xi32> to vector<16xi32>
    %swap3A_407 = vector.shape_cast %select_n3A_403 : vector<16xi32> to vector<16xi32>
    tpu.vector_store %arg10[%swap3A_404], %swap3A_407 {strides = array<i32>} : memref<512xi32, #tpu.memory_space<vmem>>, vector<16xi32>,
    %get3A_408 = arith.constant 96 : index
    %get3A_409 = tpu.vector_load %arg6[%get3A_408] {strides = array<i32>} : memref<512xi32, #tpu.memory_space<vmem>>, vector<16xi32>,
    %get3A_410 = vector.shape_cast %get3A_409 : vector<16xi32> to vector<16xi32>
    %ge3A_411 = arith.constant 900000 : i32
    %ge3A_412 = vector.broadcast %ge3A_411 : i32 to vector<16xi32>
    %ge3A_413 = arith.cmpi sge, %get3A_410, %ge3A_412 : vector<16xi32>
    %mul3A_414 = arith.constant 32 : i32
    %mul3A_415 = arith.muli %arg1, %mul3A_414 : i32
    %add3A_416 = arith.constant 6 : i32
    %add3A_417 = arith.addi %mul3A_415, %add3A_416 : i32
    %mul3A_418 = arith.constant 16 : i32
    %mul3A_419 = arith.muli %add3A_417, %mul3A_418 : i32
    %add3A_420 = vector.broadcast %mul3A_419 : i32 to vector<16xi32>
    %add3A_421 = arith.addi %add3A_420, %iota3A : vector<16xi32>
    %select_n3A_422 = arith.select %ge3A_413, %add3A_421, %get3A_410 : vector<16xi1>, vector<16xi32>
    %swap3A_423 = arith.constant 96 : index
    %swap3A_424 = tpu.vector_load %arg7[%swap3A_423] {strides = array<i32>} : memref<512xi32, #tpu.memory_space<vmem>>, vector<16xi32>,
    %swap3A_425 = vector.shape_cast %swap3A_424 : vector<16xi32> to vector<16xi32>
    %swap3A_426 = vector.shape_cast %select_n3A_422 : vector<16xi32> to vector<16xi32>
    tpu.vector_store %arg7[%swap3A_423], %swap3A_426 {strides = array<i32>} : memref<512xi32, #tpu.memory_space<vmem>>, vector<16xi32>,
    %sub3A_427 = arith.constant 900000 : i32
    %sub3A_428 = vector.broadcast %sub3A_427 : i32 to vector<16xi32>
    %sub3A_429 = arith.subi %get3A_410, %sub3A_428 : vector<16xi32>
    %jit3A_430 = arith.constant 100000 : i32
    %eq3A_431 = arith.constant 0 : i32
    %eq3A_432 = arith.cmpi eq, %jit3A_430, %eq3A_431 : i32
    %jit3A_433 = arith.constant 1 : i32
    %select_n3A_434 = arith.select %eq3A_432, %jit3A_433, %jit3A_430 : i32
    %rem3A_435 = vector.broadcast %select_n3A_434 : i32 to vector<16xi32>
    %rem3A_436 = arith.remsi %add3A_421, %rem3A_435 : vector<16xi32>
    %ne3A_437 = arith.constant 0 : i32
    %ne3A_438 = vector.broadcast %ne3A_437 : i32 to vector<16xi32>
    %ne3A_439 = arith.cmpi ne, %rem3A_436, %ne3A_438 : vector<16xi32>
    %lt3A_440 = arith.constant 0 : i32
    %lt3A_441 = vector.broadcast %lt3A_440 : i32 to vector<16xi32>
    %lt3A_442 = arith.cmpi slt, %rem3A_436, %lt3A_441 : vector<16xi32>
    %lt3A_443 = arith.constant 0 : i32
    %lt3A_444 = arith.cmpi slt, %select_n3A_434, %lt3A_443 : i32
    %ne3A_445 = vector.broadcast %lt3A_444 : i1 to vector<16xi1>
    %ne3A_446 = vector.broadcast %ne3A_445 : vector<16xi1> to vector<16xi1>
    %ne3A_447 = arith.xori %lt3A_442, %ne3A_446 : vector<16xi1>
    %and3A_448 = arith.andi %ne3A_447, %ne3A_439 : vector<16xi1>
    %add3A_449 = vector.broadcast %select_n3A_434 : i32 to vector<16xi32>
    %add3A_450 = arith.addi %rem3A_436, %add3A_449 : vector<16xi32>
    %select_n3A_451 = arith.select %and3A_448, %add3A_450, %rem3A_436 : vector<16xi1>, vector<16xi32>
    %select_n3A_452 = arith.select %ge3A_413, %sub3A_429, %select_n3A_451 : vector<16xi1>, vector<16xi32>
    %swap3A_453 = arith.constant 96 : index
    %swap3A_454 = tpu.vector_load %arg8[%swap3A_453] {strides = array<i32>} : memref<512xi32, #tpu.memory_space<vmem>>, vector<16xi32>,
    %swap3A_455 = vector.shape_cast %swap3A_454 : vector<16xi32> to vector<16xi32>
    %swap3A_456 = vector.shape_cast %select_n3A_452 : vector<16xi32> to vector<16xi32>
    tpu.vector_store %arg8[%swap3A_453], %swap3A_456 {strides = array<i32>} : memref<512xi32, #tpu.memory_space<vmem>>, vector<16xi32>,
    %add3A_457 = arith.constant 96 : i32
    %add3A_458 = arith.addi %mul3A_4, %add3A_457 : i32
    %add3A_459 = vector.broadcast %add3A_458 : i32 to vector<16xi32>
    %add3A_460 = arith.addi %add3A_459, %iota3A : vector<16xi32>
    %add3A_461 = arith.constant 96 : i32
    %add3A_462 = vector.broadcast %add3A_461 : i32 to vector<16xi32>
    %add3A_463 = arith.addi %add3A_462, %iota3A : vector<16xi32>
    %add3A_464 = arith.constant 8192 : i32
    %add3A_465 = vector.broadcast %add3A_464 : i32 to vector<16xi32>
    %add3A_466 = arith.addi %add3A_465, %add3A_463 : vector<16xi32>
    %select_n3A_467 = arith.select %ge3A_413, %add3A_466, %add3A_460 : vector<16xi1>, vector<16xi32>
    %swap3A_468 = arith.constant 96 : index
    %swap3A_469 = tpu.vector_load %arg9[%swap3A_468] {strides = array<i32>} : memref<512xi32, #tpu.memory_space<vmem>>, vector<16xi32>,
    %swap3A_470 = vector.shape_cast %swap3A_469 : vector<16xi32> to vector<16xi32>
    %swap3A_471 = vector.shape_cast %select_n3A_467 : vector<16xi32> to vector<16xi32>
    tpu.vector_store %arg9[%swap3A_468], %swap3A_471 {strides = array<i32>} : memref<512xi32, #tpu.memory_space<vmem>>, vector<16xi32>,
    %select_n3A_472 = arith.select %ge3A_413, %add3A_460, %add3A_466 : vector<16xi1>, vector<16xi32>
    %swap3A_473 = arith.constant 96 : index
    %swap3A_474 = tpu.vector_load %arg10[%swap3A_473] {strides = array<i32>} : memref<512xi32, #tpu.memory_space<vmem>>, vector<16xi32>,
    %swap3A_475 = vector.shape_cast %swap3A_474 : vector<16xi32> to vector<16xi32>
    %swap3A_476 = vector.shape_cast %select_n3A_472 : vector<16xi32> to vector<16xi32>
    tpu.vector_store %arg10[%swap3A_473], %swap3A_476 {strides = array<i32>} : memref<512xi32, #tpu.memory_space<vmem>>, vector<16xi32>,
    %get3A_477 = arith.constant 112 : index
    %get3A_478 = tpu.vector_load %arg6[%get3A_477] {strides = array<i32>} : memref<512xi32, #tpu.memory_space<vmem>>, vector<16xi32>,
    %get3A_479 = vector.shape_cast %get3A_478 : vector<16xi32> to vector<16xi32>
    %ge3A_480 = arith.constant 900000 : i32
    %ge3A_481 = vector.broadcast %ge3A_480 : i32 to vector<16xi32>
    %ge3A_482 = arith.cmpi sge, %get3A_479, %ge3A_481 : vector<16xi32>
    %mul3A_483 = arith.constant 32 : i32
    %mul3A_484 = arith.muli %arg1, %mul3A_483 : i32
    %add3A_485 = arith.constant 7 : i32
    %add3A_486 = arith.addi %mul3A_484, %add3A_485 : i32
    %mul3A_487 = arith.constant 16 : i32
    %mul3A_488 = arith.muli %add3A_486, %mul3A_487 : i32
    %add3A_489 = vector.broadcast %mul3A_488 : i32 to vector<16xi32>
    %add3A_490 = arith.addi %add3A_489, %iota3A : vector<16xi32>
    %select_n3A_491 = arith.select %ge3A_482, %add3A_490, %get3A_479 : vector<16xi1>, vector<16xi32>
    %swap3A_492 = arith.constant 112 : index
    %swap3A_493 = tpu.vector_load %arg7[%swap3A_492] {strides = array<i32>} : memref<512xi32, #tpu.memory_space<vmem>>, vector<16xi32>,
    %swap3A_494 = vector.shape_cast %swap3A_493 : vector<16xi32> to vector<16xi32>
    %swap3A_495 = vector.shape_cast %select_n3A_491 : vector<16xi32> to vector<16xi32>
    tpu.vector_store %arg7[%swap3A_492], %swap3A_495 {strides = array<i32>} : memref<512xi32, #tpu.memory_space<vmem>>, vector<16xi32>,
    %sub3A_496 = arith.constant 900000 : i32
    %sub3A_497 = vector.broadcast %sub3A_496 : i32 to vector<16xi32>
    %sub3A_498 = arith.subi %get3A_479, %sub3A_497 : vector<16xi32>
    %jit3A_499 = arith.constant 100000 : i32
    %eq3A_500 = arith.constant 0 : i32
    %eq3A_501 = arith.cmpi eq, %jit3A_499, %eq3A_500 : i32
    %jit3A_502 = arith.constant 1 : i32
    %select_n3A_503 = arith.select %eq3A_501, %jit3A_502, %jit3A_499 : i32
    %rem3A_504 = vector.broadcast %select_n3A_503 : i32 to vector<16xi32>
    %rem3A_505 = arith.remsi %add3A_490, %rem3A_504 : vector<16xi32>
    %ne3A_506 = arith.constant 0 : i32
    %ne3A_507 = vector.broadcast %ne3A_506 : i32 to vector<16xi32>
    %ne3A_508 = arith.cmpi ne, %rem3A_505, %ne3A_507 : vector<16xi32>
    %lt3A_509 = arith.constant 0 : i32
    %lt3A_510 = vector.broadcast %lt3A_509 : i32 to vector<16xi32>
    %lt3A_511 = arith.cmpi slt, %rem3A_505, %lt3A_510 : vector<16xi32>
    %lt3A_512 = arith.constant 0 : i32
    %lt3A_513 = arith.cmpi slt, %select_n3A_503, %lt3A_512 : i32
    %ne3A_514 = vector.broadcast %lt3A_513 : i1 to vector<16xi1>
    %ne3A_515 = vector.broadcast %ne3A_514 : vector<16xi1> to vector<16xi1>
    %ne3A_516 = arith.xori %lt3A_511, %ne3A_515 : vector<16xi1>
    %and3A_517 = arith.andi %ne3A_516, %ne3A_508 : vector<16xi1>
    %add3A_518 = vector.broadcast %select_n3A_503 : i32 to vector<16xi32>
    %add3A_519 = arith.addi %rem3A_505, %add3A_518 : vector<16xi32>
    %select_n3A_520 = arith.select %and3A_517, %add3A_519, %rem3A_505 : vector<16xi1>, vector<16xi32>
    %select_n3A_521 = arith.select %ge3A_482, %sub3A_498, %select_n3A_520 : vector<16xi1>, vector<16xi32>
    %swap3A_522 = arith.constant 112 : index
    %swap3A_523 = tpu.vector_load %arg8[%swap3A_522] {strides = array<i32>} : memref<512xi32, #tpu.memory_space<vmem>>, vector<16xi32>,
    %swap3A_524 = vector.shape_cast %swap3A_523 : vector<16xi32> to vector<16xi32>
    %swap3A_525 = vector.shape_cast %select_n3A_521 : vector<16xi32> to vector<16xi32>
    tpu.vector_store %arg8[%swap3A_522], %swap3A_525 {strides = array<i32>} : memref<512xi32, #tpu.memory_space<vmem>>, vector<16xi32>,
    %add3A_526 = arith.constant 112 : i32
    %add3A_527 = arith.addi %mul3A_4, %add3A_526 : i32
    %add3A_528 = vector.broadcast %add3A_527 : i32 to vector<16xi32>
    %add3A_529 = arith.addi %add3A_528, %iota3A : vector<16xi32>
    %add3A_530 = arith.constant 112 : i32
    %add3A_531 = vector.broadcast %add3A_530 : i32 to vector<16xi32>
    %add3A_532 = arith.addi %add3A_531, %iota3A : vector<16xi32>
    %add3A_533 = arith.constant 8192 : i32
    %add3A_534 = vector.broadcast %add3A_533 : i32 to vector<16xi32>
    %add3A_535 = arith.addi %add3A_534, %add3A_532 : vector<16xi32>
    %select_n3A_536 = arith.select %ge3A_482, %add3A_535, %add3A_529 : vector<16xi1>, vector<16xi32>
    %swap3A_537 = arith.constant 112 : index
    %swap3A_538 = tpu.vector_load %arg9[%swap3A_537] {strides = array<i32>} : memref<512xi32, #tpu.memory_space<vmem>>, vector<16xi32>,
    %swap3A_539 = vector.shape_cast %swap3A_538 : vector<16xi32> to vector<16xi32>
    %swap3A_540 = vector.shape_cast %select_n3A_536 : vector<16xi32> to vector<16xi32>
    tpu.vector_store %arg9[%swap3A_537], %swap3A_540 {strides = array<i32>} : memref<512xi32, #tpu.memory_space<vmem>>, vector<16xi32>,
    %select_n3A_541 = arith.select %ge3A_482, %add3A_529, %add3A_535 : vector<16xi1>, vector<16xi32>
    %swap3A_542 = arith.constant 112 : index
    %swap3A_543 = tpu.vector_load %arg10[%swap3A_542] {strides = array<i32>} : memref<512xi32, #tpu.memory_space<vmem>>, vector<16xi32>,
    %swap3A_544 = vector.shape_cast %swap3A_543 : vector<16xi32> to vector<16xi32>
    %swap3A_545 = vector.shape_cast %select_n3A_541 : vector<16xi32> to vector<16xi32>
    tpu.vector_store %arg10[%swap3A_542], %swap3A_545 {strides = array<i32>} : memref<512xi32, #tpu.memory_space<vmem>>, vector<16xi32>,
    %get3A_546 = arith.constant 128 : index
    %get3A_547 = tpu.vector_load %arg6[%get3A_546] {strides = array<i32>} : memref<512xi32, #tpu.memory_space<vmem>>, vector<16xi32>,
    %get3A_548 = vector.shape_cast %get3A_547 : vector<16xi32> to vector<16xi32>
    %ge3A_549 = arith.constant 900000 : i32
    %ge3A_550 = vector.broadcast %ge3A_549 : i32 to vector<16xi32>
    %ge3A_551 = arith.cmpi sge, %get3A_548, %ge3A_550 : vector<16xi32>
    %mul3A_552 = arith.constant 32 : i32
    %mul3A_553 = arith.muli %arg1, %mul3A_552 : i32
    %add3A_554 = arith.constant 8 : i32
    %add3A_555 = arith.addi %mul3A_553, %add3A_554 : i32
    %mul3A_556 = arith.constant 16 : i32
    %mul3A_557 = arith.muli %add3A_555, %mul3A_556 : i32
    %add3A_558 = vector.broadcast %mul3A_557 : i32 to vector<16xi32>
    %add3A_559 = arith.addi %add3A_558, %iota3A : vector<16xi32>
    %select_n3A_560 = arith.select %ge3A_551, %add3A_559, %get3A_548 : vector<16xi1>, vector<16xi32>
    %swap3A_561 = arith.constant 128 : index
    %swap3A_562 = tpu.vector_load %arg7[%swap3A_561] {strides = array<i32>} : memref<512xi32, #tpu.memory_space<vmem>>, vector<16xi32>,
    %swap3A_563 = vector.shape_cast %swap3A_562 : vector<16xi32> to vector<16xi32>
    %swap3A_564 = vector.shape_cast %select_n3A_560 : vector<16xi32> to vector<16xi32>
    tpu.vector_store %arg7[%swap3A_561], %swap3A_564 {strides = array<i32>} : memref<512xi32, #tpu.memory_space<vmem>>, vector<16xi32>,
    %sub3A_565 = arith.constant 900000 : i32
    %sub3A_566 = vector.broadcast %sub3A_565 : i32 to vector<16xi32>
    %sub3A_567 = arith.subi %get3A_548, %sub3A_566 : vector<16xi32>
    %jit3A_568 = arith.constant 100000 : i32
    %eq3A_569 = arith.constant 0 : i32
    %eq3A_570 = arith.cmpi eq, %jit3A_568, %eq3A_569 : i32
    %jit3A_571 = arith.constant 1 : i32
    %select_n3A_572 = arith.select %eq3A_570, %jit3A_571, %jit3A_568 : i32
    %rem3A_573 = vector.broadcast %select_n3A_572 : i32 to vector<16xi32>
    %rem3A_574 = arith.remsi %add3A_559, %rem3A_573 : vector<16xi32>
    %ne3A_575 = arith.constant 0 : i32
    %ne3A_576 = vector.broadcast %ne3A_575 : i32 to vector<16xi32>
    %ne3A_577 = arith.cmpi ne, %rem3A_574, %ne3A_576 : vector<16xi32>
    %lt3A_578 = arith.constant 0 : i32
    %lt3A_579 = vector.broadcast %lt3A_578 : i32 to vector<16xi32>
    %lt3A_580 = arith.cmpi slt, %rem3A_574, %lt3A_579 : vector<16xi32>
    %lt3A_581 = arith.constant 0 : i32
    %lt3A_582 = arith.cmpi slt, %select_n3A_572, %lt3A_581 : i32
    %ne3A_583 = vector.broadcast %lt3A_582 : i1 to vector<16xi1>
    %ne3A_584 = vector.broadcast %ne3A_583 : vector<16xi1> to vector<16xi1>
    %ne3A_585 = arith.xori %lt3A_580, %ne3A_584 : vector<16xi1>
    %and3A_586 = arith.andi %ne3A_585, %ne3A_577 : vector<16xi1>
    %add3A_587 = vector.broadcast %select_n3A_572 : i32 to vector<16xi32>
    %add3A_588 = arith.addi %rem3A_574, %add3A_587 : vector<16xi32>
    %select_n3A_589 = arith.select %and3A_586, %add3A_588, %rem3A_574 : vector<16xi1>, vector<16xi32>
    %select_n3A_590 = arith.select %ge3A_551, %sub3A_567, %select_n3A_589 : vector<16xi1>, vector<16xi32>
    %swap3A_591 = arith.constant 128 : index
    %swap3A_592 = tpu.vector_load %arg8[%swap3A_591] {strides = array<i32>} : memref<512xi32, #tpu.memory_space<vmem>>, vector<16xi32>,
    %swap3A_593 = vector.shape_cast %swap3A_592 : vector<16xi32> to vector<16xi32>
    %swap3A_594 = vector.shape_cast %select_n3A_590 : vector<16xi32> to vector<16xi32>
    tpu.vector_store %arg8[%swap3A_591], %swap3A_594 {strides = array<i32>} : memref<512xi32, #tpu.memory_space<vmem>>, vector<16xi32>,
    %add3A_595 = arith.constant 128 : i32
    %add3A_596 = arith.addi %mul3A_4, %add3A_595 : i32
    %add3A_597 = vector.broadcast %add3A_596 : i32 to vector<16xi32>
    %add3A_598 = arith.addi %add3A_597, %iota3A : vector<16xi32>
    %add3A_599 = arith.constant 128 : i32
    %add3A_600 = vector.broadcast %add3A_599 : i32 to vector<16xi32>
    %add3A_601 = arith.addi %add3A_600, %iota3A : vector<16xi32>
    %add3A_602 = arith.constant 8192 : i32
    %add3A_603 = vector.broadcast %add3A_602 : i32 to vector<16xi32>
    %add3A_604 = arith.addi %add3A_603, %add3A_601 : vector<16xi32>
    %select_n3A_605 = arith.select %ge3A_551, %add3A_604, %add3A_598 : vector<16xi1>, vector<16xi32>
    %swap3A_606 = arith.constant 128 : index
    %swap3A_607 = tpu.vector_load %arg9[%swap3A_606] {strides = array<i32>} : memref<512xi32, #tpu.memory_space<vmem>>, vector<16xi32>,
    %swap3A_608 = vector.shape_cast %swap3A_607 : vector<16xi32> to vector<16xi32>
    %swap3A_609 = vector.shape_cast %select_n3A_605 : vector<16xi32> to vector<16xi32>
    tpu.vector_store %arg9[%swap3A_606], %swap3A_609 {strides = array<i32>} : memref<512xi32, #tpu.memory_space<vmem>>, vector<16xi32>,
    %select_n3A_610 = arith.select %ge3A_551, %add3A_598, %add3A_604 : vector<16xi1>, vector<16xi32>
    %swap3A_611 = arith.constant 128 : index
    %swap3A_612 = tpu.vector_load %arg10[%swap3A_611] {strides = array<i32>} : memref<512xi32, #tpu.memory_space<vmem>>, vector<16xi32>,
    %swap3A_613 = vector.shape_cast %swap3A_612 : vector<16xi32> to vector<16xi32>
    %swap3A_614 = vector.shape_cast %select_n3A_610 : vector<16xi32> to vector<16xi32>
    tpu.vector_store %arg10[%swap3A_611], %swap3A_614 {strides = array<i32>} : memref<512xi32, #tpu.memory_space<vmem>>, vector<16xi32>,
    %get3A_615 = arith.constant 144 : index
    %get3A_616 = tpu.vector_load %arg6[%get3A_615] {strides = array<i32>} : memref<512xi32, #tpu.memory_space<vmem>>, vector<16xi32>,
    %get3A_617 = vector.shape_cast %get3A_616 : vector<16xi32> to vector<16xi32>
    %ge3A_618 = arith.constant 900000 : i32
    %ge3A_619 = vector.broadcast %ge3A_618 : i32 to vector<16xi32>
    %ge3A_620 = arith.cmpi sge, %get3A_617, %ge3A_619 : vector<16xi32>
    %mul3A_621 = arith.constant 32 : i32
    %mul3A_622 = arith.muli %arg1, %mul3A_621 : i32
    %add3A_623 = arith.constant 9 : i32
    %add3A_624 = arith.addi %mul3A_622, %add3A_623 : i32
    %mul3A_625 = arith.constant 16 : i32
    %mul3A_626 = arith.muli %add3A_624, %mul3A_625 : i32
    %add3A_627 = vector.broadcast %mul3A_626 : i32 to vector<16xi32>
    %add3A_628 = arith.addi %add3A_627, %iota3A : vector<16xi32>
    %select_n3A_629 = arith.select %ge3A_620, %add3A_628, %get3A_617 : vector<16xi1>, vector<16xi32>
    %swap3A_630 = arith.constant 144 : index
    %swap3A_631 = tpu.vector_load %arg7[%swap3A_630] {strides = array<i32>} : memref<512xi32, #tpu.memory_space<vmem>>, vector<16xi32>,
    %swap3A_632 = vector.shape_cast %swap3A_631 : vector<16xi32> to vector<16xi32>
    %swap3A_633 = vector.shape_cast %select_n3A_629 : vector<16xi32> to vector<16xi32>
    tpu.vector_store %arg7[%swap3A_630], %swap3A_633 {strides = array<i32>} : memref<512xi32, #tpu.memory_space<vmem>>, vector<16xi32>,
    %sub3A_634 = arith.constant 900000 : i32
    %sub3A_635 = vector.broadcast %sub3A_634 : i32 to vector<16xi32>
    %sub3A_636 = arith.subi %get3A_617, %sub3A_635 : vector<16xi32>
    %jit3A_637 = arith.constant 100000 : i32
    %eq3A_638 = arith.constant 0 : i32
    %eq3A_639 = arith.cmpi eq, %jit3A_637, %eq3A_638 : i32
    %jit3A_640 = arith.constant 1 : i32
    %select_n3A_641 = arith.select %eq3A_639, %jit3A_640, %jit3A_637 : i32
    %rem3A_642 = vector.broadcast %select_n3A_641 : i32 to vector<16xi32>
    %rem3A_643 = arith.remsi %add3A_628, %rem3A_642 : vector<16xi32>
    %ne3A_644 = arith.constant 0 : i32
    %ne3A_645 = vector.broadcast %ne3A_644 : i32 to vector<16xi32>
    %ne3A_646 = arith.cmpi ne, %rem3A_643, %ne3A_645 : vector<16xi32>
    %lt3A_647 = arith.constant 0 : i32
    %lt3A_648 = vector.broadcast %lt3A_647 : i32 to vector<16xi32>
    %lt3A_649 = arith.cmpi slt, %rem3A_643, %lt3A_648 : vector<16xi32>
    %lt3A_650 = arith.constant 0 : i32
    %lt3A_651 = arith.cmpi slt, %select_n3A_641, %lt3A_650 : i32
    %ne3A_652 = vector.broadcast %lt3A_651 : i1 to vector<16xi1>
    %ne3A_653 = vector.broadcast %ne3A_652 : vector<16xi1> to vector<16xi1>
    %ne3A_654 = arith.xori %lt3A_649, %ne3A_653 : vector<16xi1>
    %and3A_655 = arith.andi %ne3A_654, %ne3A_646 : vector<16xi1>
    %add3A_656 = vector.broadcast %select_n3A_641 : i32 to vector<16xi32>
    %add3A_657 = arith.addi %rem3A_643, %add3A_656 : vector<16xi32>
    %select_n3A_658 = arith.select %and3A_655, %add3A_657, %rem3A_643 : vector<16xi1>, vector<16xi32>
    %select_n3A_659 = arith.select %ge3A_620, %sub3A_636, %select_n3A_658 : vector<16xi1>, vector<16xi32>
    %swap3A_660 = arith.constant 144 : index
    %swap3A_661 = tpu.vector_load %arg8[%swap3A_660] {strides = array<i32>} : memref<512xi32, #tpu.memory_space<vmem>>, vector<16xi32>,
    %swap3A_662 = vector.shape_cast %swap3A_661 : vector<16xi32> to vector<16xi32>
    %swap3A_663 = vector.shape_cast %select_n3A_659 : vector<16xi32> to vector<16xi32>
    tpu.vector_store %arg8[%swap3A_660], %swap3A_663 {strides = array<i32>} : memref<512xi32, #tpu.memory_space<vmem>>, vector<16xi32>,
    %add3A_664 = arith.constant 144 : i32
    %add3A_665 = arith.addi %mul3A_4, %add3A_664 : i32
    %add3A_666 = vector.broadcast %add3A_665 : i32 to vector<16xi32>
    %add3A_667 = arith.addi %add3A_666, %iota3A : vector<16xi32>
    %add3A_668 = arith.constant 144 : i32
    %add3A_669 = vector.broadcast %add3A_668 : i32 to vector<16xi32>
    %add3A_670 = arith.addi %add3A_669, %iota3A : vector<16xi32>
    %add3A_671 = arith.constant 8192 : i32
    %add3A_672 = vector.broadcast %add3A_671 : i32 to vector<16xi32>
    %add3A_673 = arith.addi %add3A_672, %add3A_670 : vector<16xi32>
    %select_n3A_674 = arith.select %ge3A_620, %add3A_673, %add3A_667 : vector<16xi1>, vector<16xi32>
    %swap3A_675 = arith.constant 144 : index
    %swap3A_676 = tpu.vector_load %arg9[%swap3A_675] {strides = array<i32>} : memref<512xi32, #tpu.memory_space<vmem>>, vector<16xi32>,
    %swap3A_677 = vector.shape_cast %swap3A_676 : vector<16xi32> to vector<16xi32>
    %swap3A_678 = vector.shape_cast %select_n3A_674 : vector<16xi32> to vector<16xi32>
    tpu.vector_store %arg9[%swap3A_675], %swap3A_678 {strides = array<i32>} : memref<512xi32, #tpu.memory_space<vmem>>, vector<16xi32>,
    %select_n3A_679 = arith.select %ge3A_620, %add3A_667, %add3A_673 : vector<16xi1>, vector<16xi32>
    %swap3A_680 = arith.constant 144 : index
    %swap3A_681 = tpu.vector_load %arg10[%swap3A_680] {strides = array<i32>} : memref<512xi32, #tpu.memory_space<vmem>>, vector<16xi32>,
    %swap3A_682 = vector.shape_cast %swap3A_681 : vector<16xi32> to vector<16xi32>
    %swap3A_683 = vector.shape_cast %select_n3A_679 : vector<16xi32> to vector<16xi32>
    tpu.vector_store %arg10[%swap3A_680], %swap3A_683 {strides = array<i32>} : memref<512xi32, #tpu.memory_space<vmem>>, vector<16xi32>,
    %get3A_684 = arith.constant 160 : index
    %get3A_685 = tpu.vector_load %arg6[%get3A_684] {strides = array<i32>} : memref<512xi32, #tpu.memory_space<vmem>>, vector<16xi32>,
    %get3A_686 = vector.shape_cast %get3A_685 : vector<16xi32> to vector<16xi32>
    %ge3A_687 = arith.constant 900000 : i32
    %ge3A_688 = vector.broadcast %ge3A_687 : i32 to vector<16xi32>
    %ge3A_689 = arith.cmpi sge, %get3A_686, %ge3A_688 : vector<16xi32>
    %mul3A_690 = arith.constant 32 : i32
    %mul3A_691 = arith.muli %arg1, %mul3A_690 : i32
    %add3A_692 = arith.constant 10 : i32
    %add3A_693 = arith.addi %mul3A_691, %add3A_692 : i32
    %mul3A_694 = arith.constant 16 : i32
    %mul3A_695 = arith.muli %add3A_693, %mul3A_694 : i32
    %add3A_696 = vector.broadcast %mul3A_695 : i32 to vector<16xi32>
    %add3A_697 = arith.addi %add3A_696, %iota3A : vector<16xi32>
    %select_n3A_698 = arith.select %ge3A_689, %add3A_697, %get3A_686 : vector<16xi1>, vector<16xi32>
    %swap3A_699 = arith.constant 160 : index
    %swap3A_700 = tpu.vector_load %arg7[%swap3A_699] {strides = array<i32>} : memref<512xi32, #tpu.memory_space<vmem>>, vector<16xi32>,
    %swap3A_701 = vector.shape_cast %swap3A_700 : vector<16xi32> to vector<16xi32>
    %swap3A_702 = vector.shape_cast %select_n3A_698 : vector<16xi32> to vector<16xi32>
    tpu.vector_store %arg7[%swap3A_699], %swap3A_702 {strides = array<i32>} : memref<512xi32, #tpu.memory_space<vmem>>, vector<16xi32>,
    %sub3A_703 = arith.constant 900000 : i32
    %sub3A_704 = vector.broadcast %sub3A_703 : i32 to vector<16xi32>
    %sub3A_705 = arith.subi %get3A_686, %sub3A_704 : vector<16xi32>
    %jit3A_706 = arith.constant 100000 : i32
    %eq3A_707 = arith.constant 0 : i32
    %eq3A_708 = arith.cmpi eq, %jit3A_706, %eq3A_707 : i32
    %jit3A_709 = arith.constant 1 : i32
    %select_n3A_710 = arith.select %eq3A_708, %jit3A_709, %jit3A_706 : i32
    %rem3A_711 = vector.broadcast %select_n3A_710 : i32 to vector<16xi32>
    %rem3A_712 = arith.remsi %add3A_697, %rem3A_711 : vector<16xi32>
    %ne3A_713 = arith.constant 0 : i32
    %ne3A_714 = vector.broadcast %ne3A_713 : i32 to vector<16xi32>
    %ne3A_715 = arith.cmpi ne, %rem3A_712, %ne3A_714 : vector<16xi32>
    %lt3A_716 = arith.constant 0 : i32
    %lt3A_717 = vector.broadcast %lt3A_716 : i32 to vector<16xi32>
    %lt3A_718 = arith.cmpi slt, %rem3A_712, %lt3A_717 : vector<16xi32>
    %lt3A_719 = arith.constant 0 : i32
    %lt3A_720 = arith.cmpi slt, %select_n3A_710, %lt3A_719 : i32
    %ne3A_721 = vector.broadcast %lt3A_720 : i1 to vector<16xi1>
    %ne3A_722 = vector.broadcast %ne3A_721 : vector<16xi1> to vector<16xi1>
    %ne3A_723 = arith.xori %lt3A_718, %ne3A_722 : vector<16xi1>
    %and3A_724 = arith.andi %ne3A_723, %ne3A_715 : vector<16xi1>
    %add3A_725 = vector.broadcast %select_n3A_710 : i32 to vector<16xi32>
    %add3A_726 = arith.addi %rem3A_712, %add3A_725 : vector<16xi32>
    %select_n3A_727 = arith.select %and3A_724, %add3A_726, %rem3A_712 : vector<16xi1>, vector<16xi32>
    %select_n3A_728 = arith.select %ge3A_689, %sub3A_705, %select_n3A_727 : vector<16xi1>, vector<16xi32>
    %swap3A_729 = arith.constant 160 : index
    %swap3A_730 = tpu.vector_load %arg8[%swap3A_729] {strides = array<i32>} : memref<512xi32, #tpu.memory_space<vmem>>, vector<16xi32>,
    %swap3A_731 = vector.shape_cast %swap3A_730 : vector<16xi32> to vector<16xi32>
    %swap3A_732 = vector.shape_cast %select_n3A_728 : vector<16xi32> to vector<16xi32>
    tpu.vector_store %arg8[%swap3A_729], %swap3A_732 {strides = array<i32>} : memref<512xi32, #tpu.memory_space<vmem>>, vector<16xi32>,
    %add3A_733 = arith.constant 160 : i32
    %add3A_734 = arith.addi %mul3A_4, %add3A_733 : i32
    %add3A_735 = vector.broadcast %add3A_734 : i32 to vector<16xi32>
    %add3A_736 = arith.addi %add3A_735, %iota3A : vector<16xi32>
    %add3A_737 = arith.constant 160 : i32
    %add3A_738 = vector.broadcast %add3A_737 : i32 to vector<16xi32>
    %add3A_739 = arith.addi %add3A_738, %iota3A : vector<16xi32>
    %add3A_740 = arith.constant 8192 : i32
    %add3A_741 = vector.broadcast %add3A_740 : i32 to vector<16xi32>
    %add3A_742 = arith.addi %add3A_741, %add3A_739 : vector<16xi32>
    %select_n3A_743 = arith.select %ge3A_689, %add3A_742, %add3A_736 : vector<16xi1>, vector<16xi32>
    %swap3A_744 = arith.constant 160 : index
    %swap3A_745 = tpu.vector_load %arg9[%swap3A_744] {strides = array<i32>} : memref<512xi32, #tpu.memory_space<vmem>>, vector<16xi32>,
    %swap3A_746 = vector.shape_cast %swap3A_745 : vector<16xi32> to vector<16xi32>
    %swap3A_747 = vector.shape_cast %select_n3A_743 : vector<16xi32> to vector<16xi32>
    tpu.vector_store %arg9[%swap3A_744], %swap3A_747 {strides = array<i32>} : memref<512xi32, #tpu.memory_space<vmem>>, vector<16xi32>,
    %select_n3A_748 = arith.select %ge3A_689, %add3A_736, %add3A_742 : vector<16xi1>, vector<16xi32>
    %swap3A_749 = arith.constant 160 : index
    %swap3A_750 = tpu.vector_load %arg10[%swap3A_749] {strides = array<i32>} : memref<512xi32, #tpu.memory_space<vmem>>, vector<16xi32>,
    %swap3A_751 = vector.shape_cast %swap3A_750 : vector<16xi32> to vector<16xi32>
    %swap3A_752 = vector.shape_cast %select_n3A_748 : vector<16xi32> to vector<16xi32>
    tpu.vector_store %arg10[%swap3A_749], %swap3A_752 {strides = array<i32>} : memref<512xi32, #tpu.memory_space<vmem>>, vector<16xi32>,
    %get3A_753 = arith.constant 176 : index
    %get3A_754 = tpu.vector_load %arg6[%get3A_753] {strides = array<i32>} : memref<512xi32, #tpu.memory_space<vmem>>, vector<16xi32>,
    %get3A_755 = vector.shape_cast %get3A_754 : vector<16xi32> to vector<16xi32>
    %ge3A_756 = arith.constant 900000 : i32
    %ge3A_757 = vector.broadcast %ge3A_756 : i32 to vector<16xi32>
    %ge3A_758 = arith.cmpi sge, %get3A_755, %ge3A_757 : vector<16xi32>
    %mul3A_759 = arith.constant 32 : i32
    %mul3A_760 = arith.muli %arg1, %mul3A_759 : i32
    %add3A_761 = arith.constant 11 : i32
    %add3A_762 = arith.addi %mul3A_760, %add3A_761 : i32
    %mul3A_763 = arith.constant 16 : i32
    %mul3A_764 = arith.muli %add3A_762, %mul3A_763 : i32
    %add3A_765 = vector.broadcast %mul3A_764 : i32 to vector<16xi32>
    %add3A_766 = arith.addi %add3A_765, %iota3A : vector<16xi32>
    %select_n3A_767 = arith.select %ge3A_758, %add3A_766, %get3A_755 : vector<16xi1>, vector<16xi32>
    %swap3A_768 = arith.constant 176 : index
    %swap3A_769 = tpu.vector_load %arg7[%swap3A_768] {strides = array<i32>} : memref<512xi32, #tpu.memory_space<vmem>>, vector<16xi32>,
    %swap3A_770 = vector.shape_cast %swap3A_769 : vector<16xi32> to vector<16xi32>
    %swap3A_771 = vector.shape_cast %select_n3A_767 : vector<16xi32> to vector<16xi32>
    tpu.vector_store %arg7[%swap3A_768], %swap3A_771 {strides = array<i32>} : memref<512xi32, #tpu.memory_space<vmem>>, vector<16xi32>,
    %sub3A_772 = arith.constant 900000 : i32
    %sub3A_773 = vector.broadcast %sub3A_772 : i32 to vector<16xi32>
    %sub3A_774 = arith.subi %get3A_755, %sub3A_773 : vector<16xi32>
    %jit3A_775 = arith.constant 100000 : i32
    %eq3A_776 = arith.constant 0 : i32
    %eq3A_777 = arith.cmpi eq, %jit3A_775, %eq3A_776 : i32
    %jit3A_778 = arith.constant 1 : i32
    %select_n3A_779 = arith.select %eq3A_777, %jit3A_778, %jit3A_775 : i32
    %rem3A_780 = vector.broadcast %select_n3A_779 : i32 to vector<16xi32>
    %rem3A_781 = arith.remsi %add3A_766, %rem3A_780 : vector<16xi32>
    %ne3A_782 = arith.constant 0 : i32
    %ne3A_783 = vector.broadcast %ne3A_782 : i32 to vector<16xi32>
    %ne3A_784 = arith.cmpi ne, %rem3A_781, %ne3A_783 : vector<16xi32>
    %lt3A_785 = arith.constant 0 : i32
    %lt3A_786 = vector.broadcast %lt3A_785 : i32 to vector<16xi32>
    %lt3A_787 = arith.cmpi slt, %rem3A_781, %lt3A_786 : vector<16xi32>
    %lt3A_788 = arith.constant 0 : i32
    %lt3A_789 = arith.cmpi slt, %select_n3A_779, %lt3A_788 : i32
    %ne3A_790 = vector.broadcast %lt3A_789 : i1 to vector<16xi1>
    %ne3A_791 = vector.broadcast %ne3A_790 : vector<16xi1> to vector<16xi1>
    %ne3A_792 = arith.xori %lt3A_787, %ne3A_791 : vector<16xi1>
    %and3A_793 = arith.andi %ne3A_792, %ne3A_784 : vector<16xi1>
    %add3A_794 = vector.broadcast %select_n3A_779 : i32 to vector<16xi32>
    %add3A_795 = arith.addi %rem3A_781, %add3A_794 : vector<16xi32>
    %select_n3A_796 = arith.select %and3A_793, %add3A_795, %rem3A_781 : vector<16xi1>, vector<16xi32>
    %select_n3A_797 = arith.select %ge3A_758, %sub3A_774, %select_n3A_796 : vector<16xi1>, vector<16xi32>
    %swap3A_798 = arith.constant 176 : index
    %swap3A_799 = tpu.vector_load %arg8[%swap3A_798] {strides = array<i32>} : memref<512xi32, #tpu.memory_space<vmem>>, vector<16xi32>,
    %swap3A_800 = vector.shape_cast %swap3A_799 : vector<16xi32> to vector<16xi32>
    %swap3A_801 = vector.shape_cast %select_n3A_797 : vector<16xi32> to vector<16xi32>
    tpu.vector_store %arg8[%swap3A_798], %swap3A_801 {strides = array<i32>} : memref<512xi32, #tpu.memory_space<vmem>>, vector<16xi32>,
    %add3A_802 = arith.constant 176 : i32
    %add3A_803 = arith.addi %mul3A_4, %add3A_802 : i32
    %add3A_804 = vector.broadcast %add3A_803 : i32 to vector<16xi32>
    %add3A_805 = arith.addi %add3A_804, %iota3A : vector<16xi32>
    %add3A_806 = arith.constant 176 : i32
    %add3A_807 = vector.broadcast %add3A_806 : i32 to vector<16xi32>
    %add3A_808 = arith.addi %add3A_807, %iota3A : vector<16xi32>
    %add3A_809 = arith.constant 8192 : i32
    %add3A_810 = vector.broadcast %add3A_809 : i32 to vector<16xi32>
    %add3A_811 = arith.addi %add3A_810, %add3A_808 : vector<16xi32>
    %select_n3A_812 = arith.select %ge3A_758, %add3A_811, %add3A_805 : vector<16xi1>, vector<16xi32>
    %swap3A_813 = arith.constant 176 : index
    %swap3A_814 = tpu.vector_load %arg9[%swap3A_813] {strides = array<i32>} : memref<512xi32, #tpu.memory_space<vmem>>, vector<16xi32>,
    %swap3A_815 = vector.shape_cast %swap3A_814 : vector<16xi32> to vector<16xi32>
    %swap3A_816 = vector.shape_cast %select_n3A_812 : vector<16xi32> to vector<16xi32>
    tpu.vector_store %arg9[%swap3A_813], %swap3A_816 {strides = array<i32>} : memref<512xi32, #tpu.memory_space<vmem>>, vector<16xi32>,
    %select_n3A_817 = arith.select %ge3A_758, %add3A_805, %add3A_811 : vector<16xi1>, vector<16xi32>
    %swap3A_818 = arith.constant 176 : index
    %swap3A_819 = tpu.vector_load %arg10[%swap3A_818] {strides = array<i32>} : memref<512xi32, #tpu.memory_space<vmem>>, vector<16xi32>,
    %swap3A_820 = vector.shape_cast %swap3A_819 : vector<16xi32> to vector<16xi32>
    %swap3A_821 = vector.shape_cast %select_n3A_817 : vector<16xi32> to vector<16xi32>
    tpu.vector_store %arg10[%swap3A_818], %swap3A_821 {strides = array<i32>} : memref<512xi32, #tpu.memory_space<vmem>>, vector<16xi32>,
    %get3A_822 = arith.constant 192 : index
    %get3A_823 = tpu.vector_load %arg6[%get3A_822] {strides = array<i32>} : memref<512xi32, #tpu.memory_space<vmem>>, vector<16xi32>,
    %get3A_824 = vector.shape_cast %get3A_823 : vector<16xi32> to vector<16xi32>
    %ge3A_825 = arith.constant 900000 : i32
    %ge3A_826 = vector.broadcast %ge3A_825 : i32 to vector<16xi32>
    %ge3A_827 = arith.cmpi sge, %get3A_824, %ge3A_826 : vector<16xi32>
    %mul3A_828 = arith.constant 32 : i32
    %mul3A_829 = arith.muli %arg1, %mul3A_828 : i32
    %add3A_830 = arith.constant 12 : i32
    %add3A_831 = arith.addi %mul3A_829, %add3A_830 : i32
    %mul3A_832 = arith.constant 16 : i32
    %mul3A_833 = arith.muli %add3A_831, %mul3A_832 : i32
    %add3A_834 = vector.broadcast %mul3A_833 : i32 to vector<16xi32>
    %add3A_835 = arith.addi %add3A_834, %iota3A : vector<16xi32>
    %select_n3A_836 = arith.select %ge3A_827, %add3A_835, %get3A_824 : vector<16xi1>, vector<16xi32>
    %swap3A_837 = arith.constant 192 : index
    %swap3A_838 = tpu.vector_load %arg7[%swap3A_837] {strides = array<i32>} : memref<512xi32, #tpu.memory_space<vmem>>, vector<16xi32>,
    %swap3A_839 = vector.shape_cast %swap3A_838 : vector<16xi32> to vector<16xi32>
    %swap3A_840 = vector.shape_cast %select_n3A_836 : vector<16xi32> to vector<16xi32>
    tpu.vector_store %arg7[%swap3A_837], %swap3A_840 {strides = array<i32>} : memref<512xi32, #tpu.memory_space<vmem>>, vector<16xi32>,
    %sub3A_841 = arith.constant 900000 : i32
    %sub3A_842 = vector.broadcast %sub3A_841 : i32 to vector<16xi32>
    %sub3A_843 = arith.subi %get3A_824, %sub3A_842 : vector<16xi32>
    %jit3A_844 = arith.constant 100000 : i32
    %eq3A_845 = arith.constant 0 : i32
    %eq3A_846 = arith.cmpi eq, %jit3A_844, %eq3A_845 : i32
    %jit3A_847 = arith.constant 1 : i32
    %select_n3A_848 = arith.select %eq3A_846, %jit3A_847, %jit3A_844 : i32
    %rem3A_849 = vector.broadcast %select_n3A_848 : i32 to vector<16xi32>
    %rem3A_850 = arith.remsi %add3A_835, %rem3A_849 : vector<16xi32>
    %ne3A_851 = arith.constant 0 : i32
    %ne3A_852 = vector.broadcast %ne3A_851 : i32 to vector<16xi32>
    %ne3A_853 = arith.cmpi ne, %rem3A_850, %ne3A_852 : vector<16xi32>
    %lt3A_854 = arith.constant 0 : i32
    %lt3A_855 = vector.broadcast %lt3A_854 : i32 to vector<16xi32>
    %lt3A_856 = arith.cmpi slt, %rem3A_850, %lt3A_855 : vector<16xi32>
    %lt3A_857 = arith.constant 0 : i32
    %lt3A_858 = arith.cmpi slt, %select_n3A_848, %lt3A_857 : i32
    %ne3A_859 = vector.broadcast %lt3A_858 : i1 to vector<16xi1>
    %ne3A_860 = vector.broadcast %ne3A_859 : vector<16xi1> to vector<16xi1>
    %ne3A_861 = arith.xori %lt3A_856, %ne3A_860 : vector<16xi1>
    %and3A_862 = arith.andi %ne3A_861, %ne3A_853 : vector<16xi1>
    %add3A_863 = vector.broadcast %select_n3A_848 : i32 to vector<16xi32>
    %add3A_864 = arith.addi %rem3A_850, %add3A_863 : vector<16xi32>
    %select_n3A_865 = arith.select %and3A_862, %add3A_864, %rem3A_850 : vector<16xi1>, vector<16xi32>
    %select_n3A_866 = arith.select %ge3A_827, %sub3A_843, %select_n3A_865 : vector<16xi1>, vector<16xi32>
    %swap3A_867 = arith.constant 192 : index
    %swap3A_868 = tpu.vector_load %arg8[%swap3A_867] {strides = array<i32>} : memref<512xi32, #tpu.memory_space<vmem>>, vector<16xi32>,
    %swap3A_869 = vector.shape_cast %swap3A_868 : vector<16xi32> to vector<16xi32>
    %swap3A_870 = vector.shape_cast %select_n3A_866 : vector<16xi32> to vector<16xi32>
    tpu.vector_store %arg8[%swap3A_867], %swap3A_870 {strides = array<i32>} : memref<512xi32, #tpu.memory_space<vmem>>, vector<16xi32>,
    %add3A_871 = arith.constant 192 : i32
    %add3A_872 = arith.addi %mul3A_4, %add3A_871 : i32
    %add3A_873 = vector.broadcast %add3A_872 : i32 to vector<16xi32>
    %add3A_874 = arith.addi %add3A_873, %iota3A : vector<16xi32>
    %add3A_875 = arith.constant 192 : i32
    %add3A_876 = vector.broadcast %add3A_875 : i32 to vector<16xi32>
    %add3A_877 = arith.addi %add3A_876, %iota3A : vector<16xi32>
    %add3A_878 = arith.constant 8192 : i32
    %add3A_879 = vector.broadcast %add3A_878 : i32 to vector<16xi32>
    %add3A_880 = arith.addi %add3A_879, %add3A_877 : vector<16xi32>
    %select_n3A_881 = arith.select %ge3A_827, %add3A_880, %add3A_874 : vector<16xi1>, vector<16xi32>
    %swap3A_882 = arith.constant 192 : index
    %swap3A_883 = tpu.vector_load %arg9[%swap3A_882] {strides = array<i32>} : memref<512xi32, #tpu.memory_space<vmem>>, vector<16xi32>,
    %swap3A_884 = vector.shape_cast %swap3A_883 : vector<16xi32> to vector<16xi32>
    %swap3A_885 = vector.shape_cast %select_n3A_881 : vector<16xi32> to vector<16xi32>
    tpu.vector_store %arg9[%swap3A_882], %swap3A_885 {strides = array<i32>} : memref<512xi32, #tpu.memory_space<vmem>>, vector<16xi32>,
    %select_n3A_886 = arith.select %ge3A_827, %add3A_874, %add3A_880 : vector<16xi1>, vector<16xi32>
    %swap3A_887 = arith.constant 192 : index
    %swap3A_888 = tpu.vector_load %arg10[%swap3A_887] {strides = array<i32>} : memref<512xi32, #tpu.memory_space<vmem>>, vector<16xi32>,
    %swap3A_889 = vector.shape_cast %swap3A_888 : vector<16xi32> to vector<16xi32>
    %swap3A_890 = vector.shape_cast %select_n3A_886 : vector<16xi32> to vector<16xi32>
    tpu.vector_store %arg10[%swap3A_887], %swap3A_890 {strides = array<i32>} : memref<512xi32, #tpu.memory_space<vmem>>, vector<16xi32>,
    %get3A_891 = arith.constant 208 : index
    %get3A_892 = tpu.vector_load %arg6[%get3A_891] {strides = array<i32>} : memref<512xi32, #tpu.memory_space<vmem>>, vector<16xi32>,
    %get3A_893 = vector.shape_cast %get3A_892 : vector<16xi32> to vector<16xi32>
    %ge3A_894 = arith.constant 900000 : i32
    %ge3A_895 = vector.broadcast %ge3A_894 : i32 to vector<16xi32>
    %ge3A_896 = arith.cmpi sge, %get3A_893, %ge3A_895 : vector<16xi32>
    %mul3A_897 = arith.constant 32 : i32
    %mul3A_898 = arith.muli %arg1, %mul3A_897 : i32
    %add3A_899 = arith.constant 13 : i32
    %add3A_900 = arith.addi %mul3A_898, %add3A_899 : i32
    %mul3A_901 = arith.constant 16 : i32
    %mul3A_902 = arith.muli %add3A_900, %mul3A_901 : i32
    %add3A_903 = vector.broadcast %mul3A_902 : i32 to vector<16xi32>
    %add3A_904 = arith.addi %add3A_903, %iota3A : vector<16xi32>
    %select_n3A_905 = arith.select %ge3A_896, %add3A_904, %get3A_893 : vector<16xi1>, vector<16xi32>
    %swap3A_906 = arith.constant 208 : index
    %swap3A_907 = tpu.vector_load %arg7[%swap3A_906] {strides = array<i32>} : memref<512xi32, #tpu.memory_space<vmem>>, vector<16xi32>,
    %swap3A_908 = vector.shape_cast %swap3A_907 : vector<16xi32> to vector<16xi32>
    %swap3A_909 = vector.shape_cast %select_n3A_905 : vector<16xi32> to vector<16xi32>
    tpu.vector_store %arg7[%swap3A_906], %swap3A_909 {strides = array<i32>} : memref<512xi32, #tpu.memory_space<vmem>>, vector<16xi32>,
    %sub3A_910 = arith.constant 900000 : i32
    %sub3A_911 = vector.broadcast %sub3A_910 : i32 to vector<16xi32>
    %sub3A_912 = arith.subi %get3A_893, %sub3A_911 : vector<16xi32>
    %jit3A_913 = arith.constant 100000 : i32
    %eq3A_914 = arith.constant 0 : i32
    %eq3A_915 = arith.cmpi eq, %jit3A_913, %eq3A_914 : i32
    %jit3A_916 = arith.constant 1 : i32
    %select_n3A_917 = arith.select %eq3A_915, %jit3A_916, %jit3A_913 : i32
    %rem3A_918 = vector.broadcast %select_n3A_917 : i32 to vector<16xi32>
    %rem3A_919 = arith.remsi %add3A_904, %rem3A_918 : vector<16xi32>
    %ne3A_920 = arith.constant 0 : i32
    %ne3A_921 = vector.broadcast %ne3A_920 : i32 to vector<16xi32>
    %ne3A_922 = arith.cmpi ne, %rem3A_919, %ne3A_921 : vector<16xi32>
    %lt3A_923 = arith.constant 0 : i32
    %lt3A_924 = vector.broadcast %lt3A_923 : i32 to vector<16xi32>
    %lt3A_925 = arith.cmpi slt, %rem3A_919, %lt3A_924 : vector<16xi32>
    %lt3A_926 = arith.constant 0 : i32
    %lt3A_927 = arith.cmpi slt, %select_n3A_917, %lt3A_926 : i32
    %ne3A_928 = vector.broadcast %lt3A_927 : i1 to vector<16xi1>
    %ne3A_929 = vector.broadcast %ne3A_928 : vector<16xi1> to vector<16xi1>
    %ne3A_930 = arith.xori %lt3A_925, %ne3A_929 : vector<16xi1>
    %and3A_931 = arith.andi %ne3A_930, %ne3A_922 : vector<16xi1>
    %add3A_932 = vector.broadcast %select_n3A_917 : i32 to vector<16xi32>
    %add3A_933 = arith.addi %rem3A_919, %add3A_932 : vector<16xi32>
    %select_n3A_934 = arith.select %and3A_931, %add3A_933, %rem3A_919 : vector<16xi1>, vector<16xi32>
    %select_n3A_935 = arith.select %ge3A_896, %sub3A_912, %select_n3A_934 : vector<16xi1>, vector<16xi32>
    %swap3A_936 = arith.constant 208 : index
    %swap3A_937 = tpu.vector_load %arg8[%swap3A_936] {strides = array<i32>} : memref<512xi32, #tpu.memory_space<vmem>>, vector<16xi32>,
    %swap3A_938 = vector.shape_cast %swap3A_937 : vector<16xi32> to vector<16xi32>
    %swap3A_939 = vector.shape_cast %select_n3A_935 : vector<16xi32> to vector<16xi32>
    tpu.vector_store %arg8[%swap3A_936], %swap3A_939 {strides = array<i32>} : memref<512xi32, #tpu.memory_space<vmem>>, vector<16xi32>,
    %add3A_940 = arith.constant 208 : i32
    %add3A_941 = arith.addi %mul3A_4, %add3A_940 : i32
    %add3A_942 = vector.broadcast %add3A_941 : i32 to vector<16xi32>
    %add3A_943 = arith.addi %add3A_942, %iota3A : vector<16xi32>
    %add3A_944 = arith.constant 208 : i32
    %add3A_945 = vector.broadcast %add3A_944 : i32 to vector<16xi32>
    %add3A_946 = arith.addi %add3A_945, %iota3A : vector<16xi32>
    %add3A_947 = arith.constant 8192 : i32
    %add3A_948 = vector.broadcast %add3A_947 : i32 to vector<16xi32>
    %add3A_949 = arith.addi %add3A_948, %add3A_946 : vector<16xi32>
    %select_n3A_950 = arith.select %ge3A_896, %add3A_949, %add3A_943 : vector<16xi1>, vector<16xi32>
    %swap3A_951 = arith.constant 208 : index
    %swap3A_952 = tpu.vector_load %arg9[%swap3A_951] {strides = array<i32>} : memref<512xi32, #tpu.memory_space<vmem>>, vector<16xi32>,
    %swap3A_953 = vector.shape_cast %swap3A_952 : vector<16xi32> to vector<16xi32>
    %swap3A_954 = vector.shape_cast %select_n3A_950 : vector<16xi32> to vector<16xi32>
    tpu.vector_store %arg9[%swap3A_951], %swap3A_954 {strides = array<i32>} : memref<512xi32, #tpu.memory_space<vmem>>, vector<16xi32>,
    %select_n3A_955 = arith.select %ge3A_896, %add3A_943, %add3A_949 : vector<16xi1>, vector<16xi32>
    %swap3A_956 = arith.constant 208 : index
    %swap3A_957 = tpu.vector_load %arg10[%swap3A_956] {strides = array<i32>} : memref<512xi32, #tpu.memory_space<vmem>>, vector<16xi32>,
    %swap3A_958 = vector.shape_cast %swap3A_957 : vector<16xi32> to vector<16xi32>
    %swap3A_959 = vector.shape_cast %select_n3A_955 : vector<16xi32> to vector<16xi32>
    tpu.vector_store %arg10[%swap3A_956], %swap3A_959 {strides = array<i32>} : memref<512xi32, #tpu.memory_space<vmem>>, vector<16xi32>,
    %get3A_960 = arith.constant 224 : index
    %get3A_961 = tpu.vector_load %arg6[%get3A_960] {strides = array<i32>} : memref<512xi32, #tpu.memory_space<vmem>>, vector<16xi32>,
    %get3A_962 = vector.shape_cast %get3A_961 : vector<16xi32> to vector<16xi32>
    %ge3A_963 = arith.constant 900000 : i32
    %ge3A_964 = vector.broadcast %ge3A_963 : i32 to vector<16xi32>
    %ge3A_965 = arith.cmpi sge, %get3A_962, %ge3A_964 : vector<16xi32>
    %mul3A_966 = arith.constant 32 : i32
    %mul3A_967 = arith.muli %arg1, %mul3A_966 : i32
    %add3A_968 = arith.constant 14 : i32
    %add3A_969 = arith.addi %mul3A_967, %add3A_968 : i32
    %mul3A_970 = arith.constant 16 : i32
    %mul3A_971 = arith.muli %add3A_969, %mul3A_970 : i32
    %add3A_972 = vector.broadcast %mul3A_971 : i32 to vector<16xi32>
    %add3A_973 = arith.addi %add3A_972, %iota3A : vector<16xi32>
    %select_n3A_974 = arith.select %ge3A_965, %add3A_973, %get3A_962 : vector<16xi1>, vector<16xi32>
    %swap3A_975 = arith.constant 224 : index
    %swap3A_976 = tpu.vector_load %arg7[%swap3A_975] {strides = array<i32>} : memref<512xi32, #tpu.memory_space<vmem>>, vector<16xi32>,
    %swap3A_977 = vector.shape_cast %swap3A_976 : vector<16xi32> to vector<16xi32>
    %swap3A_978 = vector.shape_cast %select_n3A_974 : vector<16xi32> to vector<16xi32>
    tpu.vector_store %arg7[%swap3A_975], %swap3A_978 {strides = array<i32>} : memref<512xi32, #tpu.memory_space<vmem>>, vector<16xi32>,
    %sub3A_979 = arith.constant 900000 : i32
    %sub3A_980 = vector.broadcast %sub3A_979 : i32 to vector<16xi32>
    %sub3A_981 = arith.subi %get3A_962, %sub3A_980 : vector<16xi32>
    %jit3A_982 = arith.constant 100000 : i32
    %eq3A_983 = arith.constant 0 : i32
    %eq3A_984 = arith.cmpi eq, %jit3A_982, %eq3A_983 : i32
    %jit3A_985 = arith.constant 1 : i32
    %select_n3A_986 = arith.select %eq3A_984, %jit3A_985, %jit3A_982 : i32
    %rem3A_987 = vector.broadcast %select_n3A_986 : i32 to vector<16xi32>
    %rem3A_988 = arith.remsi %add3A_973, %rem3A_987 : vector<16xi32>
    %ne3A_989 = arith.constant 0 : i32
    %ne3A_990 = vector.broadcast %ne3A_989 : i32 to vector<16xi32>
    %ne3A_991 = arith.cmpi ne, %rem3A_988, %ne3A_990 : vector<16xi32>
    %lt3A_992 = arith.constant 0 : i32
    %lt3A_993 = vector.broadcast %lt3A_992 : i32 to vector<16xi32>
    %lt3A_994 = arith.cmpi slt, %rem3A_988, %lt3A_993 : vector<16xi32>
    %lt3A_995 = arith.constant 0 : i32
    %lt3A_996 = arith.cmpi slt, %select_n3A_986, %lt3A_995 : i32
    %ne3A_997 = vector.broadcast %lt3A_996 : i1 to vector<16xi1>
    %ne3A_998 = vector.broadcast %ne3A_997 : vector<16xi1> to vector<16xi1>
    %ne3A_999 = arith.xori %lt3A_994, %ne3A_998 : vector<16xi1>
    %and3A_1000 = arith.andi %ne3A_999, %ne3A_991 : vector<16xi1>
    %add3A_1001 = vector.broadcast %select_n3A_986 : i32 to vector<16xi32>
    %add3A_1002 = arith.addi %rem3A_988, %add3A_1001 : vector<16xi32>
    %select_n3A_1003 = arith.select %and3A_1000, %add3A_1002, %rem3A_988 : vector<16xi1>, vector<16xi32>
    %select_n3A_1004 = arith.select %ge3A_965, %sub3A_981, %select_n3A_1003 : vector<16xi1>, vector<16xi32>
    %swap3A_1005 = arith.constant 224 : index
    %swap3A_1006 = tpu.vector_load %arg8[%swap3A_1005] {strides = array<i32>} : memref<512xi32, #tpu.memory_space<vmem>>, vector<16xi32>,
    %swap3A_1007 = vector.shape_cast %swap3A_1006 : vector<16xi32> to vector<16xi32>
    %swap3A_1008 = vector.shape_cast %select_n3A_1004 : vector<16xi32> to vector<16xi32>
    tpu.vector_store %arg8[%swap3A_1005], %swap3A_1008 {strides = array<i32>} : memref<512xi32, #tpu.memory_space<vmem>>, vector<16xi32>,
    %add3A_1009 = arith.constant 224 : i32
    %add3A_1010 = arith.addi %mul3A_4, %add3A_1009 : i32
    %add3A_1011 = vector.broadcast %add3A_1010 : i32 to vector<16xi32>
    %add3A_1012 = arith.addi %add3A_1011, %iota3A : vector<16xi32>
    %add3A_1013 = arith.constant 224 : i32
    %add3A_1014 = vector.broadcast %add3A_1013 : i32 to vector<16xi32>
    %add3A_1015 = arith.addi %add3A_1014, %iota3A : vector<16xi32>
    %add3A_1016 = arith.constant 8192 : i32
    %add3A_1017 = vector.broadcast %add3A_1016 : i32 to vector<16xi32>
    %add3A_1018 = arith.addi %add3A_1017, %add3A_1015 : vector<16xi32>
    %select_n3A_1019 = arith.select %ge3A_965, %add3A_1018, %add3A_1012 : vector<16xi1>, vector<16xi32>
    %swap3A_1020 = arith.constant 224 : index
    %swap3A_1021 = tpu.vector_load %arg9[%swap3A_1020] {strides = array<i32>} : memref<512xi32, #tpu.memory_space<vmem>>, vector<16xi32>,
    %swap3A_1022 = vector.shape_cast %swap3A_1021 : vector<16xi32> to vector<16xi32>
    %swap3A_1023 = vector.shape_cast %select_n3A_1019 : vector<16xi32> to vector<16xi32>
    tpu.vector_store %arg9[%swap3A_1020], %swap3A_1023 {strides = array<i32>} : memref<512xi32, #tpu.memory_space<vmem>>, vector<16xi32>,
    %select_n3A_1024 = arith.select %ge3A_965, %add3A_1012, %add3A_1018 : vector<16xi1>, vector<16xi32>
    %swap3A_1025 = arith.constant 224 : index
    %swap3A_1026 = tpu.vector_load %arg10[%swap3A_1025] {strides = array<i32>} : memref<512xi32, #tpu.memory_space<vmem>>, vector<16xi32>,
    %swap3A_1027 = vector.shape_cast %swap3A_1026 : vector<16xi32> to vector<16xi32>
    %swap3A_1028 = vector.shape_cast %select_n3A_1024 : vector<16xi32> to vector<16xi32>
    tpu.vector_store %arg10[%swap3A_1025], %swap3A_1028 {strides = array<i32>} : memref<512xi32, #tpu.memory_space<vmem>>, vector<16xi32>,
    %get3A_1029 = arith.constant 240 : index
    %get3A_1030 = tpu.vector_load %arg6[%get3A_1029] {strides = array<i32>} : memref<512xi32, #tpu.memory_space<vmem>>, vector<16xi32>,
    %get3A_1031 = vector.shape_cast %get3A_1030 : vector<16xi32> to vector<16xi32>
    %ge3A_1032 = arith.constant 900000 : i32
    %ge3A_1033 = vector.broadcast %ge3A_1032 : i32 to vector<16xi32>
    %ge3A_1034 = arith.cmpi sge, %get3A_1031, %ge3A_1033 : vector<16xi32>
    %mul3A_1035 = arith.constant 32 : i32
    %mul3A_1036 = arith.muli %arg1, %mul3A_1035 : i32
    %add3A_1037 = arith.constant 15 : i32
    %add3A_1038 = arith.addi %mul3A_1036, %add3A_1037 : i32
    %mul3A_1039 = arith.constant 16 : i32
    %mul3A_1040 = arith.muli %add3A_1038, %mul3A_1039 : i32
    %add3A_1041 = vector.broadcast %mul3A_1040 : i32 to vector<16xi32>
    %add3A_1042 = arith.addi %add3A_1041, %iota3A : vector<16xi32>
    %select_n3A_1043 = arith.select %ge3A_1034, %add3A_1042, %get3A_1031 : vector<16xi1>, vector<16xi32>
    %swap3A_1044 = arith.constant 240 : index
    %swap3A_1045 = tpu.vector_load %arg7[%swap3A_1044] {strides = array<i32>} : memref<512xi32, #tpu.memory_space<vmem>>, vector<16xi32>,
    %swap3A_1046 = vector.shape_cast %swap3A_1045 : vector<16xi32> to vector<16xi32>
    %swap3A_1047 = vector.shape_cast %select_n3A_1043 : vector<16xi32> to vector<16xi32>
    tpu.vector_store %arg7[%swap3A_1044], %swap3A_1047 {strides = array<i32>} : memref<512xi32, #tpu.memory_space<vmem>>, vector<16xi32>,
    %sub3A_1048 = arith.constant 900000 : i32
    %sub3A_1049 = vector.broadcast %sub3A_1048 : i32 to vector<16xi32>
    %sub3A_1050 = arith.subi %get3A_1031, %sub3A_1049 : vector<16xi32>
    %jit3A_1051 = arith.constant 100000 : i32
    %eq3A_1052 = arith.constant 0 : i32
    %eq3A_1053 = arith.cmpi eq, %jit3A_1051, %eq3A_1052 : i32
    %jit3A_1054 = arith.constant 1 : i32
    %select_n3A_1055 = arith.select %eq3A_1053, %jit3A_1054, %jit3A_1051 : i32
    %rem3A_1056 = vector.broadcast %select_n3A_1055 : i32 to vector<16xi32>
    %rem3A_1057 = arith.remsi %add3A_1042, %rem3A_1056 : vector<16xi32>
    %ne3A_1058 = arith.constant 0 : i32
    %ne3A_1059 = vector.broadcast %ne3A_1058 : i32 to vector<16xi32>
    %ne3A_1060 = arith.cmpi ne, %rem3A_1057, %ne3A_1059 : vector<16xi32>
    %lt3A_1061 = arith.constant 0 : i32
    %lt3A_1062 = vector.broadcast %lt3A_1061 : i32 to vector<16xi32>
    %lt3A_1063 = arith.cmpi slt, %rem3A_1057, %lt3A_1062 : vector<16xi32>
    %lt3A_1064 = arith.constant 0 : i32
    %lt3A_1065 = arith.cmpi slt, %select_n3A_1055, %lt3A_1064 : i32
    %ne3A_1066 = vector.broadcast %lt3A_1065 : i1 to vector<16xi1>
    %ne3A_1067 = vector.broadcast %ne3A_1066 : vector<16xi1> to vector<16xi1>
    %ne3A_1068 = arith.xori %lt3A_1063, %ne3A_1067 : vector<16xi1>
    %and3A_1069 = arith.andi %ne3A_1068, %ne3A_1060 : vector<16xi1>
    %add3A_1070 = vector.broadcast %select_n3A_1055 : i32 to vector<16xi32>
    %add3A_1071 = arith.addi %rem3A_1057, %add3A_1070 : vector<16xi32>
    %select_n3A_1072 = arith.select %and3A_1069, %add3A_1071, %rem3A_1057 : vector<16xi1>, vector<16xi32>
    %select_n3A_1073 = arith.select %ge3A_1034, %sub3A_1050, %select_n3A_1072 : vector<16xi1>, vector<16xi32>
    %swap3A_1074 = arith.constant 240 : index
    %swap3A_1075 = tpu.vector_load %arg8[%swap3A_1074] {strides = array<i32>} : memref<512xi32, #tpu.memory_space<vmem>>, vector<16xi32>,
    %swap3A_1076 = vector.shape_cast %swap3A_1075 : vector<16xi32> to vector<16xi32>
    %swap3A_1077 = vector.shape_cast %select_n3A_1073 : vector<16xi32> to vector<16xi32>
    tpu.vector_store %arg8[%swap3A_1074], %swap3A_1077 {strides = array<i32>} : memref<512xi32, #tpu.memory_space<vmem>>, vector<16xi32>,
    %add3A_1078 = arith.constant 240 : i32
    %add3A_1079 = arith.addi %mul3A_4, %add3A_1078 : i32
    %add3A_1080 = vector.broadcast %add3A_1079 : i32 to vector<16xi32>
    %add3A_1081 = arith.addi %add3A_1080, %iota3A : vector<16xi32>
    %add3A_1082 = arith.constant 240 : i32
    %add3A_1083 = vector.broadcast %add3A_1082 : i32 to vector<16xi32>
    %add3A_1084 = arith.addi %add3A_1083, %iota3A : vector<16xi32>
    %add3A_1085 = arith.constant 8192 : i32
    %add3A_1086 = vector.broadcast %add3A_1085 : i32 to vector<16xi32>
    %add3A_1087 = arith.addi %add3A_1086, %add3A_1084 : vector<16xi32>
    %select_n3A_1088 = arith.select %ge3A_1034, %add3A_1087, %add3A_1081 : vector<16xi1>, vector<16xi32>
    %swap3A_1089 = arith.constant 240 : index
    %swap3A_1090 = tpu.vector_load %arg9[%swap3A_1089] {strides = array<i32>} : memref<512xi32, #tpu.memory_space<vmem>>, vector<16xi32>,
    %swap3A_1091 = vector.shape_cast %swap3A_1090 : vector<16xi32> to vector<16xi32>
    %swap3A_1092 = vector.shape_cast %select_n3A_1088 : vector<16xi32> to vector<16xi32>
    tpu.vector_store %arg9[%swap3A_1089], %swap3A_1092 {strides = array<i32>} : memref<512xi32, #tpu.memory_space<vmem>>, vector<16xi32>,
    %select_n3A_1093 = arith.select %ge3A_1034, %add3A_1081, %add3A_1087 : vector<16xi1>, vector<16xi32>
    %swap3A_1094 = arith.constant 240 : index
    %swap3A_1095 = tpu.vector_load %arg10[%swap3A_1094] {strides = array<i32>} : memref<512xi32, #tpu.memory_space<vmem>>, vector<16xi32>,
    %swap3A_1096 = vector.shape_cast %swap3A_1095 : vector<16xi32> to vector<16xi32>
    %swap3A_1097 = vector.shape_cast %select_n3A_1093 : vector<16xi32> to vector<16xi32>
    tpu.vector_store %arg10[%swap3A_1094], %swap3A_1097 {strides = array<i32>} : memref<512xi32, #tpu.memory_space<vmem>>, vector<16xi32>,
    %get3A_1098 = arith.constant 256 : index
    %get3A_1099 = tpu.vector_load %arg6[%get3A_1098] {strides = array<i32>} : memref<512xi32, #tpu.memory_space<vmem>>, vector<16xi32>,
    %get3A_1100 = vector.shape_cast %get3A_1099 : vector<16xi32> to vector<16xi32>
    %ge3A_1101 = arith.constant 900000 : i32
    %ge3A_1102 = vector.broadcast %ge3A_1101 : i32 to vector<16xi32>
    %ge3A_1103 = arith.cmpi sge, %get3A_1100, %ge3A_1102 : vector<16xi32>
    %mul3A_1104 = arith.constant 32 : i32
    %mul3A_1105 = arith.muli %arg1, %mul3A_1104 : i32
    %add3A_1106 = arith.constant 16 : i32
    %add3A_1107 = arith.addi %mul3A_1105, %add3A_1106 : i32
    %mul3A_1108 = arith.constant 16 : i32
    %mul3A_1109 = arith.muli %add3A_1107, %mul3A_1108 : i32
    %add3A_1110 = vector.broadcast %mul3A_1109 : i32 to vector<16xi32>
    %add3A_1111 = arith.addi %add3A_1110, %iota3A : vector<16xi32>
    %select_n3A_1112 = arith.select %ge3A_1103, %add3A_1111, %get3A_1100 : vector<16xi1>, vector<16xi32>
    %swap3A_1113 = arith.constant 256 : index
    %swap3A_1114 = tpu.vector_load %arg7[%swap3A_1113] {strides = array<i32>} : memref<512xi32, #tpu.memory_space<vmem>>, vector<16xi32>,
    %swap3A_1115 = vector.shape_cast %swap3A_1114 : vector<16xi32> to vector<16xi32>
    %swap3A_1116 = vector.shape_cast %select_n3A_1112 : vector<16xi32> to vector<16xi32>
    tpu.vector_store %arg7[%swap3A_1113], %swap3A_1116 {strides = array<i32>} : memref<512xi32, #tpu.memory_space<vmem>>, vector<16xi32>,
    %sub3A_1117 = arith.constant 900000 : i32
    %sub3A_1118 = vector.broadcast %sub3A_1117 : i32 to vector<16xi32>
    %sub3A_1119 = arith.subi %get3A_1100, %sub3A_1118 : vector<16xi32>
    %jit3A_1120 = arith.constant 100000 : i32
    %eq3A_1121 = arith.constant 0 : i32
    %eq3A_1122 = arith.cmpi eq, %jit3A_1120, %eq3A_1121 : i32
    %jit3A_1123 = arith.constant 1 : i32
    %select_n3A_1124 = arith.select %eq3A_1122, %jit3A_1123, %jit3A_1120 : i32
    %rem3A_1125 = vector.broadcast %select_n3A_1124 : i32 to vector<16xi32>
    %rem3A_1126 = arith.remsi %add3A_1111, %rem3A_1125 : vector<16xi32>
    %ne3A_1127 = arith.constant 0 : i32
    %ne3A_1128 = vector.broadcast %ne3A_1127 : i32 to vector<16xi32>
    %ne3A_1129 = arith.cmpi ne, %rem3A_1126, %ne3A_1128 : vector<16xi32>
    %lt3A_1130 = arith.constant 0 : i32
    %lt3A_1131 = vector.broadcast %lt3A_1130 : i32 to vector<16xi32>
    %lt3A_1132 = arith.cmpi slt, %rem3A_1126, %lt3A_1131 : vector<16xi32>
    %lt3A_1133 = arith.constant 0 : i32
    %lt3A_1134 = arith.cmpi slt, %select_n3A_1124, %lt3A_1133 : i32
    %ne3A_1135 = vector.broadcast %lt3A_1134 : i1 to vector<16xi1>
    %ne3A_1136 = vector.broadcast %ne3A_1135 : vector<16xi1> to vector<16xi1>
    %ne3A_1137 = arith.xori %lt3A_1132, %ne3A_1136 : vector<16xi1>
    %and3A_1138 = arith.andi %ne3A_1137, %ne3A_1129 : vector<16xi1>
    %add3A_1139 = vector.broadcast %select_n3A_1124 : i32 to vector<16xi32>
    %add3A_1140 = arith.addi %rem3A_1126, %add3A_1139 : vector<16xi32>
    %select_n3A_1141 = arith.select %and3A_1138, %add3A_1140, %rem3A_1126 : vector<16xi1>, vector<16xi32>
    %select_n3A_1142 = arith.select %ge3A_1103, %sub3A_1119, %select_n3A_1141 : vector<16xi1>, vector<16xi32>
    %swap3A_1143 = arith.constant 256 : index
    %swap3A_1144 = tpu.vector_load %arg8[%swap3A_1143] {strides = array<i32>} : memref<512xi32, #tpu.memory_space<vmem>>, vector<16xi32>,
    %swap3A_1145 = vector.shape_cast %swap3A_1144 : vector<16xi32> to vector<16xi32>
    %swap3A_1146 = vector.shape_cast %select_n3A_1142 : vector<16xi32> to vector<16xi32>
    tpu.vector_store %arg8[%swap3A_1143], %swap3A_1146 {strides = array<i32>} : memref<512xi32, #tpu.memory_space<vmem>>, vector<16xi32>,
    %add3A_1147 = arith.constant 256 : i32
    %add3A_1148 = arith.addi %mul3A_4, %add3A_1147 : i32
    %add3A_1149 = vector.broadcast %add3A_1148 : i32 to vector<16xi32>
    %add3A_1150 = arith.addi %add3A_1149, %iota3A : vector<16xi32>
    %add3A_1151 = arith.constant 256 : i32
    %add3A_1152 = vector.broadcast %add3A_1151 : i32 to vector<16xi32>
    %add3A_1153 = arith.addi %add3A_1152, %iota3A : vector<16xi32>
    %add3A_1154 = arith.constant 8192 : i32
    %add3A_1155 = vector.broadcast %add3A_1154 : i32 to vector<16xi32>
    %add3A_1156 = arith.addi %add3A_1155, %add3A_1153 : vector<16xi32>
    %select_n3A_1157 = arith.select %ge3A_1103, %add3A_1156, %add3A_1150 : vector<16xi1>, vector<16xi32>
    %swap3A_1158 = arith.constant 256 : index
    %swap3A_1159 = tpu.vector_load %arg9[%swap3A_1158] {strides = array<i32>} : memref<512xi32, #tpu.memory_space<vmem>>, vector<16xi32>,
    %swap3A_1160 = vector.shape_cast %swap3A_1159 : vector<16xi32> to vector<16xi32>
    %swap3A_1161 = vector.shape_cast %select_n3A_1157 : vector<16xi32> to vector<16xi32>
    tpu.vector_store %arg9[%swap3A_1158], %swap3A_1161 {strides = array<i32>} : memref<512xi32, #tpu.memory_space<vmem>>, vector<16xi32>,
    %select_n3A_1162 = arith.select %ge3A_1103, %add3A_1150, %add3A_1156 : vector<16xi1>, vector<16xi32>
    %swap3A_1163 = arith.constant 256 : index
    %swap3A_1164 = tpu.vector_load %arg10[%swap3A_1163] {strides = array<i32>} : memref<512xi32, #tpu.memory_space<vmem>>, vector<16xi32>,
    %swap3A_1165 = vector.shape_cast %swap3A_1164 : vector<16xi32> to vector<16xi32>
    %swap3A_1166 = vector.shape_cast %select_n3A_1162 : vector<16xi32> to vector<16xi32>
    tpu.vector_store %arg10[%swap3A_1163], %swap3A_1166 {strides = array<i32>} : memref<512xi32, #tpu.memory_space<vmem>>, vector<16xi32>,
    %get3A_1167 = arith.constant 272 : index
    %get3A_1168 = tpu.vector_load %arg6[%get3A_1167] {strides = array<i32>} : memref<512xi32, #tpu.memory_space<vmem>>, vector<16xi32>,
    %get3A_1169 = vector.shape_cast %get3A_1168 : vector<16xi32> to vector<16xi32>
    %ge3A_1170 = arith.constant 900000 : i32
    %ge3A_1171 = vector.broadcast %ge3A_1170 : i32 to vector<16xi32>
    %ge3A_1172 = arith.cmpi sge, %get3A_1169, %ge3A_1171 : vector<16xi32>
    %mul3A_1173 = arith.constant 32 : i32
    %mul3A_1174 = arith.muli %arg1, %mul3A_1173 : i32
    %add3A_1175 = arith.constant 17 : i32
    %add3A_1176 = arith.addi %mul3A_1174, %add3A_1175 : i32
    %mul3A_1177 = arith.constant 16 : i32
    %mul3A_1178 = arith.muli %add3A_1176, %mul3A_1177 : i32
    %add3A_1179 = vector.broadcast %mul3A_1178 : i32 to vector<16xi32>
    %add3A_1180 = arith.addi %add3A_1179, %iota3A : vector<16xi32>
    %select_n3A_1181 = arith.select %ge3A_1172, %add3A_1180, %get3A_1169 : vector<16xi1>, vector<16xi32>
    %swap3A_1182 = arith.constant 272 : index
    %swap3A_1183 = tpu.vector_load %arg7[%swap3A_1182] {strides = array<i32>} : memref<512xi32, #tpu.memory_space<vmem>>, vector<16xi32>,
    %swap3A_1184 = vector.shape_cast %swap3A_1183 : vector<16xi32> to vector<16xi32>
    %swap3A_1185 = vector.shape_cast %select_n3A_1181 : vector<16xi32> to vector<16xi32>
    tpu.vector_store %arg7[%swap3A_1182], %swap3A_1185 {strides = array<i32>} : memref<512xi32, #tpu.memory_space<vmem>>, vector<16xi32>,
    %sub3A_1186 = arith.constant 900000 : i32
    %sub3A_1187 = vector.broadcast %sub3A_1186 : i32 to vector<16xi32>
    %sub3A_1188 = arith.subi %get3A_1169, %sub3A_1187 : vector<16xi32>
    %jit3A_1189 = arith.constant 100000 : i32
    %eq3A_1190 = arith.constant 0 : i32
    %eq3A_1191 = arith.cmpi eq, %jit3A_1189, %eq3A_1190 : i32
    %jit3A_1192 = arith.constant 1 : i32
    %select_n3A_1193 = arith.select %eq3A_1191, %jit3A_1192, %jit3A_1189 : i32
    %rem3A_1194 = vector.broadcast %select_n3A_1193 : i32 to vector<16xi32>
    %rem3A_1195 = arith.remsi %add3A_1180, %rem3A_1194 : vector<16xi32>
    %ne3A_1196 = arith.constant 0 : i32
    %ne3A_1197 = vector.broadcast %ne3A_1196 : i32 to vector<16xi32>
    %ne3A_1198 = arith.cmpi ne, %rem3A_1195, %ne3A_1197 : vector<16xi32>
    %lt3A_1199 = arith.constant 0 : i32
    %lt3A_1200 = vector.broadcast %lt3A_1199 : i32 to vector<16xi32>
    %lt3A_1201 = arith.cmpi slt, %rem3A_1195, %lt3A_1200 : vector<16xi32>
    %lt3A_1202 = arith.constant 0 : i32
    %lt3A_1203 = arith.cmpi slt, %select_n3A_1193, %lt3A_1202 : i32
    %ne3A_1204 = vector.broadcast %lt3A_1203 : i1 to vector<16xi1>
    %ne3A_1205 = vector.broadcast %ne3A_1204 : vector<16xi1> to vector<16xi1>
    %ne3A_1206 = arith.xori %lt3A_1201, %ne3A_1205 : vector<16xi1>
    %and3A_1207 = arith.andi %ne3A_1206, %ne3A_1198 : vector<16xi1>
    %add3A_1208 = vector.broadcast %select_n3A_1193 : i32 to vector<16xi32>
    %add3A_1209 = arith.addi %rem3A_1195, %add3A_1208 : vector<16xi32>
    %select_n3A_1210 = arith.select %and3A_1207, %add3A_1209, %rem3A_1195 : vector<16xi1>, vector<16xi32>
    %select_n3A_1211 = arith.select %ge3A_1172, %sub3A_1188, %select_n3A_1210 : vector<16xi1>, vector<16xi32>
    %swap3A_1212 = arith.constant 272 : index
    %swap3A_1213 = tpu.vector_load %arg8[%swap3A_1212] {strides = array<i32>} : memref<512xi32, #tpu.memory_space<vmem>>, vector<16xi32>,
    %swap3A_1214 = vector.shape_cast %swap3A_1213 : vector<16xi32> to vector<16xi32>
    %swap3A_1215 = vector.shape_cast %select_n3A_1211 : vector<16xi32> to vector<16xi32>
    tpu.vector_store %arg8[%swap3A_1212], %swap3A_1215 {strides = array<i32>} : memref<512xi32, #tpu.memory_space<vmem>>, vector<16xi32>,
    %add3A_1216 = arith.constant 272 : i32
    %add3A_1217 = arith.addi %mul3A_4, %add3A_1216 : i32
    %add3A_1218 = vector.broadcast %add3A_1217 : i32 to vector<16xi32>
    %add3A_1219 = arith.addi %add3A_1218, %iota3A : vector<16xi32>
    %add3A_1220 = arith.constant 272 : i32
    %add3A_1221 = vector.broadcast %add3A_1220 : i32 to vector<16xi32>
    %add3A_1222 = arith.addi %add3A_1221, %iota3A : vector<16xi32>
    %add3A_1223 = arith.constant 8192 : i32
    %add3A_1224 = vector.broadcast %add3A_1223 : i32 to vector<16xi32>
    %add3A_1225 = arith.addi %add3A_1224, %add3A_1222 : vector<16xi32>
    %select_n3A_1226 = arith.select %ge3A_1172, %add3A_1225, %add3A_1219 : vector<16xi1>, vector<16xi32>
    %swap3A_1227 = arith.constant 272 : index
    %swap3A_1228 = tpu.vector_load %arg9[%swap3A_1227] {strides = array<i32>} : memref<512xi32, #tpu.memory_space<vmem>>, vector<16xi32>,
    %swap3A_1229 = vector.shape_cast %swap3A_1228 : vector<16xi32> to vector<16xi32>
    %swap3A_1230 = vector.shape_cast %select_n3A_1226 : vector<16xi32> to vector<16xi32>
    tpu.vector_store %arg9[%swap3A_1227], %swap3A_1230 {strides = array<i32>} : memref<512xi32, #tpu.memory_space<vmem>>, vector<16xi32>,
    %select_n3A_1231 = arith.select %ge3A_1172, %add3A_1219, %add3A_1225 : vector<16xi1>, vector<16xi32>
    %swap3A_1232 = arith.constant 272 : index
    %swap3A_1233 = tpu.vector_load %arg10[%swap3A_1232] {strides = array<i32>} : memref<512xi32, #tpu.memory_space<vmem>>, vector<16xi32>,
    %swap3A_1234 = vector.shape_cast %swap3A_1233 : vector<16xi32> to vector<16xi32>
    %swap3A_1235 = vector.shape_cast %select_n3A_1231 : vector<16xi32> to vector<16xi32>
    tpu.vector_store %arg10[%swap3A_1232], %swap3A_1235 {strides = array<i32>} : memref<512xi32, #tpu.memory_space<vmem>>, vector<16xi32>,
    %get3A_1236 = arith.constant 288 : index
    %get3A_1237 = tpu.vector_load %arg6[%get3A_1236] {strides = array<i32>} : memref<512xi32, #tpu.memory_space<vmem>>, vector<16xi32>,
    %get3A_1238 = vector.shape_cast %get3A_1237 : vector<16xi32> to vector<16xi32>
    %ge3A_1239 = arith.constant 900000 : i32
    %ge3A_1240 = vector.broadcast %ge3A_1239 : i32 to vector<16xi32>
    %ge3A_1241 = arith.cmpi sge, %get3A_1238, %ge3A_1240 : vector<16xi32>
    %mul3A_1242 = arith.constant 32 : i32
    %mul3A_1243 = arith.muli %arg1, %mul3A_1242 : i32
    %add3A_1244 = arith.constant 18 : i32
    %add3A_1245 = arith.addi %mul3A_1243, %add3A_1244 : i32
    %mul3A_1246 = arith.constant 16 : i32
    %mul3A_1247 = arith.muli %add3A_1245, %mul3A_1246 : i32
    %add3A_1248 = vector.broadcast %mul3A_1247 : i32 to vector<16xi32>
    %add3A_1249 = arith.addi %add3A_1248, %iota3A : vector<16xi32>
    %select_n3A_1250 = arith.select %ge3A_1241, %add3A_1249, %get3A_1238 : vector<16xi1>, vector<16xi32>
    %swap3A_1251 = arith.constant 288 : index
    %swap3A_1252 = tpu.vector_load %arg7[%swap3A_1251] {strides = array<i32>} : memref<512xi32, #tpu.memory_space<vmem>>, vector<16xi32>,
    %swap3A_1253 = vector.shape_cast %swap3A_1252 : vector<16xi32> to vector<16xi32>
    %swap3A_1254 = vector.shape_cast %select_n3A_1250 : vector<16xi32> to vector<16xi32>
    tpu.vector_store %arg7[%swap3A_1251], %swap3A_1254 {strides = array<i32>} : memref<512xi32, #tpu.memory_space<vmem>>, vector<16xi32>,
    %sub3A_1255 = arith.constant 900000 : i32
    %sub3A_1256 = vector.broadcast %sub3A_1255 : i32 to vector<16xi32>
    %sub3A_1257 = arith.subi %get3A_1238, %sub3A_1256 : vector<16xi32>
    %jit3A_1258 = arith.constant 100000 : i32
    %eq3A_1259 = arith.constant 0 : i32
    %eq3A_1260 = arith.cmpi eq, %jit3A_1258, %eq3A_1259 : i32
    %jit3A_1261 = arith.constant 1 : i32
    %select_n3A_1262 = arith.select %eq3A_1260, %jit3A_1261, %jit3A_1258 : i32
    %rem3A_1263 = vector.broadcast %select_n3A_1262 : i32 to vector<16xi32>
    %rem3A_1264 = arith.remsi %add3A_1249, %rem3A_1263 : vector<16xi32>
    %ne3A_1265 = arith.constant 0 : i32
    %ne3A_1266 = vector.broadcast %ne3A_1265 : i32 to vector<16xi32>
    %ne3A_1267 = arith.cmpi ne, %rem3A_1264, %ne3A_1266 : vector<16xi32>
    %lt3A_1268 = arith.constant 0 : i32
    %lt3A_1269 = vector.broadcast %lt3A_1268 : i32 to vector<16xi32>
    %lt3A_1270 = arith.cmpi slt, %rem3A_1264, %lt3A_1269 : vector<16xi32>
    %lt3A_1271 = arith.constant 0 : i32
    %lt3A_1272 = arith.cmpi slt, %select_n3A_1262, %lt3A_1271 : i32
    %ne3A_1273 = vector.broadcast %lt3A_1272 : i1 to vector<16xi1>
    %ne3A_1274 = vector.broadcast %ne3A_1273 : vector<16xi1> to vector<16xi1>
    %ne3A_1275 = arith.xori %lt3A_1270, %ne3A_1274 : vector<16xi1>
    %and3A_1276 = arith.andi %ne3A_1275, %ne3A_1267 : vector<16xi1>
    %add3A_1277 = vector.broadcast %select_n3A_1262 : i32 to vector<16xi32>
    %add3A_1278 = arith.addi %rem3A_1264, %add3A_1277 : vector<16xi32>
    %select_n3A_1279 = arith.select %and3A_1276, %add3A_1278, %rem3A_1264 : vector<16xi1>, vector<16xi32>
    %select_n3A_1280 = arith.select %ge3A_1241, %sub3A_1257, %select_n3A_1279 : vector<16xi1>, vector<16xi32>
    %swap3A_1281 = arith.constant 288 : index
    %swap3A_1282 = tpu.vector_load %arg8[%swap3A_1281] {strides = array<i32>} : memref<512xi32, #tpu.memory_space<vmem>>, vector<16xi32>,
    %swap3A_1283 = vector.shape_cast %swap3A_1282 : vector<16xi32> to vector<16xi32>
    %swap3A_1284 = vector.shape_cast %select_n3A_1280 : vector<16xi32> to vector<16xi32>
    tpu.vector_store %arg8[%swap3A_1281], %swap3A_1284 {strides = array<i32>} : memref<512xi32, #tpu.memory_space<vmem>>, vector<16xi32>,
    %add3A_1285 = arith.constant 288 : i32
    %add3A_1286 = arith.addi %mul3A_4, %add3A_1285 : i32
    %add3A_1287 = vector.broadcast %add3A_1286 : i32 to vector<16xi32>
    %add3A_1288 = arith.addi %add3A_1287, %iota3A : vector<16xi32>
    %add3A_1289 = arith.constant 288 : i32
    %add3A_1290 = vector.broadcast %add3A_1289 : i32 to vector<16xi32>
    %add3A_1291 = arith.addi %add3A_1290, %iota3A : vector<16xi32>
    %add3A_1292 = arith.constant 8192 : i32
    %add3A_1293 = vector.broadcast %add3A_1292 : i32 to vector<16xi32>
    %add3A_1294 = arith.addi %add3A_1293, %add3A_1291 : vector<16xi32>
    %select_n3A_1295 = arith.select %ge3A_1241, %add3A_1294, %add3A_1288 : vector<16xi1>, vector<16xi32>
    %swap3A_1296 = arith.constant 288 : index
    %swap3A_1297 = tpu.vector_load %arg9[%swap3A_1296] {strides = array<i32>} : memref<512xi32, #tpu.memory_space<vmem>>, vector<16xi32>,
    %swap3A_1298 = vector.shape_cast %swap3A_1297 : vector<16xi32> to vector<16xi32>
    %swap3A_1299 = vector.shape_cast %select_n3A_1295 : vector<16xi32> to vector<16xi32>
    tpu.vector_store %arg9[%swap3A_1296], %swap3A_1299 {strides = array<i32>} : memref<512xi32, #tpu.memory_space<vmem>>, vector<16xi32>,
    %select_n3A_1300 = arith.select %ge3A_1241, %add3A_1288, %add3A_1294 : vector<16xi1>, vector<16xi32>
    %swap3A_1301 = arith.constant 288 : index
    %swap3A_1302 = tpu.vector_load %arg10[%swap3A_1301] {strides = array<i32>} : memref<512xi32, #tpu.memory_space<vmem>>, vector<16xi32>,
    %swap3A_1303 = vector.shape_cast %swap3A_1302 : vector<16xi32> to vector<16xi32>
    %swap3A_1304 = vector.shape_cast %select_n3A_1300 : vector<16xi32> to vector<16xi32>
    tpu.vector_store %arg10[%swap3A_1301], %swap3A_1304 {strides = array<i32>} : memref<512xi32, #tpu.memory_space<vmem>>, vector<16xi32>,
    %get3A_1305 = arith.constant 304 : index
    %get3A_1306 = tpu.vector_load %arg6[%get3A_1305] {strides = array<i32>} : memref<512xi32, #tpu.memory_space<vmem>>, vector<16xi32>,
    %get3A_1307 = vector.shape_cast %get3A_1306 : vector<16xi32> to vector<16xi32>
    %ge3A_1308 = arith.constant 900000 : i32
    %ge3A_1309 = vector.broadcast %ge3A_1308 : i32 to vector<16xi32>
    %ge3A_1310 = arith.cmpi sge, %get3A_1307, %ge3A_1309 : vector<16xi32>
    %mul3A_1311 = arith.constant 32 : i32
    %mul3A_1312 = arith.muli %arg1, %mul3A_1311 : i32
    %add3A_1313 = arith.constant 19 : i32
    %add3A_1314 = arith.addi %mul3A_1312, %add3A_1313 : i32
    %mul3A_1315 = arith.constant 16 : i32
    %mul3A_1316 = arith.muli %add3A_1314, %mul3A_1315 : i32
    %add3A_1317 = vector.broadcast %mul3A_1316 : i32 to vector<16xi32>
    %add3A_1318 = arith.addi %add3A_1317, %iota3A : vector<16xi32>
    %select_n3A_1319 = arith.select %ge3A_1310, %add3A_1318, %get3A_1307 : vector<16xi1>, vector<16xi32>
    %swap3A_1320 = arith.constant 304 : index
    %swap3A_1321 = tpu.vector_load %arg7[%swap3A_1320] {strides = array<i32>} : memref<512xi32, #tpu.memory_space<vmem>>, vector<16xi32>,
    %swap3A_1322 = vector.shape_cast %swap3A_1321 : vector<16xi32> to vector<16xi32>
    %swap3A_1323 = vector.shape_cast %select_n3A_1319 : vector<16xi32> to vector<16xi32>
    tpu.vector_store %arg7[%swap3A_1320], %swap3A_1323 {strides = array<i32>} : memref<512xi32, #tpu.memory_space<vmem>>, vector<16xi32>,
    %sub3A_1324 = arith.constant 900000 : i32
    %sub3A_1325 = vector.broadcast %sub3A_1324 : i32 to vector<16xi32>
    %sub3A_1326 = arith.subi %get3A_1307, %sub3A_1325 : vector<16xi32>
    %jit3A_1327 = arith.constant 100000 : i32
    %eq3A_1328 = arith.constant 0 : i32
    %eq3A_1329 = arith.cmpi eq, %jit3A_1327, %eq3A_1328 : i32
    %jit3A_1330 = arith.constant 1 : i32
    %select_n3A_1331 = arith.select %eq3A_1329, %jit3A_1330, %jit3A_1327 : i32
    %rem3A_1332 = vector.broadcast %select_n3A_1331 : i32 to vector<16xi32>
    %rem3A_1333 = arith.remsi %add3A_1318, %rem3A_1332 : vector<16xi32>
    %ne3A_1334 = arith.constant 0 : i32
    %ne3A_1335 = vector.broadcast %ne3A_1334 : i32 to vector<16xi32>
    %ne3A_1336 = arith.cmpi ne, %rem3A_1333, %ne3A_1335 : vector<16xi32>
    %lt3A_1337 = arith.constant 0 : i32
    %lt3A_1338 = vector.broadcast %lt3A_1337 : i32 to vector<16xi32>
    %lt3A_1339 = arith.cmpi slt, %rem3A_1333, %lt3A_1338 : vector<16xi32>
    %lt3A_1340 = arith.constant 0 : i32
    %lt3A_1341 = arith.cmpi slt, %select_n3A_1331, %lt3A_1340 : i32
    %ne3A_1342 = vector.broadcast %lt3A_1341 : i1 to vector<16xi1>
    %ne3A_1343 = vector.broadcast %ne3A_1342 : vector<16xi1> to vector<16xi1>
    %ne3A_1344 = arith.xori %lt3A_1339, %ne3A_1343 : vector<16xi1>
    %and3A_1345 = arith.andi %ne3A_1344, %ne3A_1336 : vector<16xi1>
    %add3A_1346 = vector.broadcast %select_n3A_1331 : i32 to vector<16xi32>
    %add3A_1347 = arith.addi %rem3A_1333, %add3A_1346 : vector<16xi32>
    %select_n3A_1348 = arith.select %and3A_1345, %add3A_1347, %rem3A_1333 : vector<16xi1>, vector<16xi32>
    %select_n3A_1349 = arith.select %ge3A_1310, %sub3A_1326, %select_n3A_1348 : vector<16xi1>, vector<16xi32>
    %swap3A_1350 = arith.constant 304 : index
    %swap3A_1351 = tpu.vector_load %arg8[%swap3A_1350] {strides = array<i32>} : memref<512xi32, #tpu.memory_space<vmem>>, vector<16xi32>,
    %swap3A_1352 = vector.shape_cast %swap3A_1351 : vector<16xi32> to vector<16xi32>
    %swap3A_1353 = vector.shape_cast %select_n3A_1349 : vector<16xi32> to vector<16xi32>
    tpu.vector_store %arg8[%swap3A_1350], %swap3A_1353 {strides = array<i32>} : memref<512xi32, #tpu.memory_space<vmem>>, vector<16xi32>,
    %add3A_1354 = arith.constant 304 : i32
    %add3A_1355 = arith.addi %mul3A_4, %add3A_1354 : i32
    %add3A_1356 = vector.broadcast %add3A_1355 : i32 to vector<16xi32>
    %add3A_1357 = arith.addi %add3A_1356, %iota3A : vector<16xi32>
    %add3A_1358 = arith.constant 304 : i32
    %add3A_1359 = vector.broadcast %add3A_1358 : i32 to vector<16xi32>
    %add3A_1360 = arith.addi %add3A_1359, %iota3A : vector<16xi32>
    %add3A_1361 = arith.constant 8192 : i32
    %add3A_1362 = vector.broadcast %add3A_1361 : i32 to vector<16xi32>
    %add3A_1363 = arith.addi %add3A_1362, %add3A_1360 : vector<16xi32>
    %select_n3A_1364 = arith.select %ge3A_1310, %add3A_1363, %add3A_1357 : vector<16xi1>, vector<16xi32>
    %swap3A_1365 = arith.constant 304 : index
    %swap3A_1366 = tpu.vector_load %arg9[%swap3A_1365] {strides = array<i32>} : memref<512xi32, #tpu.memory_space<vmem>>, vector<16xi32>,
    %swap3A_1367 = vector.shape_cast %swap3A_1366 : vector<16xi32> to vector<16xi32>
    %swap3A_1368 = vector.shape_cast %select_n3A_1364 : vector<16xi32> to vector<16xi32>
    tpu.vector_store %arg9[%swap3A_1365], %swap3A_1368 {strides = array<i32>} : memref<512xi32, #tpu.memory_space<vmem>>, vector<16xi32>,
    %select_n3A_1369 = arith.select %ge3A_1310, %add3A_1357, %add3A_1363 : vector<16xi1>, vector<16xi32>
    %swap3A_1370 = arith.constant 304 : index
    %swap3A_1371 = tpu.vector_load %arg10[%swap3A_1370] {strides = array<i32>} : memref<512xi32, #tpu.memory_space<vmem>>, vector<16xi32>,
    %swap3A_1372 = vector.shape_cast %swap3A_1371 : vector<16xi32> to vector<16xi32>
    %swap3A_1373 = vector.shape_cast %select_n3A_1369 : vector<16xi32> to vector<16xi32>
    tpu.vector_store %arg10[%swap3A_1370], %swap3A_1373 {strides = array<i32>} : memref<512xi32, #tpu.memory_space<vmem>>, vector<16xi32>,
    %get3A_1374 = arith.constant 320 : index
    %get3A_1375 = tpu.vector_load %arg6[%get3A_1374] {strides = array<i32>} : memref<512xi32, #tpu.memory_space<vmem>>, vector<16xi32>,
    %get3A_1376 = vector.shape_cast %get3A_1375 : vector<16xi32> to vector<16xi32>
    %ge3A_1377 = arith.constant 900000 : i32
    %ge3A_1378 = vector.broadcast %ge3A_1377 : i32 to vector<16xi32>
    %ge3A_1379 = arith.cmpi sge, %get3A_1376, %ge3A_1378 : vector<16xi32>
    %mul3A_1380 = arith.constant 32 : i32
    %mul3A_1381 = arith.muli %arg1, %mul3A_1380 : i32
    %add3A_1382 = arith.constant 20 : i32
    %add3A_1383 = arith.addi %mul3A_1381, %add3A_1382 : i32
    %mul3A_1384 = arith.constant 16 : i32
    %mul3A_1385 = arith.muli %add3A_1383, %mul3A_1384 : i32
    %add3A_1386 = vector.broadcast %mul3A_1385 : i32 to vector<16xi32>
    %add3A_1387 = arith.addi %add3A_1386, %iota3A : vector<16xi32>
    %select_n3A_1388 = arith.select %ge3A_1379, %add3A_1387, %get3A_1376 : vector<16xi1>, vector<16xi32>
    %swap3A_1389 = arith.constant 320 : index
    %swap3A_1390 = tpu.vector_load %arg7[%swap3A_1389] {strides = array<i32>} : memref<512xi32, #tpu.memory_space<vmem>>, vector<16xi32>,
    %swap3A_1391 = vector.shape_cast %swap3A_1390 : vector<16xi32> to vector<16xi32>
    %swap3A_1392 = vector.shape_cast %select_n3A_1388 : vector<16xi32> to vector<16xi32>
    tpu.vector_store %arg7[%swap3A_1389], %swap3A_1392 {strides = array<i32>} : memref<512xi32, #tpu.memory_space<vmem>>, vector<16xi32>,
    %sub3A_1393 = arith.constant 900000 : i32
    %sub3A_1394 = vector.broadcast %sub3A_1393 : i32 to vector<16xi32>
    %sub3A_1395 = arith.subi %get3A_1376, %sub3A_1394 : vector<16xi32>
    %jit3A_1396 = arith.constant 100000 : i32
    %eq3A_1397 = arith.constant 0 : i32
    %eq3A_1398 = arith.cmpi eq, %jit3A_1396, %eq3A_1397 : i32
    %jit3A_1399 = arith.constant 1 : i32
    %select_n3A_1400 = arith.select %eq3A_1398, %jit3A_1399, %jit3A_1396 : i32
    %rem3A_1401 = vector.broadcast %select_n3A_1400 : i32 to vector<16xi32>
    %rem3A_1402 = arith.remsi %add3A_1387, %rem3A_1401 : vector<16xi32>
    %ne3A_1403 = arith.constant 0 : i32
    %ne3A_1404 = vector.broadcast %ne3A_1403 : i32 to vector<16xi32>
    %ne3A_1405 = arith.cmpi ne, %rem3A_1402, %ne3A_1404 : vector<16xi32>
    %lt3A_1406 = arith.constant 0 : i32
    %lt3A_1407 = vector.broadcast %lt3A_1406 : i32 to vector<16xi32>
    %lt3A_1408 = arith.cmpi slt, %rem3A_1402, %lt3A_1407 : vector<16xi32>
    %lt3A_1409 = arith.constant 0 : i32
    %lt3A_1410 = arith.cmpi slt, %select_n3A_1400, %lt3A_1409 : i32
    %ne3A_1411 = vector.broadcast %lt3A_1410 : i1 to vector<16xi1>
    %ne3A_1412 = vector.broadcast %ne3A_1411 : vector<16xi1> to vector<16xi1>
    %ne3A_1413 = arith.xori %lt3A_1408, %ne3A_1412 : vector<16xi1>
    %and3A_1414 = arith.andi %ne3A_1413, %ne3A_1405 : vector<16xi1>
    %add3A_1415 = vector.broadcast %select_n3A_1400 : i32 to vector<16xi32>
    %add3A_1416 = arith.addi %rem3A_1402, %add3A_1415 : vector<16xi32>
    %select_n3A_1417 = arith.select %and3A_1414, %add3A_1416, %rem3A_1402 : vector<16xi1>, vector<16xi32>
    %select_n3A_1418 = arith.select %ge3A_1379, %sub3A_1395, %select_n3A_1417 : vector<16xi1>, vector<16xi32>
    %swap3A_1419 = arith.constant 320 : index
    %swap3A_1420 = tpu.vector_load %arg8[%swap3A_1419] {strides = array<i32>} : memref<512xi32, #tpu.memory_space<vmem>>, vector<16xi32>,
    %swap3A_1421 = vector.shape_cast %swap3A_1420 : vector<16xi32> to vector<16xi32>
    %swap3A_1422 = vector.shape_cast %select_n3A_1418 : vector<16xi32> to vector<16xi32>
    tpu.vector_store %arg8[%swap3A_1419], %swap3A_1422 {strides = array<i32>} : memref<512xi32, #tpu.memory_space<vmem>>, vector<16xi32>,
    %add3A_1423 = arith.constant 320 : i32
    %add3A_1424 = arith.addi %mul3A_4, %add3A_1423 : i32
    %add3A_1425 = vector.broadcast %add3A_1424 : i32 to vector<16xi32>
    %add3A_1426 = arith.addi %add3A_1425, %iota3A : vector<16xi32>
    %add3A_1427 = arith.constant 320 : i32
    %add3A_1428 = vector.broadcast %add3A_1427 : i32 to vector<16xi32>
    %add3A_1429 = arith.addi %add3A_1428, %iota3A : vector<16xi32>
    %add3A_1430 = arith.constant 8192 : i32
    %add3A_1431 = vector.broadcast %add3A_1430 : i32 to vector<16xi32>
    %add3A_1432 = arith.addi %add3A_1431, %add3A_1429 : vector<16xi32>
    %select_n3A_1433 = arith.select %ge3A_1379, %add3A_1432, %add3A_1426 : vector<16xi1>, vector<16xi32>
    %swap3A_1434 = arith.constant 320 : index
    %swap3A_1435 = tpu.vector_load %arg9[%swap3A_1434] {strides = array<i32>} : memref<512xi32, #tpu.memory_space<vmem>>, vector<16xi32>,
    %swap3A_1436 = vector.shape_cast %swap3A_1435 : vector<16xi32> to vector<16xi32>
    %swap3A_1437 = vector.shape_cast %select_n3A_1433 : vector<16xi32> to vector<16xi32>
    tpu.vector_store %arg9[%swap3A_1434], %swap3A_1437 {strides = array<i32>} : memref<512xi32, #tpu.memory_space<vmem>>, vector<16xi32>,
    %select_n3A_1438 = arith.select %ge3A_1379, %add3A_1426, %add3A_1432 : vector<16xi1>, vector<16xi32>
    %swap3A_1439 = arith.constant 320 : index
    %swap3A_1440 = tpu.vector_load %arg10[%swap3A_1439] {strides = array<i32>} : memref<512xi32, #tpu.memory_space<vmem>>, vector<16xi32>,
    %swap3A_1441 = vector.shape_cast %swap3A_1440 : vector<16xi32> to vector<16xi32>
    %swap3A_1442 = vector.shape_cast %select_n3A_1438 : vector<16xi32> to vector<16xi32>
    tpu.vector_store %arg10[%swap3A_1439], %swap3A_1442 {strides = array<i32>} : memref<512xi32, #tpu.memory_space<vmem>>, vector<16xi32>,
    %get3A_1443 = arith.constant 336 : index
    %get3A_1444 = tpu.vector_load %arg6[%get3A_1443] {strides = array<i32>} : memref<512xi32, #tpu.memory_space<vmem>>, vector<16xi32>,
    %get3A_1445 = vector.shape_cast %get3A_1444 : vector<16xi32> to vector<16xi32>
    %ge3A_1446 = arith.constant 900000 : i32
    %ge3A_1447 = vector.broadcast %ge3A_1446 : i32 to vector<16xi32>
    %ge3A_1448 = arith.cmpi sge, %get3A_1445, %ge3A_1447 : vector<16xi32>
    %mul3A_1449 = arith.constant 32 : i32
    %mul3A_1450 = arith.muli %arg1, %mul3A_1449 : i32
    %add3A_1451 = arith.constant 21 : i32
    %add3A_1452 = arith.addi %mul3A_1450, %add3A_1451 : i32
    %mul3A_1453 = arith.constant 16 : i32
    %mul3A_1454 = arith.muli %add3A_1452, %mul3A_1453 : i32
    %add3A_1455 = vector.broadcast %mul3A_1454 : i32 to vector<16xi32>
    %add3A_1456 = arith.addi %add3A_1455, %iota3A : vector<16xi32>
    %select_n3A_1457 = arith.select %ge3A_1448, %add3A_1456, %get3A_1445 : vector<16xi1>, vector<16xi32>
    %swap3A_1458 = arith.constant 336 : index
    %swap3A_1459 = tpu.vector_load %arg7[%swap3A_1458] {strides = array<i32>} : memref<512xi32, #tpu.memory_space<vmem>>, vector<16xi32>,
    %swap3A_1460 = vector.shape_cast %swap3A_1459 : vector<16xi32> to vector<16xi32>
    %swap3A_1461 = vector.shape_cast %select_n3A_1457 : vector<16xi32> to vector<16xi32>
    tpu.vector_store %arg7[%swap3A_1458], %swap3A_1461 {strides = array<i32>} : memref<512xi32, #tpu.memory_space<vmem>>, vector<16xi32>,
    %sub3A_1462 = arith.constant 900000 : i32
    %sub3A_1463 = vector.broadcast %sub3A_1462 : i32 to vector<16xi32>
    %sub3A_1464 = arith.subi %get3A_1445, %sub3A_1463 : vector<16xi32>
    %jit3A_1465 = arith.constant 100000 : i32
    %eq3A_1466 = arith.constant 0 : i32
    %eq3A_1467 = arith.cmpi eq, %jit3A_1465, %eq3A_1466 : i32
    %jit3A_1468 = arith.constant 1 : i32
    %select_n3A_1469 = arith.select %eq3A_1467, %jit3A_1468, %jit3A_1465 : i32
    %rem3A_1470 = vector.broadcast %select_n3A_1469 : i32 to vector<16xi32>
    %rem3A_1471 = arith.remsi %add3A_1456, %rem3A_1470 : vector<16xi32>
    %ne3A_1472 = arith.constant 0 : i32
    %ne3A_1473 = vector.broadcast %ne3A_1472 : i32 to vector<16xi32>
    %ne3A_1474 = arith.cmpi ne, %rem3A_1471, %ne3A_1473 : vector<16xi32>
    %lt3A_1475 = arith.constant 0 : i32
    %lt3A_1476 = vector.broadcast %lt3A_1475 : i32 to vector<16xi32>
    %lt3A_1477 = arith.cmpi slt, %rem3A_1471, %lt3A_1476 : vector<16xi32>
    %lt3A_1478 = arith.constant 0 : i32
    %lt3A_1479 = arith.cmpi slt, %select_n3A_1469, %lt3A_1478 : i32
    %ne3A_1480 = vector.broadcast %lt3A_1479 : i1 to vector<16xi1>
    %ne3A_1481 = vector.broadcast %ne3A_1480 : vector<16xi1> to vector<16xi1>
    %ne3A_1482 = arith.xori %lt3A_1477, %ne3A_1481 : vector<16xi1>
    %and3A_1483 = arith.andi %ne3A_1482, %ne3A_1474 : vector<16xi1>
    %add3A_1484 = vector.broadcast %select_n3A_1469 : i32 to vector<16xi32>
    %add3A_1485 = arith.addi %rem3A_1471, %add3A_1484 : vector<16xi32>
    %select_n3A_1486 = arith.select %and3A_1483, %add3A_1485, %rem3A_1471 : vector<16xi1>, vector<16xi32>
    %select_n3A_1487 = arith.select %ge3A_1448, %sub3A_1464, %select_n3A_1486 : vector<16xi1>, vector<16xi32>
    %swap3A_1488 = arith.constant 336 : index
    %swap3A_1489 = tpu.vector_load %arg8[%swap3A_1488] {strides = array<i32>} : memref<512xi32, #tpu.memory_space<vmem>>, vector<16xi32>,
    %swap3A_1490 = vector.shape_cast %swap3A_1489 : vector<16xi32> to vector<16xi32>
    %swap3A_1491 = vector.shape_cast %select_n3A_1487 : vector<16xi32> to vector<16xi32>
    tpu.vector_store %arg8[%swap3A_1488], %swap3A_1491 {strides = array<i32>} : memref<512xi32, #tpu.memory_space<vmem>>, vector<16xi32>,
    %add3A_1492 = arith.constant 336 : i32
    %add3A_1493 = arith.addi %mul3A_4, %add3A_1492 : i32
    %add3A_1494 = vector.broadcast %add3A_1493 : i32 to vector<16xi32>
    %add3A_1495 = arith.addi %add3A_1494, %iota3A : vector<16xi32>
    %add3A_1496 = arith.constant 336 : i32
    %add3A_1497 = vector.broadcast %add3A_1496 : i32 to vector<16xi32>
    %add3A_1498 = arith.addi %add3A_1497, %iota3A : vector<16xi32>
    %add3A_1499 = arith.constant 8192 : i32
    %add3A_1500 = vector.broadcast %add3A_1499 : i32 to vector<16xi32>
    %add3A_1501 = arith.addi %add3A_1500, %add3A_1498 : vector<16xi32>
    %select_n3A_1502 = arith.select %ge3A_1448, %add3A_1501, %add3A_1495 : vector<16xi1>, vector<16xi32>
    %swap3A_1503 = arith.constant 336 : index
    %swap3A_1504 = tpu.vector_load %arg9[%swap3A_1503] {strides = array<i32>} : memref<512xi32, #tpu.memory_space<vmem>>, vector<16xi32>,
    %swap3A_1505 = vector.shape_cast %swap3A_1504 : vector<16xi32> to vector<16xi32>
    %swap3A_1506 = vector.shape_cast %select_n3A_1502 : vector<16xi32> to vector<16xi32>
    tpu.vector_store %arg9[%swap3A_1503], %swap3A_1506 {strides = array<i32>} : memref<512xi32, #tpu.memory_space<vmem>>, vector<16xi32>,
    %select_n3A_1507 = arith.select %ge3A_1448, %add3A_1495, %add3A_1501 : vector<16xi1>, vector<16xi32>
    %swap3A_1508 = arith.constant 336 : index
    %swap3A_1509 = tpu.vector_load %arg10[%swap3A_1508] {strides = array<i32>} : memref<512xi32, #tpu.memory_space<vmem>>, vector<16xi32>,
    %swap3A_1510 = vector.shape_cast %swap3A_1509 : vector<16xi32> to vector<16xi32>
    %swap3A_1511 = vector.shape_cast %select_n3A_1507 : vector<16xi32> to vector<16xi32>
    tpu.vector_store %arg10[%swap3A_1508], %swap3A_1511 {strides = array<i32>} : memref<512xi32, #tpu.memory_space<vmem>>, vector<16xi32>,
    %get3A_1512 = arith.constant 352 : index
    %get3A_1513 = tpu.vector_load %arg6[%get3A_1512] {strides = array<i32>} : memref<512xi32, #tpu.memory_space<vmem>>, vector<16xi32>,
    %get3A_1514 = vector.shape_cast %get3A_1513 : vector<16xi32> to vector<16xi32>
    %ge3A_1515 = arith.constant 900000 : i32
    %ge3A_1516 = vector.broadcast %ge3A_1515 : i32 to vector<16xi32>
    %ge3A_1517 = arith.cmpi sge, %get3A_1514, %ge3A_1516 : vector<16xi32>
    %mul3A_1518 = arith.constant 32 : i32
    %mul3A_1519 = arith.muli %arg1, %mul3A_1518 : i32
    %add3A_1520 = arith.constant 22 : i32
    %add3A_1521 = arith.addi %mul3A_1519, %add3A_1520 : i32
    %mul3A_1522 = arith.constant 16 : i32
    %mul3A_1523 = arith.muli %add3A_1521, %mul3A_1522 : i32
    %add3A_1524 = vector.broadcast %mul3A_1523 : i32 to vector<16xi32>
    %add3A_1525 = arith.addi %add3A_1524, %iota3A : vector<16xi32>
    %select_n3A_1526 = arith.select %ge3A_1517, %add3A_1525, %get3A_1514 : vector<16xi1>, vector<16xi32>
    %swap3A_1527 = arith.constant 352 : index
    %swap3A_1528 = tpu.vector_load %arg7[%swap3A_1527] {strides = array<i32>} : memref<512xi32, #tpu.memory_space<vmem>>, vector<16xi32>,
    %swap3A_1529 = vector.shape_cast %swap3A_1528 : vector<16xi32> to vector<16xi32>
    %swap3A_1530 = vector.shape_cast %select_n3A_1526 : vector<16xi32> to vector<16xi32>
    tpu.vector_store %arg7[%swap3A_1527], %swap3A_1530 {strides = array<i32>} : memref<512xi32, #tpu.memory_space<vmem>>, vector<16xi32>,
    %sub3A_1531 = arith.constant 900000 : i32
    %sub3A_1532 = vector.broadcast %sub3A_1531 : i32 to vector<16xi32>
    %sub3A_1533 = arith.subi %get3A_1514, %sub3A_1532 : vector<16xi32>
    %jit3A_1534 = arith.constant 100000 : i32
    %eq3A_1535 = arith.constant 0 : i32
    %eq3A_1536 = arith.cmpi eq, %jit3A_1534, %eq3A_1535 : i32
    %jit3A_1537 = arith.constant 1 : i32
    %select_n3A_1538 = arith.select %eq3A_1536, %jit3A_1537, %jit3A_1534 : i32
    %rem3A_1539 = vector.broadcast %select_n3A_1538 : i32 to vector<16xi32>
    %rem3A_1540 = arith.remsi %add3A_1525, %rem3A_1539 : vector<16xi32>
    %ne3A_1541 = arith.constant 0 : i32
    %ne3A_1542 = vector.broadcast %ne3A_1541 : i32 to vector<16xi32>
    %ne3A_1543 = arith.cmpi ne, %rem3A_1540, %ne3A_1542 : vector<16xi32>
    %lt3A_1544 = arith.constant 0 : i32
    %lt3A_1545 = vector.broadcast %lt3A_1544 : i32 to vector<16xi32>
    %lt3A_1546 = arith.cmpi slt, %rem3A_1540, %lt3A_1545 : vector<16xi32>
    %lt3A_1547 = arith.constant 0 : i32
    %lt3A_1548 = arith.cmpi slt, %select_n3A_1538, %lt3A_1547 : i32
    %ne3A_1549 = vector.broadcast %lt3A_1548 : i1 to vector<16xi1>
    %ne3A_1550 = vector.broadcast %ne3A_1549 : vector<16xi1> to vector<16xi1>
    %ne3A_1551 = arith.xori %lt3A_1546, %ne3A_1550 : vector<16xi1>
    %and3A_1552 = arith.andi %ne3A_1551, %ne3A_1543 : vector<16xi1>
    %add3A_1553 = vector.broadcast %select_n3A_1538 : i32 to vector<16xi32>
    %add3A_1554 = arith.addi %rem3A_1540, %add3A_1553 : vector<16xi32>
    %select_n3A_1555 = arith.select %and3A_1552, %add3A_1554, %rem3A_1540 : vector<16xi1>, vector<16xi32>
    %select_n3A_1556 = arith.select %ge3A_1517, %sub3A_1533, %select_n3A_1555 : vector<16xi1>, vector<16xi32>
    %swap3A_1557 = arith.constant 352 : index
    %swap3A_1558 = tpu.vector_load %arg8[%swap3A_1557] {strides = array<i32>} : memref<512xi32, #tpu.memory_space<vmem>>, vector<16xi32>,
    %swap3A_1559 = vector.shape_cast %swap3A_1558 : vector<16xi32> to vector<16xi32>
    %swap3A_1560 = vector.shape_cast %select_n3A_1556 : vector<16xi32> to vector<16xi32>
    tpu.vector_store %arg8[%swap3A_1557], %swap3A_1560 {strides = array<i32>} : memref<512xi32, #tpu.memory_space<vmem>>, vector<16xi32>,
    %add3A_1561 = arith.constant 352 : i32
    %add3A_1562 = arith.addi %mul3A_4, %add3A_1561 : i32
    %add3A_1563 = vector.broadcast %add3A_1562 : i32 to vector<16xi32>
    %add3A_1564 = arith.addi %add3A_1563, %iota3A : vector<16xi32>
    %add3A_1565 = arith.constant 352 : i32
    %add3A_1566 = vector.broadcast %add3A_1565 : i32 to vector<16xi32>
    %add3A_1567 = arith.addi %add3A_1566, %iota3A : vector<16xi32>
    %add3A_1568 = arith.constant 8192 : i32
    %add3A_1569 = vector.broadcast %add3A_1568 : i32 to vector<16xi32>
    %add3A_1570 = arith.addi %add3A_1569, %add3A_1567 : vector<16xi32>
    %select_n3A_1571 = arith.select %ge3A_1517, %add3A_1570, %add3A_1564 : vector<16xi1>, vector<16xi32>
    %swap3A_1572 = arith.constant 352 : index
    %swap3A_1573 = tpu.vector_load %arg9[%swap3A_1572] {strides = array<i32>} : memref<512xi32, #tpu.memory_space<vmem>>, vector<16xi32>,
    %swap3A_1574 = vector.shape_cast %swap3A_1573 : vector<16xi32> to vector<16xi32>
    %swap3A_1575 = vector.shape_cast %select_n3A_1571 : vector<16xi32> to vector<16xi32>
    tpu.vector_store %arg9[%swap3A_1572], %swap3A_1575 {strides = array<i32>} : memref<512xi32, #tpu.memory_space<vmem>>, vector<16xi32>,
    %select_n3A_1576 = arith.select %ge3A_1517, %add3A_1564, %add3A_1570 : vector<16xi1>, vector<16xi32>
    %swap3A_1577 = arith.constant 352 : index
    %swap3A_1578 = tpu.vector_load %arg10[%swap3A_1577] {strides = array<i32>} : memref<512xi32, #tpu.memory_space<vmem>>, vector<16xi32>,
    %swap3A_1579 = vector.shape_cast %swap3A_1578 : vector<16xi32> to vector<16xi32>
    %swap3A_1580 = vector.shape_cast %select_n3A_1576 : vector<16xi32> to vector<16xi32>
    tpu.vector_store %arg10[%swap3A_1577], %swap3A_1580 {strides = array<i32>} : memref<512xi32, #tpu.memory_space<vmem>>, vector<16xi32>,
    %get3A_1581 = arith.constant 368 : index
    %get3A_1582 = tpu.vector_load %arg6[%get3A_1581] {strides = array<i32>} : memref<512xi32, #tpu.memory_space<vmem>>, vector<16xi32>,
    %get3A_1583 = vector.shape_cast %get3A_1582 : vector<16xi32> to vector<16xi32>
    %ge3A_1584 = arith.constant 900000 : i32
    %ge3A_1585 = vector.broadcast %ge3A_1584 : i32 to vector<16xi32>
    %ge3A_1586 = arith.cmpi sge, %get3A_1583, %ge3A_1585 : vector<16xi32>
    %mul3A_1587 = arith.constant 32 : i32
    %mul3A_1588 = arith.muli %arg1, %mul3A_1587 : i32
    %add3A_1589 = arith.constant 23 : i32
    %add3A_1590 = arith.addi %mul3A_1588, %add3A_1589 : i32
    %mul3A_1591 = arith.constant 16 : i32
    %mul3A_1592 = arith.muli %add3A_1590, %mul3A_1591 : i32
    %add3A_1593 = vector.broadcast %mul3A_1592 : i32 to vector<16xi32>
    %add3A_1594 = arith.addi %add3A_1593, %iota3A : vector<16xi32>
    %select_n3A_1595 = arith.select %ge3A_1586, %add3A_1594, %get3A_1583 : vector<16xi1>, vector<16xi32>
    %swap3A_1596 = arith.constant 368 : index
    %swap3A_1597 = tpu.vector_load %arg7[%swap3A_1596] {strides = array<i32>} : memref<512xi32, #tpu.memory_space<vmem>>, vector<16xi32>,
    %swap3A_1598 = vector.shape_cast %swap3A_1597 : vector<16xi32> to vector<16xi32>
    %swap3A_1599 = vector.shape_cast %select_n3A_1595 : vector<16xi32> to vector<16xi32>
    tpu.vector_store %arg7[%swap3A_1596], %swap3A_1599 {strides = array<i32>} : memref<512xi32, #tpu.memory_space<vmem>>, vector<16xi32>,
    %sub3A_1600 = arith.constant 900000 : i32
    %sub3A_1601 = vector.broadcast %sub3A_1600 : i32 to vector<16xi32>
    %sub3A_1602 = arith.subi %get3A_1583, %sub3A_1601 : vector<16xi32>
    %jit3A_1603 = arith.constant 100000 : i32
    %eq3A_1604 = arith.constant 0 : i32
    %eq3A_1605 = arith.cmpi eq, %jit3A_1603, %eq3A_1604 : i32
    %jit3A_1606 = arith.constant 1 : i32
    %select_n3A_1607 = arith.select %eq3A_1605, %jit3A_1606, %jit3A_1603 : i32
    %rem3A_1608 = vector.broadcast %select_n3A_1607 : i32 to vector<16xi32>
    %rem3A_1609 = arith.remsi %add3A_1594, %rem3A_1608 : vector<16xi32>
    %ne3A_1610 = arith.constant 0 : i32
    %ne3A_1611 = vector.broadcast %ne3A_1610 : i32 to vector<16xi32>
    %ne3A_1612 = arith.cmpi ne, %rem3A_1609, %ne3A_1611 : vector<16xi32>
    %lt3A_1613 = arith.constant 0 : i32
    %lt3A_1614 = vector.broadcast %lt3A_1613 : i32 to vector<16xi32>
    %lt3A_1615 = arith.cmpi slt, %rem3A_1609, %lt3A_1614 : vector<16xi32>
    %lt3A_1616 = arith.constant 0 : i32
    %lt3A_1617 = arith.cmpi slt, %select_n3A_1607, %lt3A_1616 : i32
    %ne3A_1618 = vector.broadcast %lt3A_1617 : i1 to vector<16xi1>
    %ne3A_1619 = vector.broadcast %ne3A_1618 : vector<16xi1> to vector<16xi1>
    %ne3A_1620 = arith.xori %lt3A_1615, %ne3A_1619 : vector<16xi1>
    %and3A_1621 = arith.andi %ne3A_1620, %ne3A_1612 : vector<16xi1>
    %add3A_1622 = vector.broadcast %select_n3A_1607 : i32 to vector<16xi32>
    %add3A_1623 = arith.addi %rem3A_1609, %add3A_1622 : vector<16xi32>
    %select_n3A_1624 = arith.select %and3A_1621, %add3A_1623, %rem3A_1609 : vector<16xi1>, vector<16xi32>
    %select_n3A_1625 = arith.select %ge3A_1586, %sub3A_1602, %select_n3A_1624 : vector<16xi1>, vector<16xi32>
    %swap3A_1626 = arith.constant 368 : index
    %swap3A_1627 = tpu.vector_load %arg8[%swap3A_1626] {strides = array<i32>} : memref<512xi32, #tpu.memory_space<vmem>>, vector<16xi32>,
    %swap3A_1628 = vector.shape_cast %swap3A_1627 : vector<16xi32> to vector<16xi32>
    %swap3A_1629 = vector.shape_cast %select_n3A_1625 : vector<16xi32> to vector<16xi32>
    tpu.vector_store %arg8[%swap3A_1626], %swap3A_1629 {strides = array<i32>} : memref<512xi32, #tpu.memory_space<vmem>>, vector<16xi32>,
    %add3A_1630 = arith.constant 368 : i32
    %add3A_1631 = arith.addi %mul3A_4, %add3A_1630 : i32
    %add3A_1632 = vector.broadcast %add3A_1631 : i32 to vector<16xi32>
    %add3A_1633 = arith.addi %add3A_1632, %iota3A : vector<16xi32>
    %add3A_1634 = arith.constant 368 : i32
    %add3A_1635 = vector.broadcast %add3A_1634 : i32 to vector<16xi32>
    %add3A_1636 = arith.addi %add3A_1635, %iota3A : vector<16xi32>
    %add3A_1637 = arith.constant 8192 : i32
    %add3A_1638 = vector.broadcast %add3A_1637 : i32 to vector<16xi32>
    %add3A_1639 = arith.addi %add3A_1638, %add3A_1636 : vector<16xi32>
    %select_n3A_1640 = arith.select %ge3A_1586, %add3A_1639, %add3A_1633 : vector<16xi1>, vector<16xi32>
    %swap3A_1641 = arith.constant 368 : index
    %swap3A_1642 = tpu.vector_load %arg9[%swap3A_1641] {strides = array<i32>} : memref<512xi32, #tpu.memory_space<vmem>>, vector<16xi32>,
    %swap3A_1643 = vector.shape_cast %swap3A_1642 : vector<16xi32> to vector<16xi32>
    %swap3A_1644 = vector.shape_cast %select_n3A_1640 : vector<16xi32> to vector<16xi32>
    tpu.vector_store %arg9[%swap3A_1641], %swap3A_1644 {strides = array<i32>} : memref<512xi32, #tpu.memory_space<vmem>>, vector<16xi32>,
    %select_n3A_1645 = arith.select %ge3A_1586, %add3A_1633, %add3A_1639 : vector<16xi1>, vector<16xi32>
    %swap3A_1646 = arith.constant 368 : index
    %swap3A_1647 = tpu.vector_load %arg10[%swap3A_1646] {strides = array<i32>} : memref<512xi32, #tpu.memory_space<vmem>>, vector<16xi32>,
    %swap3A_1648 = vector.shape_cast %swap3A_1647 : vector<16xi32> to vector<16xi32>
    %swap3A_1649 = vector.shape_cast %select_n3A_1645 : vector<16xi32> to vector<16xi32>
    tpu.vector_store %arg10[%swap3A_1646], %swap3A_1649 {strides = array<i32>} : memref<512xi32, #tpu.memory_space<vmem>>, vector<16xi32>,
    %get3A_1650 = arith.constant 384 : index
    %get3A_1651 = tpu.vector_load %arg6[%get3A_1650] {strides = array<i32>} : memref<512xi32, #tpu.memory_space<vmem>>, vector<16xi32>,
    %get3A_1652 = vector.shape_cast %get3A_1651 : vector<16xi32> to vector<16xi32>
    %ge3A_1653 = arith.constant 900000 : i32
    %ge3A_1654 = vector.broadcast %ge3A_1653 : i32 to vector<16xi32>
    %ge3A_1655 = arith.cmpi sge, %get3A_1652, %ge3A_1654 : vector<16xi32>
    %mul3A_1656 = arith.constant 32 : i32
    %mul3A_1657 = arith.muli %arg1, %mul3A_1656 : i32
    %add3A_1658 = arith.constant 24 : i32
    %add3A_1659 = arith.addi %mul3A_1657, %add3A_1658 : i32
    %mul3A_1660 = arith.constant 16 : i32
    %mul3A_1661 = arith.muli %add3A_1659, %mul3A_1660 : i32
    %add3A_1662 = vector.broadcast %mul3A_1661 : i32 to vector<16xi32>
    %add3A_1663 = arith.addi %add3A_1662, %iota3A : vector<16xi32>
    %select_n3A_1664 = arith.select %ge3A_1655, %add3A_1663, %get3A_1652 : vector<16xi1>, vector<16xi32>
    %swap3A_1665 = arith.constant 384 : index
    %swap3A_1666 = tpu.vector_load %arg7[%swap3A_1665] {strides = array<i32>} : memref<512xi32, #tpu.memory_space<vmem>>, vector<16xi32>,
    %swap3A_1667 = vector.shape_cast %swap3A_1666 : vector<16xi32> to vector<16xi32>
    %swap3A_1668 = vector.shape_cast %select_n3A_1664 : vector<16xi32> to vector<16xi32>
    tpu.vector_store %arg7[%swap3A_1665], %swap3A_1668 {strides = array<i32>} : memref<512xi32, #tpu.memory_space<vmem>>, vector<16xi32>,
    %sub3A_1669 = arith.constant 900000 : i32
    %sub3A_1670 = vector.broadcast %sub3A_1669 : i32 to vector<16xi32>
    %sub3A_1671 = arith.subi %get3A_1652, %sub3A_1670 : vector<16xi32>
    %jit3A_1672 = arith.constant 100000 : i32
    %eq3A_1673 = arith.constant 0 : i32
    %eq3A_1674 = arith.cmpi eq, %jit3A_1672, %eq3A_1673 : i32
    %jit3A_1675 = arith.constant 1 : i32
    %select_n3A_1676 = arith.select %eq3A_1674, %jit3A_1675, %jit3A_1672 : i32
    %rem3A_1677 = vector.broadcast %select_n3A_1676 : i32 to vector<16xi32>
    %rem3A_1678 = arith.remsi %add3A_1663, %rem3A_1677 : vector<16xi32>
    %ne3A_1679 = arith.constant 0 : i32
    %ne3A_1680 = vector.broadcast %ne3A_1679 : i32 to vector<16xi32>
    %ne3A_1681 = arith.cmpi ne, %rem3A_1678, %ne3A_1680 : vector<16xi32>
    %lt3A_1682 = arith.constant 0 : i32
    %lt3A_1683 = vector.broadcast %lt3A_1682 : i32 to vector<16xi32>
    %lt3A_1684 = arith.cmpi slt, %rem3A_1678, %lt3A_1683 : vector<16xi32>
    %lt3A_1685 = arith.constant 0 : i32
    %lt3A_1686 = arith.cmpi slt, %select_n3A_1676, %lt3A_1685 : i32
    %ne3A_1687 = vector.broadcast %lt3A_1686 : i1 to vector<16xi1>
    %ne3A_1688 = vector.broadcast %ne3A_1687 : vector<16xi1> to vector<16xi1>
    %ne3A_1689 = arith.xori %lt3A_1684, %ne3A_1688 : vector<16xi1>
    %and3A_1690 = arith.andi %ne3A_1689, %ne3A_1681 : vector<16xi1>
    %add3A_1691 = vector.broadcast %select_n3A_1676 : i32 to vector<16xi32>
    %add3A_1692 = arith.addi %rem3A_1678, %add3A_1691 : vector<16xi32>
    %select_n3A_1693 = arith.select %and3A_1690, %add3A_1692, %rem3A_1678 : vector<16xi1>, vector<16xi32>
    %select_n3A_1694 = arith.select %ge3A_1655, %sub3A_1671, %select_n3A_1693 : vector<16xi1>, vector<16xi32>
    %swap3A_1695 = arith.constant 384 : index
    %swap3A_1696 = tpu.vector_load %arg8[%swap3A_1695] {strides = array<i32>} : memref<512xi32, #tpu.memory_space<vmem>>, vector<16xi32>,
    %swap3A_1697 = vector.shape_cast %swap3A_1696 : vector<16xi32> to vector<16xi32>
    %swap3A_1698 = vector.shape_cast %select_n3A_1694 : vector<16xi32> to vector<16xi32>
    tpu.vector_store %arg8[%swap3A_1695], %swap3A_1698 {strides = array<i32>} : memref<512xi32, #tpu.memory_space<vmem>>, vector<16xi32>,
    %add3A_1699 = arith.constant 384 : i32
    %add3A_1700 = arith.addi %mul3A_4, %add3A_1699 : i32
    %add3A_1701 = vector.broadcast %add3A_1700 : i32 to vector<16xi32>
    %add3A_1702 = arith.addi %add3A_1701, %iota3A : vector<16xi32>
    %add3A_1703 = arith.constant 384 : i32
    %add3A_1704 = vector.broadcast %add3A_1703 : i32 to vector<16xi32>
    %add3A_1705 = arith.addi %add3A_1704, %iota3A : vector<16xi32>
    %add3A_1706 = arith.constant 8192 : i32
    %add3A_1707 = vector.broadcast %add3A_1706 : i32 to vector<16xi32>
    %add3A_1708 = arith.addi %add3A_1707, %add3A_1705 : vector<16xi32>
    %select_n3A_1709 = arith.select %ge3A_1655, %add3A_1708, %add3A_1702 : vector<16xi1>, vector<16xi32>
    %swap3A_1710 = arith.constant 384 : index
    %swap3A_1711 = tpu.vector_load %arg9[%swap3A_1710] {strides = array<i32>} : memref<512xi32, #tpu.memory_space<vmem>>, vector<16xi32>,
    %swap3A_1712 = vector.shape_cast %swap3A_1711 : vector<16xi32> to vector<16xi32>
    %swap3A_1713 = vector.shape_cast %select_n3A_1709 : vector<16xi32> to vector<16xi32>
    tpu.vector_store %arg9[%swap3A_1710], %swap3A_1713 {strides = array<i32>} : memref<512xi32, #tpu.memory_space<vmem>>, vector<16xi32>,
    %select_n3A_1714 = arith.select %ge3A_1655, %add3A_1702, %add3A_1708 : vector<16xi1>, vector<16xi32>
    %swap3A_1715 = arith.constant 384 : index
    %swap3A_1716 = tpu.vector_load %arg10[%swap3A_1715] {strides = array<i32>} : memref<512xi32, #tpu.memory_space<vmem>>, vector<16xi32>,
    %swap3A_1717 = vector.shape_cast %swap3A_1716 : vector<16xi32> to vector<16xi32>
    %swap3A_1718 = vector.shape_cast %select_n3A_1714 : vector<16xi32> to vector<16xi32>
    tpu.vector_store %arg10[%swap3A_1715], %swap3A_1718 {strides = array<i32>} : memref<512xi32, #tpu.memory_space<vmem>>, vector<16xi32>,
    %get3A_1719 = arith.constant 400 : index
    %get3A_1720 = tpu.vector_load %arg6[%get3A_1719] {strides = array<i32>} : memref<512xi32, #tpu.memory_space<vmem>>, vector<16xi32>,
    %get3A_1721 = vector.shape_cast %get3A_1720 : vector<16xi32> to vector<16xi32>
    %ge3A_1722 = arith.constant 900000 : i32
    %ge3A_1723 = vector.broadcast %ge3A_1722 : i32 to vector<16xi32>
    %ge3A_1724 = arith.cmpi sge, %get3A_1721, %ge3A_1723 : vector<16xi32>
    %mul3A_1725 = arith.constant 32 : i32
    %mul3A_1726 = arith.muli %arg1, %mul3A_1725 : i32
    %add3A_1727 = arith.constant 25 : i32
    %add3A_1728 = arith.addi %mul3A_1726, %add3A_1727 : i32
    %mul3A_1729 = arith.constant 16 : i32
    %mul3A_1730 = arith.muli %add3A_1728, %mul3A_1729 : i32
    %add3A_1731 = vector.broadcast %mul3A_1730 : i32 to vector<16xi32>
    %add3A_1732 = arith.addi %add3A_1731, %iota3A : vector<16xi32>
    %select_n3A_1733 = arith.select %ge3A_1724, %add3A_1732, %get3A_1721 : vector<16xi1>, vector<16xi32>
    %swap3A_1734 = arith.constant 400 : index
    %swap3A_1735 = tpu.vector_load %arg7[%swap3A_1734] {strides = array<i32>} : memref<512xi32, #tpu.memory_space<vmem>>, vector<16xi32>,
    %swap3A_1736 = vector.shape_cast %swap3A_1735 : vector<16xi32> to vector<16xi32>
    %swap3A_1737 = vector.shape_cast %select_n3A_1733 : vector<16xi32> to vector<16xi32>
    tpu.vector_store %arg7[%swap3A_1734], %swap3A_1737 {strides = array<i32>} : memref<512xi32, #tpu.memory_space<vmem>>, vector<16xi32>,
    %sub3A_1738 = arith.constant 900000 : i32
    %sub3A_1739 = vector.broadcast %sub3A_1738 : i32 to vector<16xi32>
    %sub3A_1740 = arith.subi %get3A_1721, %sub3A_1739 : vector<16xi32>
    %jit3A_1741 = arith.constant 100000 : i32
    %eq3A_1742 = arith.constant 0 : i32
    %eq3A_1743 = arith.cmpi eq, %jit3A_1741, %eq3A_1742 : i32
    %jit3A_1744 = arith.constant 1 : i32
    %select_n3A_1745 = arith.select %eq3A_1743, %jit3A_1744, %jit3A_1741 : i32
    %rem3A_1746 = vector.broadcast %select_n3A_1745 : i32 to vector<16xi32>
    %rem3A_1747 = arith.remsi %add3A_1732, %rem3A_1746 : vector<16xi32>
    %ne3A_1748 = arith.constant 0 : i32
    %ne3A_1749 = vector.broadcast %ne3A_1748 : i32 to vector<16xi32>
    %ne3A_1750 = arith.cmpi ne, %rem3A_1747, %ne3A_1749 : vector<16xi32>
    %lt3A_1751 = arith.constant 0 : i32
    %lt3A_1752 = vector.broadcast %lt3A_1751 : i32 to vector<16xi32>
    %lt3A_1753 = arith.cmpi slt, %rem3A_1747, %lt3A_1752 : vector<16xi32>
    %lt3A_1754 = arith.constant 0 : i32
    %lt3A_1755 = arith.cmpi slt, %select_n3A_1745, %lt3A_1754 : i32
    %ne3A_1756 = vector.broadcast %lt3A_1755 : i1 to vector<16xi1>
    %ne3A_1757 = vector.broadcast %ne3A_1756 : vector<16xi1> to vector<16xi1>
    %ne3A_1758 = arith.xori %lt3A_1753, %ne3A_1757 : vector<16xi1>
    %and3A_1759 = arith.andi %ne3A_1758, %ne3A_1750 : vector<16xi1>
    %add3A_1760 = vector.broadcast %select_n3A_1745 : i32 to vector<16xi32>
    %add3A_1761 = arith.addi %rem3A_1747, %add3A_1760 : vector<16xi32>
    %select_n3A_1762 = arith.select %and3A_1759, %add3A_1761, %rem3A_1747 : vector<16xi1>, vector<16xi32>
    %select_n3A_1763 = arith.select %ge3A_1724, %sub3A_1740, %select_n3A_1762 : vector<16xi1>, vector<16xi32>
    %swap3A_1764 = arith.constant 400 : index
    %swap3A_1765 = tpu.vector_load %arg8[%swap3A_1764] {strides = array<i32>} : memref<512xi32, #tpu.memory_space<vmem>>, vector<16xi32>,
    %swap3A_1766 = vector.shape_cast %swap3A_1765 : vector<16xi32> to vector<16xi32>
    %swap3A_1767 = vector.shape_cast %select_n3A_1763 : vector<16xi32> to vector<16xi32>
    tpu.vector_store %arg8[%swap3A_1764], %swap3A_1767 {strides = array<i32>} : memref<512xi32, #tpu.memory_space<vmem>>, vector<16xi32>,
    %add3A_1768 = arith.constant 400 : i32
    %add3A_1769 = arith.addi %mul3A_4, %add3A_1768 : i32
    %add3A_1770 = vector.broadcast %add3A_1769 : i32 to vector<16xi32>
    %add3A_1771 = arith.addi %add3A_1770, %iota3A : vector<16xi32>
    %add3A_1772 = arith.constant 400 : i32
    %add3A_1773 = vector.broadcast %add3A_1772 : i32 to vector<16xi32>
    %add3A_1774 = arith.addi %add3A_1773, %iota3A : vector<16xi32>
    %add3A_1775 = arith.constant 8192 : i32
    %add3A_1776 = vector.broadcast %add3A_1775 : i32 to vector<16xi32>
    %add3A_1777 = arith.addi %add3A_1776, %add3A_1774 : vector<16xi32>
    %select_n3A_1778 = arith.select %ge3A_1724, %add3A_1777, %add3A_1771 : vector<16xi1>, vector<16xi32>
    %swap3A_1779 = arith.constant 400 : index
    %swap3A_1780 = tpu.vector_load %arg9[%swap3A_1779] {strides = array<i32>} : memref<512xi32, #tpu.memory_space<vmem>>, vector<16xi32>,
    %swap3A_1781 = vector.shape_cast %swap3A_1780 : vector<16xi32> to vector<16xi32>
    %swap3A_1782 = vector.shape_cast %select_n3A_1778 : vector<16xi32> to vector<16xi32>
    tpu.vector_store %arg9[%swap3A_1779], %swap3A_1782 {strides = array<i32>} : memref<512xi32, #tpu.memory_space<vmem>>, vector<16xi32>,
    %select_n3A_1783 = arith.select %ge3A_1724, %add3A_1771, %add3A_1777 : vector<16xi1>, vector<16xi32>
    %swap3A_1784 = arith.constant 400 : index
    %swap3A_1785 = tpu.vector_load %arg10[%swap3A_1784] {strides = array<i32>} : memref<512xi32, #tpu.memory_space<vmem>>, vector<16xi32>,
    %swap3A_1786 = vector.shape_cast %swap3A_1785 : vector<16xi32> to vector<16xi32>
    %swap3A_1787 = vector.shape_cast %select_n3A_1783 : vector<16xi32> to vector<16xi32>
    tpu.vector_store %arg10[%swap3A_1784], %swap3A_1787 {strides = array<i32>} : memref<512xi32, #tpu.memory_space<vmem>>, vector<16xi32>,
    %get3A_1788 = arith.constant 416 : index
    %get3A_1789 = tpu.vector_load %arg6[%get3A_1788] {strides = array<i32>} : memref<512xi32, #tpu.memory_space<vmem>>, vector<16xi32>,
    %get3A_1790 = vector.shape_cast %get3A_1789 : vector<16xi32> to vector<16xi32>
    %ge3A_1791 = arith.constant 900000 : i32
    %ge3A_1792 = vector.broadcast %ge3A_1791 : i32 to vector<16xi32>
    %ge3A_1793 = arith.cmpi sge, %get3A_1790, %ge3A_1792 : vector<16xi32>
    %mul3A_1794 = arith.constant 32 : i32
    %mul3A_1795 = arith.muli %arg1, %mul3A_1794 : i32
    %add3A_1796 = arith.constant 26 : i32
    %add3A_1797 = arith.addi %mul3A_1795, %add3A_1796 : i32
    %mul3A_1798 = arith.constant 16 : i32
    %mul3A_1799 = arith.muli %add3A_1797, %mul3A_1798 : i32
    %add3A_1800 = vector.broadcast %mul3A_1799 : i32 to vector<16xi32>
    %add3A_1801 = arith.addi %add3A_1800, %iota3A : vector<16xi32>
    %select_n3A_1802 = arith.select %ge3A_1793, %add3A_1801, %get3A_1790 : vector<16xi1>, vector<16xi32>
    %swap3A_1803 = arith.constant 416 : index
    %swap3A_1804 = tpu.vector_load %arg7[%swap3A_1803] {strides = array<i32>} : memref<512xi32, #tpu.memory_space<vmem>>, vector<16xi32>,
    %swap3A_1805 = vector.shape_cast %swap3A_1804 : vector<16xi32> to vector<16xi32>
    %swap3A_1806 = vector.shape_cast %select_n3A_1802 : vector<16xi32> to vector<16xi32>
    tpu.vector_store %arg7[%swap3A_1803], %swap3A_1806 {strides = array<i32>} : memref<512xi32, #tpu.memory_space<vmem>>, vector<16xi32>,
    %sub3A_1807 = arith.constant 900000 : i32
    %sub3A_1808 = vector.broadcast %sub3A_1807 : i32 to vector<16xi32>
    %sub3A_1809 = arith.subi %get3A_1790, %sub3A_1808 : vector<16xi32>
    %jit3A_1810 = arith.constant 100000 : i32
    %eq3A_1811 = arith.constant 0 : i32
    %eq3A_1812 = arith.cmpi eq, %jit3A_1810, %eq3A_1811 : i32
    %jit3A_1813 = arith.constant 1 : i32
    %select_n3A_1814 = arith.select %eq3A_1812, %jit3A_1813, %jit3A_1810 : i32
    %rem3A_1815 = vector.broadcast %select_n3A_1814 : i32 to vector<16xi32>
    %rem3A_1816 = arith.remsi %add3A_1801, %rem3A_1815 : vector<16xi32>
    %ne3A_1817 = arith.constant 0 : i32
    %ne3A_1818 = vector.broadcast %ne3A_1817 : i32 to vector<16xi32>
    %ne3A_1819 = arith.cmpi ne, %rem3A_1816, %ne3A_1818 : vector<16xi32>
    %lt3A_1820 = arith.constant 0 : i32
    %lt3A_1821 = vector.broadcast %lt3A_1820 : i32 to vector<16xi32>
    %lt3A_1822 = arith.cmpi slt, %rem3A_1816, %lt3A_1821 : vector<16xi32>
    %lt3A_1823 = arith.constant 0 : i32
    %lt3A_1824 = arith.cmpi slt, %select_n3A_1814, %lt3A_1823 : i32
    %ne3A_1825 = vector.broadcast %lt3A_1824 : i1 to vector<16xi1>
    %ne3A_1826 = vector.broadcast %ne3A_1825 : vector<16xi1> to vector<16xi1>
    %ne3A_1827 = arith.xori %lt3A_1822, %ne3A_1826 : vector<16xi1>
    %and3A_1828 = arith.andi %ne3A_1827, %ne3A_1819 : vector<16xi1>
    %add3A_1829 = vector.broadcast %select_n3A_1814 : i32 to vector<16xi32>
    %add3A_1830 = arith.addi %rem3A_1816, %add3A_1829 : vector<16xi32>
    %select_n3A_1831 = arith.select %and3A_1828, %add3A_1830, %rem3A_1816 : vector<16xi1>, vector<16xi32>
    %select_n3A_1832 = arith.select %ge3A_1793, %sub3A_1809, %select_n3A_1831 : vector<16xi1>, vector<16xi32>
    %swap3A_1833 = arith.constant 416 : index
    %swap3A_1834 = tpu.vector_load %arg8[%swap3A_1833] {strides = array<i32>} : memref<512xi32, #tpu.memory_space<vmem>>, vector<16xi32>,
    %swap3A_1835 = vector.shape_cast %swap3A_1834 : vector<16xi32> to vector<16xi32>
    %swap3A_1836 = vector.shape_cast %select_n3A_1832 : vector<16xi32> to vector<16xi32>
    tpu.vector_store %arg8[%swap3A_1833], %swap3A_1836 {strides = array<i32>} : memref<512xi32, #tpu.memory_space<vmem>>, vector<16xi32>,
    %add3A_1837 = arith.constant 416 : i32
    %add3A_1838 = arith.addi %mul3A_4, %add3A_1837 : i32
    %add3A_1839 = vector.broadcast %add3A_1838 : i32 to vector<16xi32>
    %add3A_1840 = arith.addi %add3A_1839, %iota3A : vector<16xi32>
    %add3A_1841 = arith.constant 416 : i32
    %add3A_1842 = vector.broadcast %add3A_1841 : i32 to vector<16xi32>
    %add3A_1843 = arith.addi %add3A_1842, %iota3A : vector<16xi32>
    %add3A_1844 = arith.constant 8192 : i32
    %add3A_1845 = vector.broadcast %add3A_1844 : i32 to vector<16xi32>
    %add3A_1846 = arith.addi %add3A_1845, %add3A_1843 : vector<16xi32>
    %select_n3A_1847 = arith.select %ge3A_1793, %add3A_1846, %add3A_1840 : vector<16xi1>, vector<16xi32>
    %swap3A_1848 = arith.constant 416 : index
    %swap3A_1849 = tpu.vector_load %arg9[%swap3A_1848] {strides = array<i32>} : memref<512xi32, #tpu.memory_space<vmem>>, vector<16xi32>,
    %swap3A_1850 = vector.shape_cast %swap3A_1849 : vector<16xi32> to vector<16xi32>
    %swap3A_1851 = vector.shape_cast %select_n3A_1847 : vector<16xi32> to vector<16xi32>
    tpu.vector_store %arg9[%swap3A_1848], %swap3A_1851 {strides = array<i32>} : memref<512xi32, #tpu.memory_space<vmem>>, vector<16xi32>,
    %select_n3A_1852 = arith.select %ge3A_1793, %add3A_1840, %add3A_1846 : vector<16xi1>, vector<16xi32>
    %swap3A_1853 = arith.constant 416 : index
    %swap3A_1854 = tpu.vector_load %arg10[%swap3A_1853] {strides = array<i32>} : memref<512xi32, #tpu.memory_space<vmem>>, vector<16xi32>,
    %swap3A_1855 = vector.shape_cast %swap3A_1854 : vector<16xi32> to vector<16xi32>
    %swap3A_1856 = vector.shape_cast %select_n3A_1852 : vector<16xi32> to vector<16xi32>
    tpu.vector_store %arg10[%swap3A_1853], %swap3A_1856 {strides = array<i32>} : memref<512xi32, #tpu.memory_space<vmem>>, vector<16xi32>,
    %get3A_1857 = arith.constant 432 : index
    %get3A_1858 = tpu.vector_load %arg6[%get3A_1857] {strides = array<i32>} : memref<512xi32, #tpu.memory_space<vmem>>, vector<16xi32>,
    %get3A_1859 = vector.shape_cast %get3A_1858 : vector<16xi32> to vector<16xi32>
    %ge3A_1860 = arith.constant 900000 : i32
    %ge3A_1861 = vector.broadcast %ge3A_1860 : i32 to vector<16xi32>
    %ge3A_1862 = arith.cmpi sge, %get3A_1859, %ge3A_1861 : vector<16xi32>
    %mul3A_1863 = arith.constant 32 : i32
    %mul3A_1864 = arith.muli %arg1, %mul3A_1863 : i32
    %add3A_1865 = arith.constant 27 : i32
    %add3A_1866 = arith.addi %mul3A_1864, %add3A_1865 : i32
    %mul3A_1867 = arith.constant 16 : i32
    %mul3A_1868 = arith.muli %add3A_1866, %mul3A_1867 : i32
    %add3A_1869 = vector.broadcast %mul3A_1868 : i32 to vector<16xi32>
    %add3A_1870 = arith.addi %add3A_1869, %iota3A : vector<16xi32>
    %select_n3A_1871 = arith.select %ge3A_1862, %add3A_1870, %get3A_1859 : vector<16xi1>, vector<16xi32>
    %swap3A_1872 = arith.constant 432 : index
    %swap3A_1873 = tpu.vector_load %arg7[%swap3A_1872] {strides = array<i32>} : memref<512xi32, #tpu.memory_space<vmem>>, vector<16xi32>,
    %swap3A_1874 = vector.shape_cast %swap3A_1873 : vector<16xi32> to vector<16xi32>
    %swap3A_1875 = vector.shape_cast %select_n3A_1871 : vector<16xi32> to vector<16xi32>
    tpu.vector_store %arg7[%swap3A_1872], %swap3A_1875 {strides = array<i32>} : memref<512xi32, #tpu.memory_space<vmem>>, vector<16xi32>,
    %sub3A_1876 = arith.constant 900000 : i32
    %sub3A_1877 = vector.broadcast %sub3A_1876 : i32 to vector<16xi32>
    %sub3A_1878 = arith.subi %get3A_1859, %sub3A_1877 : vector<16xi32>
    %jit3A_1879 = arith.constant 100000 : i32
    %eq3A_1880 = arith.constant 0 : i32
    %eq3A_1881 = arith.cmpi eq, %jit3A_1879, %eq3A_1880 : i32
    %jit3A_1882 = arith.constant 1 : i32
    %select_n3A_1883 = arith.select %eq3A_1881, %jit3A_1882, %jit3A_1879 : i32
    %rem3A_1884 = vector.broadcast %select_n3A_1883 : i32 to vector<16xi32>
    %rem3A_1885 = arith.remsi %add3A_1870, %rem3A_1884 : vector<16xi32>
    %ne3A_1886 = arith.constant 0 : i32
    %ne3A_1887 = vector.broadcast %ne3A_1886 : i32 to vector<16xi32>
    %ne3A_1888 = arith.cmpi ne, %rem3A_1885, %ne3A_1887 : vector<16xi32>
    %lt3A_1889 = arith.constant 0 : i32
    %lt3A_1890 = vector.broadcast %lt3A_1889 : i32 to vector<16xi32>
    %lt3A_1891 = arith.cmpi slt, %rem3A_1885, %lt3A_1890 : vector<16xi32>
    %lt3A_1892 = arith.constant 0 : i32
    %lt3A_1893 = arith.cmpi slt, %select_n3A_1883, %lt3A_1892 : i32
    %ne3A_1894 = vector.broadcast %lt3A_1893 : i1 to vector<16xi1>
    %ne3A_1895 = vector.broadcast %ne3A_1894 : vector<16xi1> to vector<16xi1>
    %ne3A_1896 = arith.xori %lt3A_1891, %ne3A_1895 : vector<16xi1>
    %and3A_1897 = arith.andi %ne3A_1896, %ne3A_1888 : vector<16xi1>
    %add3A_1898 = vector.broadcast %select_n3A_1883 : i32 to vector<16xi32>
    %add3A_1899 = arith.addi %rem3A_1885, %add3A_1898 : vector<16xi32>
    %select_n3A_1900 = arith.select %and3A_1897, %add3A_1899, %rem3A_1885 : vector<16xi1>, vector<16xi32>
    %select_n3A_1901 = arith.select %ge3A_1862, %sub3A_1878, %select_n3A_1900 : vector<16xi1>, vector<16xi32>
    %swap3A_1902 = arith.constant 432 : index
    %swap3A_1903 = tpu.vector_load %arg8[%swap3A_1902] {strides = array<i32>} : memref<512xi32, #tpu.memory_space<vmem>>, vector<16xi32>,
    %swap3A_1904 = vector.shape_cast %swap3A_1903 : vector<16xi32> to vector<16xi32>
    %swap3A_1905 = vector.shape_cast %select_n3A_1901 : vector<16xi32> to vector<16xi32>
    tpu.vector_store %arg8[%swap3A_1902], %swap3A_1905 {strides = array<i32>} : memref<512xi32, #tpu.memory_space<vmem>>, vector<16xi32>,
    %add3A_1906 = arith.constant 432 : i32
    %add3A_1907 = arith.addi %mul3A_4, %add3A_1906 : i32
    %add3A_1908 = vector.broadcast %add3A_1907 : i32 to vector<16xi32>
    %add3A_1909 = arith.addi %add3A_1908, %iota3A : vector<16xi32>
    %add3A_1910 = arith.constant 432 : i32
    %add3A_1911 = vector.broadcast %add3A_1910 : i32 to vector<16xi32>
    %add3A_1912 = arith.addi %add3A_1911, %iota3A : vector<16xi32>
    %add3A_1913 = arith.constant 8192 : i32
    %add3A_1914 = vector.broadcast %add3A_1913 : i32 to vector<16xi32>
    %add3A_1915 = arith.addi %add3A_1914, %add3A_1912 : vector<16xi32>
    %select_n3A_1916 = arith.select %ge3A_1862, %add3A_1915, %add3A_1909 : vector<16xi1>, vector<16xi32>
    %swap3A_1917 = arith.constant 432 : index
    %swap3A_1918 = tpu.vector_load %arg9[%swap3A_1917] {strides = array<i32>} : memref<512xi32, #tpu.memory_space<vmem>>, vector<16xi32>,
    %swap3A_1919 = vector.shape_cast %swap3A_1918 : vector<16xi32> to vector<16xi32>
    %swap3A_1920 = vector.shape_cast %select_n3A_1916 : vector<16xi32> to vector<16xi32>
    tpu.vector_store %arg9[%swap3A_1917], %swap3A_1920 {strides = array<i32>} : memref<512xi32, #tpu.memory_space<vmem>>, vector<16xi32>,
    %select_n3A_1921 = arith.select %ge3A_1862, %add3A_1909, %add3A_1915 : vector<16xi1>, vector<16xi32>
    %swap3A_1922 = arith.constant 432 : index
    %swap3A_1923 = tpu.vector_load %arg10[%swap3A_1922] {strides = array<i32>} : memref<512xi32, #tpu.memory_space<vmem>>, vector<16xi32>,
    %swap3A_1924 = vector.shape_cast %swap3A_1923 : vector<16xi32> to vector<16xi32>
    %swap3A_1925 = vector.shape_cast %select_n3A_1921 : vector<16xi32> to vector<16xi32>
    tpu.vector_store %arg10[%swap3A_1922], %swap3A_1925 {strides = array<i32>} : memref<512xi32, #tpu.memory_space<vmem>>, vector<16xi32>,
    %get3A_1926 = arith.constant 448 : index
    %get3A_1927 = tpu.vector_load %arg6[%get3A_1926] {strides = array<i32>} : memref<512xi32, #tpu.memory_space<vmem>>, vector<16xi32>,
    %get3A_1928 = vector.shape_cast %get3A_1927 : vector<16xi32> to vector<16xi32>
    %ge3A_1929 = arith.constant 900000 : i32
    %ge3A_1930 = vector.broadcast %ge3A_1929 : i32 to vector<16xi32>
    %ge3A_1931 = arith.cmpi sge, %get3A_1928, %ge3A_1930 : vector<16xi32>
    %mul3A_1932 = arith.constant 32 : i32
    %mul3A_1933 = arith.muli %arg1, %mul3A_1932 : i32
    %add3A_1934 = arith.constant 28 : i32
    %add3A_1935 = arith.addi %mul3A_1933, %add3A_1934 : i32
    %mul3A_1936 = arith.constant 16 : i32
    %mul3A_1937 = arith.muli %add3A_1935, %mul3A_1936 : i32
    %add3A_1938 = vector.broadcast %mul3A_1937 : i32 to vector<16xi32>
    %add3A_1939 = arith.addi %add3A_1938, %iota3A : vector<16xi32>
    %select_n3A_1940 = arith.select %ge3A_1931, %add3A_1939, %get3A_1928 : vector<16xi1>, vector<16xi32>
    %swap3A_1941 = arith.constant 448 : index
    %swap3A_1942 = tpu.vector_load %arg7[%swap3A_1941] {strides = array<i32>} : memref<512xi32, #tpu.memory_space<vmem>>, vector<16xi32>,
    %swap3A_1943 = vector.shape_cast %swap3A_1942 : vector<16xi32> to vector<16xi32>
    %swap3A_1944 = vector.shape_cast %select_n3A_1940 : vector<16xi32> to vector<16xi32>
    tpu.vector_store %arg7[%swap3A_1941], %swap3A_1944 {strides = array<i32>} : memref<512xi32, #tpu.memory_space<vmem>>, vector<16xi32>,
    %sub3A_1945 = arith.constant 900000 : i32
    %sub3A_1946 = vector.broadcast %sub3A_1945 : i32 to vector<16xi32>
    %sub3A_1947 = arith.subi %get3A_1928, %sub3A_1946 : vector<16xi32>
    %jit3A_1948 = arith.constant 100000 : i32
    %eq3A_1949 = arith.constant 0 : i32
    %eq3A_1950 = arith.cmpi eq, %jit3A_1948, %eq3A_1949 : i32
    %jit3A_1951 = arith.constant 1 : i32
    %select_n3A_1952 = arith.select %eq3A_1950, %jit3A_1951, %jit3A_1948 : i32
    %rem3A_1953 = vector.broadcast %select_n3A_1952 : i32 to vector<16xi32>
    %rem3A_1954 = arith.remsi %add3A_1939, %rem3A_1953 : vector<16xi32>
    %ne3A_1955 = arith.constant 0 : i32
    %ne3A_1956 = vector.broadcast %ne3A_1955 : i32 to vector<16xi32>
    %ne3A_1957 = arith.cmpi ne, %rem3A_1954, %ne3A_1956 : vector<16xi32>
    %lt3A_1958 = arith.constant 0 : i32
    %lt3A_1959 = vector.broadcast %lt3A_1958 : i32 to vector<16xi32>
    %lt3A_1960 = arith.cmpi slt, %rem3A_1954, %lt3A_1959 : vector<16xi32>
    %lt3A_1961 = arith.constant 0 : i32
    %lt3A_1962 = arith.cmpi slt, %select_n3A_1952, %lt3A_1961 : i32
    %ne3A_1963 = vector.broadcast %lt3A_1962 : i1 to vector<16xi1>
    %ne3A_1964 = vector.broadcast %ne3A_1963 : vector<16xi1> to vector<16xi1>
    %ne3A_1965 = arith.xori %lt3A_1960, %ne3A_1964 : vector<16xi1>
    %and3A_1966 = arith.andi %ne3A_1965, %ne3A_1957 : vector<16xi1>
    %add3A_1967 = vector.broadcast %select_n3A_1952 : i32 to vector<16xi32>
    %add3A_1968 = arith.addi %rem3A_1954, %add3A_1967 : vector<16xi32>
    %select_n3A_1969 = arith.select %and3A_1966, %add3A_1968, %rem3A_1954 : vector<16xi1>, vector<16xi32>
    %select_n3A_1970 = arith.select %ge3A_1931, %sub3A_1947, %select_n3A_1969 : vector<16xi1>, vector<16xi32>
    %swap3A_1971 = arith.constant 448 : index
    %swap3A_1972 = tpu.vector_load %arg8[%swap3A_1971] {strides = array<i32>} : memref<512xi32, #tpu.memory_space<vmem>>, vector<16xi32>,
    %swap3A_1973 = vector.shape_cast %swap3A_1972 : vector<16xi32> to vector<16xi32>
    %swap3A_1974 = vector.shape_cast %select_n3A_1970 : vector<16xi32> to vector<16xi32>
    tpu.vector_store %arg8[%swap3A_1971], %swap3A_1974 {strides = array<i32>} : memref<512xi32, #tpu.memory_space<vmem>>, vector<16xi32>,
    %add3A_1975 = arith.constant 448 : i32
    %add3A_1976 = arith.addi %mul3A_4, %add3A_1975 : i32
    %add3A_1977 = vector.broadcast %add3A_1976 : i32 to vector<16xi32>
    %add3A_1978 = arith.addi %add3A_1977, %iota3A : vector<16xi32>
    %add3A_1979 = arith.constant 448 : i32
    %add3A_1980 = vector.broadcast %add3A_1979 : i32 to vector<16xi32>
    %add3A_1981 = arith.addi %add3A_1980, %iota3A : vector<16xi32>
    %add3A_1982 = arith.constant 8192 : i32
    %add3A_1983 = vector.broadcast %add3A_1982 : i32 to vector<16xi32>
    %add3A_1984 = arith.addi %add3A_1983, %add3A_1981 : vector<16xi32>
    %select_n3A_1985 = arith.select %ge3A_1931, %add3A_1984, %add3A_1978 : vector<16xi1>, vector<16xi32>
    %swap3A_1986 = arith.constant 448 : index
    %swap3A_1987 = tpu.vector_load %arg9[%swap3A_1986] {strides = array<i32>} : memref<512xi32, #tpu.memory_space<vmem>>, vector<16xi32>,
    %swap3A_1988 = vector.shape_cast %swap3A_1987 : vector<16xi32> to vector<16xi32>
    %swap3A_1989 = vector.shape_cast %select_n3A_1985 : vector<16xi32> to vector<16xi32>
    tpu.vector_store %arg9[%swap3A_1986], %swap3A_1989 {strides = array<i32>} : memref<512xi32, #tpu.memory_space<vmem>>, vector<16xi32>,
    %select_n3A_1990 = arith.select %ge3A_1931, %add3A_1978, %add3A_1984 : vector<16xi1>, vector<16xi32>
    %swap3A_1991 = arith.constant 448 : index
    %swap3A_1992 = tpu.vector_load %arg10[%swap3A_1991] {strides = array<i32>} : memref<512xi32, #tpu.memory_space<vmem>>, vector<16xi32>,
    %swap3A_1993 = vector.shape_cast %swap3A_1992 : vector<16xi32> to vector<16xi32>
    %swap3A_1994 = vector.shape_cast %select_n3A_1990 : vector<16xi32> to vector<16xi32>
    tpu.vector_store %arg10[%swap3A_1991], %swap3A_1994 {strides = array<i32>} : memref<512xi32, #tpu.memory_space<vmem>>, vector<16xi32>,
    %get3A_1995 = arith.constant 464 : index
    %get3A_1996 = tpu.vector_load %arg6[%get3A_1995] {strides = array<i32>} : memref<512xi32, #tpu.memory_space<vmem>>, vector<16xi32>,
    %get3A_1997 = vector.shape_cast %get3A_1996 : vector<16xi32> to vector<16xi32>
    %ge3A_1998 = arith.constant 900000 : i32
    %ge3A_1999 = vector.broadcast %ge3A_1998 : i32 to vector<16xi32>
    %ge3A_2000 = arith.cmpi sge, %get3A_1997, %ge3A_1999 : vector<16xi32>
    %mul3A_2001 = arith.constant 32 : i32
    %mul3A_2002 = arith.muli %arg1, %mul3A_2001 : i32
    %add3A_2003 = arith.constant 29 : i32
    %add3A_2004 = arith.addi %mul3A_2002, %add3A_2003 : i32
    %mul3A_2005 = arith.constant 16 : i32
    %mul3A_2006 = arith.muli %add3A_2004, %mul3A_2005 : i32
    %add3A_2007 = vector.broadcast %mul3A_2006 : i32 to vector<16xi32>
    %add3A_2008 = arith.addi %add3A_2007, %iota3A : vector<16xi32>
    %select_n3A_2009 = arith.select %ge3A_2000, %add3A_2008, %get3A_1997 : vector<16xi1>, vector<16xi32>
    %swap3A_2010 = arith.constant 464 : index
    %swap3A_2011 = tpu.vector_load %arg7[%swap3A_2010] {strides = array<i32>} : memref<512xi32, #tpu.memory_space<vmem>>, vector<16xi32>,
    %swap3A_2012 = vector.shape_cast %swap3A_2011 : vector<16xi32> to vector<16xi32>
    %swap3A_2013 = vector.shape_cast %select_n3A_2009 : vector<16xi32> to vector<16xi32>
    tpu.vector_store %arg7[%swap3A_2010], %swap3A_2013 {strides = array<i32>} : memref<512xi32, #tpu.memory_space<vmem>>, vector<16xi32>,
    %sub3A_2014 = arith.constant 900000 : i32
    %sub3A_2015 = vector.broadcast %sub3A_2014 : i32 to vector<16xi32>
    %sub3A_2016 = arith.subi %get3A_1997, %sub3A_2015 : vector<16xi32>
    %jit3A_2017 = arith.constant 100000 : i32
    %eq3A_2018 = arith.constant 0 : i32
    %eq3A_2019 = arith.cmpi eq, %jit3A_2017, %eq3A_2018 : i32
    %jit3A_2020 = arith.constant 1 : i32
    %select_n3A_2021 = arith.select %eq3A_2019, %jit3A_2020, %jit3A_2017 : i32
    %rem3A_2022 = vector.broadcast %select_n3A_2021 : i32 to vector<16xi32>
    %rem3A_2023 = arith.remsi %add3A_2008, %rem3A_2022 : vector<16xi32>
    %ne3A_2024 = arith.constant 0 : i32
    %ne3A_2025 = vector.broadcast %ne3A_2024 : i32 to vector<16xi32>
    %ne3A_2026 = arith.cmpi ne, %rem3A_2023, %ne3A_2025 : vector<16xi32>
    %lt3A_2027 = arith.constant 0 : i32
    %lt3A_2028 = vector.broadcast %lt3A_2027 : i32 to vector<16xi32>
    %lt3A_2029 = arith.cmpi slt, %rem3A_2023, %lt3A_2028 : vector<16xi32>
    %lt3A_2030 = arith.constant 0 : i32
    %lt3A_2031 = arith.cmpi slt, %select_n3A_2021, %lt3A_2030 : i32
    %ne3A_2032 = vector.broadcast %lt3A_2031 : i1 to vector<16xi1>
    %ne3A_2033 = vector.broadcast %ne3A_2032 : vector<16xi1> to vector<16xi1>
    %ne3A_2034 = arith.xori %lt3A_2029, %ne3A_2033 : vector<16xi1>
    %and3A_2035 = arith.andi %ne3A_2034, %ne3A_2026 : vector<16xi1>
    %add3A_2036 = vector.broadcast %select_n3A_2021 : i32 to vector<16xi32>
    %add3A_2037 = arith.addi %rem3A_2023, %add3A_2036 : vector<16xi32>
    %select_n3A_2038 = arith.select %and3A_2035, %add3A_2037, %rem3A_2023 : vector<16xi1>, vector<16xi32>
    %select_n3A_2039 = arith.select %ge3A_2000, %sub3A_2016, %select_n3A_2038 : vector<16xi1>, vector<16xi32>
    %swap3A_2040 = arith.constant 464 : index
    %swap3A_2041 = tpu.vector_load %arg8[%swap3A_2040] {strides = array<i32>} : memref<512xi32, #tpu.memory_space<vmem>>, vector<16xi32>,
    %swap3A_2042 = vector.shape_cast %swap3A_2041 : vector<16xi32> to vector<16xi32>
    %swap3A_2043 = vector.shape_cast %select_n3A_2039 : vector<16xi32> to vector<16xi32>
    tpu.vector_store %arg8[%swap3A_2040], %swap3A_2043 {strides = array<i32>} : memref<512xi32, #tpu.memory_space<vmem>>, vector<16xi32>,
    %add3A_2044 = arith.constant 464 : i32
    %add3A_2045 = arith.addi %mul3A_4, %add3A_2044 : i32
    %add3A_2046 = vector.broadcast %add3A_2045 : i32 to vector<16xi32>
    %add3A_2047 = arith.addi %add3A_2046, %iota3A : vector<16xi32>
    %add3A_2048 = arith.constant 464 : i32
    %add3A_2049 = vector.broadcast %add3A_2048 : i32 to vector<16xi32>
    %add3A_2050 = arith.addi %add3A_2049, %iota3A : vector<16xi32>
    %add3A_2051 = arith.constant 8192 : i32
    %add3A_2052 = vector.broadcast %add3A_2051 : i32 to vector<16xi32>
    %add3A_2053 = arith.addi %add3A_2052, %add3A_2050 : vector<16xi32>
    %select_n3A_2054 = arith.select %ge3A_2000, %add3A_2053, %add3A_2047 : vector<16xi1>, vector<16xi32>
    %swap3A_2055 = arith.constant 464 : index
    %swap3A_2056 = tpu.vector_load %arg9[%swap3A_2055] {strides = array<i32>} : memref<512xi32, #tpu.memory_space<vmem>>, vector<16xi32>,
    %swap3A_2057 = vector.shape_cast %swap3A_2056 : vector<16xi32> to vector<16xi32>
    %swap3A_2058 = vector.shape_cast %select_n3A_2054 : vector<16xi32> to vector<16xi32>
    tpu.vector_store %arg9[%swap3A_2055], %swap3A_2058 {strides = array<i32>} : memref<512xi32, #tpu.memory_space<vmem>>, vector<16xi32>,
    %select_n3A_2059 = arith.select %ge3A_2000, %add3A_2047, %add3A_2053 : vector<16xi1>, vector<16xi32>
    %swap3A_2060 = arith.constant 464 : index
    %swap3A_2061 = tpu.vector_load %arg10[%swap3A_2060] {strides = array<i32>} : memref<512xi32, #tpu.memory_space<vmem>>, vector<16xi32>,
    %swap3A_2062 = vector.shape_cast %swap3A_2061 : vector<16xi32> to vector<16xi32>
    %swap3A_2063 = vector.shape_cast %select_n3A_2059 : vector<16xi32> to vector<16xi32>
    tpu.vector_store %arg10[%swap3A_2060], %swap3A_2063 {strides = array<i32>} : memref<512xi32, #tpu.memory_space<vmem>>, vector<16xi32>,
    %get3A_2064 = arith.constant 480 : index
    %get3A_2065 = tpu.vector_load %arg6[%get3A_2064] {strides = array<i32>} : memref<512xi32, #tpu.memory_space<vmem>>, vector<16xi32>,
    %get3A_2066 = vector.shape_cast %get3A_2065 : vector<16xi32> to vector<16xi32>
    %ge3A_2067 = arith.constant 900000 : i32
    %ge3A_2068 = vector.broadcast %ge3A_2067 : i32 to vector<16xi32>
    %ge3A_2069 = arith.cmpi sge, %get3A_2066, %ge3A_2068 : vector<16xi32>
    %mul3A_2070 = arith.constant 32 : i32
    %mul3A_2071 = arith.muli %arg1, %mul3A_2070 : i32
    %add3A_2072 = arith.constant 30 : i32
    %add3A_2073 = arith.addi %mul3A_2071, %add3A_2072 : i32
    %mul3A_2074 = arith.constant 16 : i32
    %mul3A_2075 = arith.muli %add3A_2073, %mul3A_2074 : i32
    %add3A_2076 = vector.broadcast %mul3A_2075 : i32 to vector<16xi32>
    %add3A_2077 = arith.addi %add3A_2076, %iota3A : vector<16xi32>
    %select_n3A_2078 = arith.select %ge3A_2069, %add3A_2077, %get3A_2066 : vector<16xi1>, vector<16xi32>
    %swap3A_2079 = arith.constant 480 : index
    %swap3A_2080 = tpu.vector_load %arg7[%swap3A_2079] {strides = array<i32>} : memref<512xi32, #tpu.memory_space<vmem>>, vector<16xi32>,
    %swap3A_2081 = vector.shape_cast %swap3A_2080 : vector<16xi32> to vector<16xi32>
    %swap3A_2082 = vector.shape_cast %select_n3A_2078 : vector<16xi32> to vector<16xi32>
    tpu.vector_store %arg7[%swap3A_2079], %swap3A_2082 {strides = array<i32>} : memref<512xi32, #tpu.memory_space<vmem>>, vector<16xi32>,
    %sub3A_2083 = arith.constant 900000 : i32
    %sub3A_2084 = vector.broadcast %sub3A_2083 : i32 to vector<16xi32>
    %sub3A_2085 = arith.subi %get3A_2066, %sub3A_2084 : vector<16xi32>
    %jit3A_2086 = arith.constant 100000 : i32
    %eq3A_2087 = arith.constant 0 : i32
    %eq3A_2088 = arith.cmpi eq, %jit3A_2086, %eq3A_2087 : i32
    %jit3A_2089 = arith.constant 1 : i32
    %select_n3A_2090 = arith.select %eq3A_2088, %jit3A_2089, %jit3A_2086 : i32
    %rem3A_2091 = vector.broadcast %select_n3A_2090 : i32 to vector<16xi32>
    %rem3A_2092 = arith.remsi %add3A_2077, %rem3A_2091 : vector<16xi32>
    %ne3A_2093 = arith.constant 0 : i32
    %ne3A_2094 = vector.broadcast %ne3A_2093 : i32 to vector<16xi32>
    %ne3A_2095 = arith.cmpi ne, %rem3A_2092, %ne3A_2094 : vector<16xi32>
    %lt3A_2096 = arith.constant 0 : i32
    %lt3A_2097 = vector.broadcast %lt3A_2096 : i32 to vector<16xi32>
    %lt3A_2098 = arith.cmpi slt, %rem3A_2092, %lt3A_2097 : vector<16xi32>
    %lt3A_2099 = arith.constant 0 : i32
    %lt3A_2100 = arith.cmpi slt, %select_n3A_2090, %lt3A_2099 : i32
    %ne3A_2101 = vector.broadcast %lt3A_2100 : i1 to vector<16xi1>
    %ne3A_2102 = vector.broadcast %ne3A_2101 : vector<16xi1> to vector<16xi1>
    %ne3A_2103 = arith.xori %lt3A_2098, %ne3A_2102 : vector<16xi1>
    %and3A_2104 = arith.andi %ne3A_2103, %ne3A_2095 : vector<16xi1>
    %add3A_2105 = vector.broadcast %select_n3A_2090 : i32 to vector<16xi32>
    %add3A_2106 = arith.addi %rem3A_2092, %add3A_2105 : vector<16xi32>
    %select_n3A_2107 = arith.select %and3A_2104, %add3A_2106, %rem3A_2092 : vector<16xi1>, vector<16xi32>
    %select_n3A_2108 = arith.select %ge3A_2069, %sub3A_2085, %select_n3A_2107 : vector<16xi1>, vector<16xi32>
    %swap3A_2109 = arith.constant 480 : index
    %swap3A_2110 = tpu.vector_load %arg8[%swap3A_2109] {strides = array<i32>} : memref<512xi32, #tpu.memory_space<vmem>>, vector<16xi32>,
    %swap3A_2111 = vector.shape_cast %swap3A_2110 : vector<16xi32> to vector<16xi32>
    %swap3A_2112 = vector.shape_cast %select_n3A_2108 : vector<16xi32> to vector<16xi32>
    tpu.vector_store %arg8[%swap3A_2109], %swap3A_2112 {strides = array<i32>} : memref<512xi32, #tpu.memory_space<vmem>>, vector<16xi32>,
    %add3A_2113 = arith.constant 480 : i32
    %add3A_2114 = arith.addi %mul3A_4, %add3A_2113 : i32
    %add3A_2115 = vector.broadcast %add3A_2114 : i32 to vector<16xi32>
    %add3A_2116 = arith.addi %add3A_2115, %iota3A : vector<16xi32>
    %add3A_2117 = arith.constant 480 : i32
    %add3A_2118 = vector.broadcast %add3A_2117 : i32 to vector<16xi32>
    %add3A_2119 = arith.addi %add3A_2118, %iota3A : vector<16xi32>
    %add3A_2120 = arith.constant 8192 : i32
    %add3A_2121 = vector.broadcast %add3A_2120 : i32 to vector<16xi32>
    %add3A_2122 = arith.addi %add3A_2121, %add3A_2119 : vector<16xi32>
    %select_n3A_2123 = arith.select %ge3A_2069, %add3A_2122, %add3A_2116 : vector<16xi1>, vector<16xi32>
    %swap3A_2124 = arith.constant 480 : index
    %swap3A_2125 = tpu.vector_load %arg9[%swap3A_2124] {strides = array<i32>} : memref<512xi32, #tpu.memory_space<vmem>>, vector<16xi32>,
    %swap3A_2126 = vector.shape_cast %swap3A_2125 : vector<16xi32> to vector<16xi32>
    %swap3A_2127 = vector.shape_cast %select_n3A_2123 : vector<16xi32> to vector<16xi32>
    tpu.vector_store %arg9[%swap3A_2124], %swap3A_2127 {strides = array<i32>} : memref<512xi32, #tpu.memory_space<vmem>>, vector<16xi32>,
    %select_n3A_2128 = arith.select %ge3A_2069, %add3A_2116, %add3A_2122 : vector<16xi1>, vector<16xi32>
    %swap3A_2129 = arith.constant 480 : index
    %swap3A_2130 = tpu.vector_load %arg10[%swap3A_2129] {strides = array<i32>} : memref<512xi32, #tpu.memory_space<vmem>>, vector<16xi32>,
    %swap3A_2131 = vector.shape_cast %swap3A_2130 : vector<16xi32> to vector<16xi32>
    %swap3A_2132 = vector.shape_cast %select_n3A_2128 : vector<16xi32> to vector<16xi32>
    tpu.vector_store %arg10[%swap3A_2129], %swap3A_2132 {strides = array<i32>} : memref<512xi32, #tpu.memory_space<vmem>>, vector<16xi32>,
    %get3A_2133 = arith.constant 496 : index
    %get3A_2134 = tpu.vector_load %arg6[%get3A_2133] {strides = array<i32>} : memref<512xi32, #tpu.memory_space<vmem>>, vector<16xi32>,
    %get3A_2135 = vector.shape_cast %get3A_2134 : vector<16xi32> to vector<16xi32>
    %ge3A_2136 = arith.constant 900000 : i32
    %ge3A_2137 = vector.broadcast %ge3A_2136 : i32 to vector<16xi32>
    %ge3A_2138 = arith.cmpi sge, %get3A_2135, %ge3A_2137 : vector<16xi32>
    %mul3A_2139 = arith.constant 32 : i32
    %mul3A_2140 = arith.muli %arg1, %mul3A_2139 : i32
    %add3A_2141 = arith.constant 31 : i32
    %add3A_2142 = arith.addi %mul3A_2140, %add3A_2141 : i32
    %mul3A_2143 = arith.constant 16 : i32
    %mul3A_2144 = arith.muli %add3A_2142, %mul3A_2143 : i32
    %add3A_2145 = vector.broadcast %mul3A_2144 : i32 to vector<16xi32>
    %add3A_2146 = arith.addi %add3A_2145, %iota3A : vector<16xi32>
    %select_n3A_2147 = arith.select %ge3A_2138, %add3A_2146, %get3A_2135 : vector<16xi1>, vector<16xi32>
    %swap3A_2148 = arith.constant 496 : index
    %swap3A_2149 = tpu.vector_load %arg7[%swap3A_2148] {strides = array<i32>} : memref<512xi32, #tpu.memory_space<vmem>>, vector<16xi32>,
    %swap3A_2150 = vector.shape_cast %swap3A_2149 : vector<16xi32> to vector<16xi32>
    %swap3A_2151 = vector.shape_cast %select_n3A_2147 : vector<16xi32> to vector<16xi32>
    tpu.vector_store %arg7[%swap3A_2148], %swap3A_2151 {strides = array<i32>} : memref<512xi32, #tpu.memory_space<vmem>>, vector<16xi32>,
    %sub3A_2152 = arith.constant 900000 : i32
    %sub3A_2153 = vector.broadcast %sub3A_2152 : i32 to vector<16xi32>
    %sub3A_2154 = arith.subi %get3A_2135, %sub3A_2153 : vector<16xi32>
    %jit3A_2155 = arith.constant 100000 : i32
    %eq3A_2156 = arith.constant 0 : i32
    %eq3A_2157 = arith.cmpi eq, %jit3A_2155, %eq3A_2156 : i32
    %jit3A_2158 = arith.constant 1 : i32
    %select_n3A_2159 = arith.select %eq3A_2157, %jit3A_2158, %jit3A_2155 : i32
    %rem3A_2160 = vector.broadcast %select_n3A_2159 : i32 to vector<16xi32>
    %rem3A_2161 = arith.remsi %add3A_2146, %rem3A_2160 : vector<16xi32>
    %ne3A_2162 = arith.constant 0 : i32
    %ne3A_2163 = vector.broadcast %ne3A_2162 : i32 to vector<16xi32>
    %ne3A_2164 = arith.cmpi ne, %rem3A_2161, %ne3A_2163 : vector<16xi32>
    %lt3A_2165 = arith.constant 0 : i32
    %lt3A_2166 = vector.broadcast %lt3A_2165 : i32 to vector<16xi32>
    %lt3A_2167 = arith.cmpi slt, %rem3A_2161, %lt3A_2166 : vector<16xi32>
    %lt3A_2168 = arith.constant 0 : i32
    %lt3A_2169 = arith.cmpi slt, %select_n3A_2159, %lt3A_2168 : i32
    %ne3A_2170 = vector.broadcast %lt3A_2169 : i1 to vector<16xi1>
    %ne3A_2171 = vector.broadcast %ne3A_2170 : vector<16xi1> to vector<16xi1>
    %ne3A_2172 = arith.xori %lt3A_2167, %ne3A_2171 : vector<16xi1>
    %and3A_2173 = arith.andi %ne3A_2172, %ne3A_2164 : vector<16xi1>
    %add3A_2174 = vector.broadcast %select_n3A_2159 : i32 to vector<16xi32>
    %add3A_2175 = arith.addi %rem3A_2161, %add3A_2174 : vector<16xi32>
    %select_n3A_2176 = arith.select %and3A_2173, %add3A_2175, %rem3A_2161 : vector<16xi1>, vector<16xi32>
    %select_n3A_2177 = arith.select %ge3A_2138, %sub3A_2154, %select_n3A_2176 : vector<16xi1>, vector<16xi32>
    %swap3A_2178 = arith.constant 496 : index
    %swap3A_2179 = tpu.vector_load %arg8[%swap3A_2178] {strides = array<i32>} : memref<512xi32, #tpu.memory_space<vmem>>, vector<16xi32>,
    %swap3A_2180 = vector.shape_cast %swap3A_2179 : vector<16xi32> to vector<16xi32>
    %swap3A_2181 = vector.shape_cast %select_n3A_2177 : vector<16xi32> to vector<16xi32>
    tpu.vector_store %arg8[%swap3A_2178], %swap3A_2181 {strides = array<i32>} : memref<512xi32, #tpu.memory_space<vmem>>, vector<16xi32>,
    %add3A_2182 = arith.constant 496 : i32
    %add3A_2183 = arith.addi %mul3A_4, %add3A_2182 : i32
    %add3A_2184 = vector.broadcast %add3A_2183 : i32 to vector<16xi32>
    %add3A_2185 = arith.addi %add3A_2184, %iota3A : vector<16xi32>
    %add3A_2186 = arith.constant 496 : i32
    %add3A_2187 = vector.broadcast %add3A_2186 : i32 to vector<16xi32>
    %add3A_2188 = arith.addi %add3A_2187, %iota3A : vector<16xi32>
    %add3A_2189 = arith.constant 8192 : i32
    %add3A_2190 = vector.broadcast %add3A_2189 : i32 to vector<16xi32>
    %add3A_2191 = arith.addi %add3A_2190, %add3A_2188 : vector<16xi32>
    %select_n3A_2192 = arith.select %ge3A_2138, %add3A_2191, %add3A_2185 : vector<16xi1>, vector<16xi32>
    %swap3A_2193 = arith.constant 496 : index
    %swap3A_2194 = tpu.vector_load %arg9[%swap3A_2193] {strides = array<i32>} : memref<512xi32, #tpu.memory_space<vmem>>, vector<16xi32>,
    %swap3A_2195 = vector.shape_cast %swap3A_2194 : vector<16xi32> to vector<16xi32>
    %swap3A_2196 = vector.shape_cast %select_n3A_2192 : vector<16xi32> to vector<16xi32>
    tpu.vector_store %arg9[%swap3A_2193], %swap3A_2196 {strides = array<i32>} : memref<512xi32, #tpu.memory_space<vmem>>, vector<16xi32>,
    %select_n3A_2197 = arith.select %ge3A_2138, %add3A_2185, %add3A_2191 : vector<16xi1>, vector<16xi32>
    %swap3A_2198 = arith.constant 496 : index
    %swap3A_2199 = tpu.vector_load %arg10[%swap3A_2198] {strides = array<i32>} : memref<512xi32, #tpu.memory_space<vmem>>, vector<16xi32>,
    %swap3A_2200 = vector.shape_cast %swap3A_2199 : vector<16xi32> to vector<16xi32>
    %swap3A_2201 = vector.shape_cast %select_n3A_2197 : vector<16xi32> to vector<16xi32>
    tpu.vector_store %arg10[%swap3A_2198], %swap3A_2201 {strides = array<i32>} : memref<512xi32, #tpu.memory_space<vmem>>, vector<16xi32>,
    %dma_start3A = arith.constant 0 : i32
    %dma_start3A_2202 = arith.constant 0 : i32
    %dma_start3A_2203 = tpu.memref_slice %arg2[%dma_start3A, %dma_start3A_2202] : memref<900000x64xf32, #tpu.memory_space<hbm>> -> memref<900000x64xf32, #tpu.memory_space<hbm>>
    tpu.enqueue_indirect_dma source(%dma_start3A_2203 : memref<900000x64xf32, #tpu.memory_space<hbm>>) target(%arg11 : memref<512x64xf32, #tpu.memory_space<vmem>>) offsets(%arg7 : memref<512xi32, #tpu.memory_space<vmem>>) semaphore(%arg14 : memref<!tpu.dma_semaphore, #tpu.memory_space<semaphore_mem>>)
    %dma_start3A_2204 = arith.constant 0 : i32
    %dma_start3A_2205 = arith.constant 0 : i32
    %dma_start3A_2206 = tpu.memref_slice %arg3[%dma_start3A_2204, %dma_start3A_2205] : memref<100000x64xf32, #tpu.memory_space<hbm>> -> memref<100000x64xf32, #tpu.memory_space<hbm>>
    tpu.enqueue_indirect_dma source(%dma_start3A_2206 : memref<100000x64xf32, #tpu.memory_space<hbm>>) target(%arg12 : memref<512x64xf32, #tpu.memory_space<vmem>>) offsets(%arg8 : memref<512xi32, #tpu.memory_space<vmem>>) semaphore(%arg15 : memref<!tpu.dma_semaphore, #tpu.memory_space<semaphore_mem>>)
    %dma_wait3A = arith.constant 0 : i32
    %dma_wait3A_2207 = arith.constant 0 : i32
    %dma_wait3A_2208 = tpu.memref_slice %arg2[%dma_wait3A, %dma_wait3A_2207] : memref<900000x64xf32, #tpu.memory_space<hbm>> -> memref<900000x64xf32, #tpu.memory_space<hbm>>
    tpu.wait_indirect_dma semaphore(%arg14 : memref<!tpu.dma_semaphore, #tpu.memory_space<semaphore_mem>>) src(%dma_wait3A_2208 : memref<900000x64xf32, #tpu.memory_space<hbm>>) dst(%arg11 : memref<512x64xf32, #tpu.memory_space<vmem>>)
    %dma_start3A_2209 = arith.constant 0 : i32
    %dma_start3A_2210 = arith.constant 0 : i32
    %dma_start3A_2211 = tpu.memref_slice %arg13[%dma_start3A_2209, %dma_start3A_2210] : memref<8704x64xf32, #tpu.memory_space<vmem_shared>> -> memref<8704x64xf32, #tpu.memory_space<vmem_shared>>
    tpu.enqueue_indirect_dma source(%arg11 : memref<512x64xf32, #tpu.memory_space<vmem>>) target(%dma_start3A_2211 : memref<8704x64xf32, #tpu.memory_space<vmem_shared>>) offsets(%arg9 : memref<512xi32, #tpu.memory_space<vmem>>) semaphore(%arg16 : memref<!tpu.dma_semaphore, #tpu.memory_space<semaphore_mem>>)
    %dma_wait3A_2212 = arith.constant 0 : i32
    %dma_wait3A_2213 = arith.constant 0 : i32
    %dma_wait3A_2214 = tpu.memref_slice %arg3[%dma_wait3A_2212, %dma_wait3A_2213] : memref<100000x64xf32, #tpu.memory_space<hbm>> -> memref<100000x64xf32, #tpu.memory_space<hbm>>
    tpu.wait_indirect_dma semaphore(%arg15 : memref<!tpu.dma_semaphore, #tpu.memory_space<semaphore_mem>>) src(%dma_wait3A_2214 : memref<100000x64xf32, #tpu.memory_space<hbm>>) dst(%arg12 : memref<512x64xf32, #tpu.memory_space<vmem>>)
    %dma_start3A_2215 = arith.constant 0 : i32
    %dma_start3A_2216 = arith.constant 0 : i32
    %dma_start3A_2217 = tpu.memref_slice %arg13[%dma_start3A_2215, %dma_start3A_2216] : memref<8704x64xf32, #tpu.memory_space<vmem_shared>> -> memref<8704x64xf32, #tpu.memory_space<vmem_shared>>
    tpu.enqueue_indirect_dma source(%arg12 : memref<512x64xf32, #tpu.memory_space<vmem>>) target(%dma_start3A_2217 : memref<8704x64xf32, #tpu.memory_space<vmem_shared>>) offsets(%arg10 : memref<512xi32, #tpu.memory_space<vmem>>) semaphore(%arg16 : memref<!tpu.dma_semaphore, #tpu.memory_space<semaphore_mem>>)
    %dma_wait3A_2218 = arith.constant 0 : i32
    %dma_wait3A_2219 = arith.constant 0 : i32
    %dma_wait3A_2220 = tpu.memref_slice %arg13[%dma_wait3A_2218, %dma_wait3A_2219] : memref<8704x64xf32, #tpu.memory_space<vmem_shared>> -> memref<8704x64xf32, #tpu.memory_space<vmem_shared>>
    tpu.wait_indirect_dma semaphore(%arg16 : memref<!tpu.dma_semaphore, #tpu.memory_space<semaphore_mem>>) src(%arg11 : memref<512x64xf32, #tpu.memory_space<vmem>>) dst(%dma_wait3A_2220 : memref<8704x64xf32, #tpu.memory_space<vmem_shared>>)
    %dma_wait3A_2221 = arith.constant 0 : i32
    %dma_wait3A_2222 = arith.constant 0 : i32
    %dma_wait3A_2223 = tpu.memref_slice %arg13[%dma_wait3A_2221, %dma_wait3A_2222] : memref<8704x64xf32, #tpu.memory_space<vmem_shared>> -> memref<8704x64xf32, #tpu.memory_space<vmem_shared>>
    tpu.wait_indirect_dma semaphore(%arg16 : memref<!tpu.dma_semaphore, #tpu.memory_space<semaphore_mem>>) src(%arg12 : memref<512x64xf32, #tpu.memory_space<vmem>>) dst(%dma_wait3A_2223 : memref<8704x64xf32, #tpu.memory_space<vmem_shared>>)
    %barrier3A = arith.constant 0 : index
    tpu.barrier barrier_id(%barrier3A)
    "tpu.region"() ({
      %run_scoped3A = tpu.sem_alloc : memref<!tpu.dma_semaphore, #tpu.memory_space<semaphore_mem>>
      %dma_start3A_2224 = arith.constant 0 : i32
      %dma_start3A_2225 = tpu.memref_slice %arg13[%mul3A_4, %dma_start3A_2224] : memref<8704x64xf32, #tpu.memory_space<vmem_shared>> -> memref<512x64xf32, #tpu.memory_space<vmem_shared>>
      %dma_start3A_2226 = arith.constant 0 : i32
      %dma_start3A_2227 = tpu.memref_slice %arg13[%mul3A_4, %dma_start3A_2226] : memref<8704x64xf32, #tpu.memory_space<vmem_shared>> -> memref<512x64xf32, #tpu.memory_space<vmem_shared>>
      tpu.enqueue_dma source(%dma_start3A_2227 : memref<512x64xf32, #tpu.memory_space<vmem_shared>>) target(%arg11 : memref<512x64xf32, #tpu.memory_space<vmem>>) target_semaphore(%run_scoped3A : memref<!tpu.dma_semaphore, #tpu.memory_space<semaphore_mem>>)
      %dma_wait3A_2228 = arith.constant 0 : i32
      %dma_wait3A_2229 = tpu.memref_slice %arg13[%mul3A_4, %dma_wait3A_2228] : memref<8704x64xf32, #tpu.memory_space<vmem_shared>> -> memref<512x64xf32, #tpu.memory_space<vmem_shared>>
      %dma_wait3A_2230 = arith.constant 0 : i32
      %dma_wait3A_2231 = tpu.memref_slice %arg13[%mul3A_4, %dma_wait3A_2230] : memref<8704x64xf32, #tpu.memory_space<vmem_shared>> -> memref<512x64xf32, #tpu.memory_space<vmem_shared>>
      tpu.wait_dma2 semaphore(%run_scoped3A : memref<!tpu.dma_semaphore, #tpu.memory_space<semaphore_mem>>) src(%dma_wait3A_2231 : memref<512x64xf32, #tpu.memory_space<vmem_shared>>) dst(%arg11 : memref<512x64xf32, #tpu.memory_space<vmem>>)
      tpu.yield
    }) : () -> ()
    "tpu.region"() ({
      %run_scoped3A = tpu.sem_alloc : memref<!tpu.dma_semaphore, #tpu.memory_space<semaphore_mem>>
      %dma_start3A_2224 = arith.constant 0 : i32
      %dma_start3A_2225 = tpu.memref_slice %arg5[%mul3A_2, %dma_start3A_2224] : memref<16384x64xf32, #tpu.memory_space<hbm>> -> memref<512x64xf32, #tpu.memory_space<hbm>>
      %dma_start3A_2226 = arith.constant 0 : i32
      %dma_start3A_2227 = tpu.memref_slice %arg5[%mul3A_2, %dma_start3A_2226] : memref<16384x64xf32, #tpu.memory_space<hbm>> -> memref<512x64xf32, #tpu.memory_space<hbm>>
      tpu.enqueue_dma source(%arg11 : memref<512x64xf32, #tpu.memory_space<vmem>>) target(%dma_start3A_2227 : memref<512x64xf32, #tpu.memory_space<hbm>>) target_semaphore(%run_scoped3A : memref<!tpu.dma_semaphore, #tpu.memory_space<semaphore_mem>>)
      %dma_wait3A_2228 = arith.constant 0 : i32
      %dma_wait3A_2229 = tpu.memref_slice %arg5[%mul3A_2, %dma_wait3A_2228] : memref<16384x64xf32, #tpu.memory_space<hbm>> -> memref<512x64xf32, #tpu.memory_space<hbm>>
      %dma_wait3A_2230 = arith.constant 0 : i32
      %dma_wait3A_2231 = tpu.memref_slice %arg5[%mul3A_2, %dma_wait3A_2230] : memref<16384x64xf32, #tpu.memory_space<hbm>> -> memref<512x64xf32, #tpu.memory_space<hbm>>
      tpu.wait_dma2 semaphore(%run_scoped3A : memref<!tpu.dma_semaphore, #tpu.memory_space<semaphore_mem>>) src(%arg11 : memref<512x64xf32, #tpu.memory_space<vmem>>) dst(%dma_wait3A_2231 : memref<512x64xf32, #tpu.memory_space<hbm>>)
      tpu.yield
    }) : () -> ()
    return
  }
}

</mosaic_0001>

<sc_bundles>
// kernel: kernel.3.cloned.1.call-start
scs
__scs_entry_jumppad:
0x0: {  	(pc) =	sbr.rel $0x88, $3  }
0x1: {  	(tag) =	ssettag $0x0;
	lr =	simm.s32 $0x1  }
0x2: {  	[smem:$0x3F9E] =	sst lr;
	_ =	strace $0xD0000000  }
0x3: {  	_ = 	snop  }
0x4: {  	_ = 	snop  }
0x5: {  	_ = 	snop  }
0x6: {  	_ = 	snop  }
0x7: {  	_ = 	snop  }
__scs_overlays_trampoline_lowered:
0x8: {  	[smem:$0x3FAD] =	sst s0  }
0x9: {  	[smem:$0x3FAE] =	sst s1  }
0xa: {  	[smem:$0x3FAF] =	sst s2  }
0xb: {  	[smem:$0x3FB0] =	sst s3  }
0xc: {  	[smem:$0x3FB1] =	sst s4  }
0xd: {  	[smem:$0x3FB2] =	sst s5  }
0xe: {  	[smem:$0x3FB3] =	sst s6  }
0xf: {  	[smem:$0x3FB4] =	sst s7  }
0x10: {  	[smem:$0x3FB5] =	sst s8  }
0x11: {  	[smem:$0x3FB6] =	sst s9;
	s0 =	simm.s32 @!p0 $0x0  }
0x12: {  	s1 =	sld [smem:$0x3F9C];
	s0 =	simm.s32 @p0 $0x1  }
0x13: {  	[smem:$0x3FB7] =	sst s0;
	s0 =	simm.s32 @!p1 $0x0  }
0x14: {  	s2 =	sld [smem:$0x3F9B];
	s0 =	simm.s32 @p1 $0x1  }
0x15: {  	[smem:$0x3FB8] =	sst s0;
	s0 =	simm.s32 @!p2 $0x0  }
0x16: {  	s3 =	sld [smem:$0x3FDB];
	s0 =	simm.s32 @p2 $0x1  }
0x17: {  	s4 =	simm.s32 $0x1BF5;
	[smem:$0x3FBA] =	sst s0  }
0x18: {  	s0 =	sld [smem:$0x3F9D];
	_ =	swait.ge [sflag:s4], $0x0  }
0x19: {  	s7 =	sld [smem:$0x3F9E]  }
0x1a: {  	s8 =	sadd.s32 $0xFFFFE003, lr  }
0x1b: {  	s9 =	sadd.s32 $0xFFFFFEF7, lr;
	s5 =	simm.s32 $0xFFFFFFFF;
	p2 =	slt.u32 s8, $0xFFFFF086  }
0x1c: {  	p1 =	slt.u32 s9, $0xF7A;
	s5 =	simm.s32 @!p2 $0x0  }
0x1d: {  	s5 =	simm.s32 @p1 $0x1;
	p0 =	seq.s32 s7, s2  }
0x1e: {  	s7 =	smul.u32 @!p0 $0xF7A, s2;
	p2 =	seq.s32 @!p0 s5, $0x0  }
0x1f: {  	s9 =	smul.u32 $0xF7A, s1;
	s8 =	simm.s32 @!p0 $0x1BF5;
	p2 =	por !p2, p0  }
0x20: {  	[sflag:s8] =	ssyncset.s32 @!p0 $0xFFFFF086;
	s6 =	sadd.s32 @!p0 s3, s7;
	s7 =	simm.s32 @!p0 $0x108  }
0x21: {  	s3 =	sadd.s32 s3, s9;
	s6 =	sadd.s32 @!p0 $0x88, s6;
	s7 =	simm.s32 @p2 $0x1082  }
0x22: {  	[simem:s7], [sflag:s8] =	dma.local @!p0 [hbm:s6], $0xF7A  }
0x23: {  	s9 =	sor.u32 $0xD0000000, s2;
	s6 =	simm.s32 $0x108;
	_ =	swait.ge @!p0 [sflag:s8], $0x0  }
0x24: {  	s3 =	sadd.s32 $0x88, s3;
	s6 =	simm.s32 @!p1 $0x1082;
	[sflag:s4] =	ssyncset.s32 $0xFFFFF086  }
0x25: {  	[simem:s6], [sflag:s4] =	dma.local [hbm:s3], $0xF7A  }
0x26: {  	[smem:$0x3F9E] =	sst s1;
	(tag) =	ssettag s2;
	_ =	strace s9  }
0x27: {  	s1 =	sld [smem:$0x3FAE]  }
0x28: {  	s2 =	sld [smem:$0x3FAF]  }
0x29: {  	s4 =	sld [smem:$0x3FB1]  }
0x2a: {  	p0 =	seq.s32 s5, $0x0;
	s5 =	sld [smem:$0x3FB2]  }
0x2b: {  	s6 =	sld [smem:$0x3FB3]  }
0x2c: {  	s7 =	sld [smem:$0x3FB4]  }
0x2d: {  	s3 =	simm.s32 $0x108;
	s8 =	sld [smem:$0x3FB5]  }
0x2e: {  	s3 =	simm.s32 @!p0 $0x1082;
	s9 =	sld [smem:$0x3FB6]  }
0x2f: {  	lr =	sadd.s32 s0, s3;
	s0 =	sld [smem:$0x3FAD]  }
0x30: {  	s3 =	sld [smem:$0x3FB0]  }
0x31: {  	[smem:$0x3FB9] =	sst s10  }
0x32: {  	s10 =	sld [smem:$0x3FB7];
	_ =	sdelay $0x3  }
0x33: {  	p0 =	seq.s32 s10, $0x1;
	s10 =	sld [smem:$0x3FB9];
	_ =	sdelay $0x3  }
0x34: {  	[smem:$0x3FB9] =	sst s10  }
0x35: {  	s10 =	sld [smem:$0x3FB8];
	_ =	sdelay $0x3  }
0x36: {  	p1 =	seq.s32 s10, $0x1;
	s10 =	sld [smem:$0x3FB9];
	_ =	sdelay $0x3  }
0x37: {  	[smem:$0x3FB9] =	sst s10  }
0x38: {  	s10 =	sld [smem:$0x3FBA]  }
0x39: {  	_ = 	snop;
	(pc) =	sbr.ind lr, $3  }
0x3a: {  	_ = 	snop  }
0x3b: {  	_ = 	snop  }
0x3c: {  	p2 =	seq.s32 s10, $0x1;
	s10 =	sld [smem:$0x3FB9]  }
0x3d: {  	_ =	shalt  }
0x3e: {  	_ =	shalt  }
0x3f: {  	_ =	shalt  }
0x40: {  	_ =	shalt  }
0x41: {  	_ =	shalt  }
0x42: {  	_ =	shalt  }
0x43: {  	_ =	shalt  }
0x44: {  	_ =	shalt  }
0x45: {  	_ =	shalt  }
0x46: {  	_ =	shalt  }
0x47: {  	_ =	shalt  }
0x48: {  	_ =	shalt  }
0x49: {  	_ =	shalt  }
0x4a: {  	_ =	shalt  }
0x4b: {  	_ =	shalt  }
0x4c: {  	_ =	shalt  }
0x4d: {  	_ =	shalt  }
0x4e: {  	_ =	shalt  }
0x4f: {  	_ =	shalt  }
0x50: {  	_ =	shalt  }
0x51: {  	_ =	shalt  }
0x52: {  	_ =	shalt  }
0x53: {  	_ =	shalt  }
0x54: {  	_ =	shalt  }
0x55: {  	_ =	shalt  }
0x56: {  	_ =	shalt  }
0x57: {  	_ =	shalt  }
0x58: {  	_ =	shalt  }
0x59: {  	_ =	shalt  }
0x5a: {  	_ =	shalt  }
0x5b: {  	_ =	shalt  }
0x5c: {  	_ =	shalt  }
0x5d: {  	_ =	shalt  }
0x5e: {  	_ =	shalt  }
0x5f: {  	_ =	shalt  }
0x60: {  	_ =	shalt  }
0x61: {  	_ =	shalt  }
0x62: {  	_ =	shalt  }
0x63: {  	_ =	shalt  }
0x64: {  	_ =	shalt  }
0x65: {  	_ =	shalt  }
0x66: {  	_ =	shalt  }
0x67: {  	_ =	shalt  }
0x68: {  	_ =	shalt  }
0x69: {  	_ =	shalt  }
0x6a: {  	_ =	shalt  }
0x6b: {  	_ =	shalt  }
0x6c: {  	_ =	shalt  }
0x6d: {  	_ =	shalt  }
0x6e: {  	_ =	shalt  }
0x6f: {  	_ =	shalt  }
0x70: {  	_ =	shalt  }
0x71: {  	_ =	shalt  }
0x72: {  	_ =	shalt  }
0x73: {  	_ =	shalt  }
0x74: {  	_ =	shalt  }
0x75: {  	_ =	shalt  }
0x76: {  	_ =	shalt  }
0x77: {  	_ =	shalt  }
0x78: {  	_ =	shalt  }
0x79: {  	_ =	shalt  }
0x7a: {  	_ =	shalt  }
0x7b: {  	_ =	shalt  }
0x7c: {  	_ =	shalt  }
0x7d: {  	_ =	shalt  }
0x7e: {  	_ =	shalt  }
0x7f: {  	_ =	shalt  }
0x80: {  	_ =	shalt  }
0x81: {  	_ =	shalt  }
0x82: {  	_ =	shalt  }
0x83: {  	_ =	shalt  }
0x84: {  	_ =	shalt  }
0x85: {  	_ =	shalt  }
0x86: {  	_ =	shalt  }
0x87: {  	_ =	shalt  }
.Lfunc_end0:
.L_simem_size_0:
called_computation_lowered:
.L_overlay_start_0:
0x88: {  	s2 =	sld [smem:$0x3FD9]  }
0x89: {  	s3 =	sld [smem:$0x3FFE];
	_ =	sdelay $0x1  }
0x8a: {  	s1 =	srdreg.scid  }
0x8b: {  	s0 =	sand.u32 $0x1, s1  }
0x8c: {  	s17 =	sshll.u32 s0, $0xA;
	s2 =	sadd.s32 s3, s2  }
0x8d: {  	s2 =	sadd.s32 s2, s17  }
0x8e: {  	[smem:$0x3FC5] =	sst s2  }
0x8f: {  	_ = 	snop  }
0x90: {  	s2 =	sld [smem:$0x3FC7]  }
0x91: {  	s18 =	sld [smem:$0x3FD0];
	(tm) =	ssettm $0x1  }
0x92: {  	s4 =	sld [smem:$0x3FFB];
	_ =	sdelay $0x3  }
0x93: {  	_ =	strace s4  }
0x94: {  	s4 =	sld [smem:$0x3FFC];
	_ =	sdelay $0x3  }
0x95: {  	_ =	strace s4  }
0x96: {  	s4 =	sld [smem:$0x3FFD];
	_ =	sdelay $0x3  }
0x97: {  	_ =	strace s4  }
0x98: {  	_ =	strace $0x8FFFFFFF  }
0x99: {  	s19 =	sld [smem:$0x3FDB];
	_ =	sdelay $0x1  }
0x9a: {  	s5 =	simm.s32 $_scs_section_size  }
0x9b: {  	s6 =	simm.s32 $_size__tile_overlayer_lowered;
	s7 =	simm.s32 $_tile_overlayer_lowered  }
0x9c: {  	s22 =	simm.s32 $0x1BFF;
	s21 =	sshll.u32 s7, $0x1;
	s4 =	sadd.s32 s5, s19  }
0x9d: {  	s8 =	simm.s32 $0x0;
	s20 =	sshll.u32 s6, $0x1;
	s6 =	sadd.s32 s21, s4  }
0x9e: {  	[timem:s8], [sflag:s22] =	dma.local [hbm:s6], s20  }
0x9f: {  	_ =	swait.ge [sflag:s22], s20  }
0xa0: {  	s5 =	ssub.s32 $0x0, s20;
	[sflag:s22] =	ssyncset.done $0x0  }
0xa1: {  	[sflag:s22] =	ssyncadd.s32 s5;
	_ =	sdelay $0x1  }
0xa2: {  	s23 =	simm.s32 $0x1B8B  }
0xa3: {  	_ =	swait.ge [sflag:s23], $0x1  }
0xa4: {  	[sflag:s23] =	ssyncset.done $0x0  }
0xa5: {  	s25 =	simm.s32 $0x1B8E;
	s24 =	sld [smem:$0x3FFE];
	[sflag:s23] =	ssyncadd.s32 $0xFFFFFFFF  }
0xa6: {  	s26 =	simm.s32 $execute0_lowered;
	[smem:$0x3FD2] =	sst s25  }
0xa7: {  	s6 =	sshll.u32 s26, $0x1;
	_ =	strace $0x80000046;
	[dreg:$0x1] =	wrdreg $0xFFFFFFFF  }
0xa8: {  	s28 =	simm.s32 $_size_execute0_lowered;
	s4 =	sadd.s32 s4, s6;
	[dreg:$0x0] =	wrdreg $0x0  }
0xa9: {  	s6 =	sshll.u32 s28, $0x1;
	[dreg:$0x2] =	wrdreg s4  }
0xaa: {  	[dreg:$0x3] =	wrdreg s6  }
0xab: {  	[dreg:$0x4] =	wrdreg $0xC0  }
0xac: {  	_ =	task [dreg:s8], $0x5FFFF  }
0xad: {  	[dreg:$0x1] =	wrdreg $0xFFFFFFFF  }
0xae: {  	[dreg:$0x0] =	wrdreg $0x60  }
0xaf: {  	[dreg:$0x2] =	wrdreg s24  }
0xb0: {  	[dreg:$0x3] =	wrdreg s2  }
0xb1: {  	[dreg:$0x4] =	wrdreg s18  }
0xb2: {  	[dreg:$0x5] =	wrdreg $0x10A000  }
0xb3: {  	[dreg:$0x6] =	wrdreg $0x9  }
0xb4: {  	_ =	task.clear_ibuf [dreg:s8], $0x7FFFF;
	_ =	strace $0x90000046  }
0xb5: {  	s29 =	simm.s32 $0x9;
	_ =	strace $0x80000048  }
0xb6: {  	_ =	swait.ge [sflag:s29], $0x1  }
0xb7: {  	[sflag:s29] =	ssyncadd.s32 $0xFFFFFFFF  }
0xb8: {  	_ =	strace $0x90000048  }
0xb9: {  	_ =	sfence  }
0xba: {  	s30 =	sld [smem:$0x0];
	_ =	sdelay $0x2  }
0xbb: {  	s31 =	sshll.u32 s1, $0xD;
	s1 =	sshrl.u32 s1, $0x2  }
0xbc: {  	s3 =	sand.u32 $0x4000, s31;
	s1 =	sadd.s32 s1, s30  }
0xbd: {  	s0 =	sor.u32 s3, s0;
	s1 =	sshll.u32 s1, $0x11  }
0xbe: {  	s0 =	sor.u32 s1, s0  }
0xbf: {  	s0 =	sadd.s32 $0x8F2B, s0  }
0xc0: {  	[sflag:s0] =	ssyncadd.remote.s32 $0x1  }
0xc1: {  	_ =	sfence.sel $0xFFFF  }
0xc2: {  	[dreg:$0x0] =	wrdreg $0xFFFFFFFF;
	(pc) =	sbr.abs _section_cstart, $3  }
0xc3: {  	[dreg:$0x1] =	wrdreg $0xFFFFFFFF  }
0xc4: {  	_ =	task.clear_ibuf [dreg:s8], $0x2FFFF;
	_ =	strace $0x9FFFFFFF  }
0xc5: {  	(tm) =	ssettm $0x7FFFFFFF  }
tec
execute0_lowered:
.L_overlay_start_1:
0x0: {  	(tag) =	ssettag $0x1  }
0x1: {  	s5 =	rddreg [dreg:$0x0];
	s0 =	stileid.u32  }
0x2: {  	s6 =	rddreg [dreg:$0x1];
	v0 =	vlaneseq.u32;
	s7 =	sshll.u32 s0, $0x9  }
0x3: {  	s8 =	rddreg [dreg:$0x2];
	v33 =	vor.u32 $0x2000, v0;
	v62 =	vor.u32 $0x2010, v0;
	v63 =	vor.u32 $0x2020, v0;
	s1 =	sor.u32 $0x10, s7;
	s2 =	sor.u32 $0x20, s7  }
0x4: {  	v36 =	vor.u32 $0x2030, v0;
	v37 =	vor.u32 $0x2040, v0;
	v38 =	vor.u32 $0x2050, v0;
	s26 =	sor.u32 $0x30, s7;
	s28 =	sor.u32 $0x40, s7;
	s3 =	sor.u32 $0x50, s7  }
0x5: {  	v39 =	vor.u32 $0x2060, v0;
	v40 =	vor.u32 $0x2070, v0;
	v41 =	vor.u32 $0x2080, v0;
	s29 =	sor.u32 $0x60, s7;
	s30 =	sor.u32 $0x70, s7;
	s31 =	sor.u32 $0x80, s7  }
0x6: {  	v42 =	vor.u32 $0x2090, v0;
	v43 =	vor.u32 $0x20A0, v0;
	v44 =	vor.u32 $0x20B0, v0;
	s4 =	sor.u32 $0xA0, s7;
	s9 =	sor.u32 $0xB0, s7;
	s10 =	sor.u32 $0xC0, s7  }
0x7: {  	v45 =	vor.u32 $0x20C0, v0;
	v46 =	vor.u32 $0x20D0, v0;
	v47 =	vor.u32 $0x20E0, v0;
	s11 =	sor.u32 $0xD0, s7;
	s12 =	sor.u32 $0xE0, s7;
	s13 =	sor.u32 $0xF0, s7  }
0x8: {  	v48 =	vor.u32 $0x20F0, v0;
	v49 =	vor.u32 $0x2100, v0;
	v50 =	vor.u32 $0x2110, v0;
	s14 =	sor.u32 $0x100, s7;
	s15 =	sor.u32 $0x110, s7;
	s16 =	sor.u32 $0x120, s7  }
0x9: {  	v51 =	vor.u32 $0x2120, v0;
	v52 =	vor.u32 $0x2130, v0;
	v53 =	vor.u32 $0x2140, v0;
	s17 =	sor.u32 $0x130, s7;
	s18 =	sor.u32 $0x140, s7;
	s19 =	sor.u32 $0x150, s7  }
0xa: {  	v54 =	vor.u32 $0x2150, v0;
	v55 =	vor.u32 $0x2160, v0;
	v56 =	vor.u32 $0x2170, v0;
	s20 =	sor.u32 $0x160, s7;
	s21 =	sor.u32 $0x170, s7;
	s22 =	sor.u32 $0x180, s7  }
0xb: {  	v57 =	vor.u32 $0x2180, v0;
	v58 =	vor.u32 $0x2190, v0;
	v59 =	vor.u32 $0x21A0, v0;
	s23 =	sor.u32 $0x190, s7;
	s24 =	sor.u32 $0x1A0, s7;
	s25 =	sor.u32 $0x1B0, s7  }
0xc: {  	v4 =	vor.u32 s26, v0;
	v6 =	vor.u32 s3, v0;
	s3 =	sor.u32 $0x90, s7;
	v11 =	vor.u32 s4, v0;
	s26 =	sor.u32 $0x1C0, s7;
	s4 =	sor.u32 $0x1D0, s7  }
0xd: {  	v3 =	vor.u32 s2, v0;
	v5 =	vor.u32 s28, v0;
	v12 =	vor.u32 s9, v0;
	s2 =	rddreg [dreg:$0x3];
	s28 =	sor.u32 $0x1E0, s7;
	s9 =	sor.u32 $0x1F0, s7  }
0xe: {  	v2 =	vor.u32 s1, v0;
	v7 =	vor.u32 s29, v0;
	v9 =	vor.u32 s31, v0;
	s1 =	rddreg [dreg:$0x4];
	s29 =	srdreg.scid;
	s31 =	sshll.u32 s0, $0xF  }
0xf: {  	v15 =	vor.u32 s12, v0;
	v16 =	vor.u32 s13, v0;
	v17 =	vor.u32 s14, v0;
	s12 =	simm.s32 $0xA00;
	s13 =	simm.s32 $0x400;
	s14 =	simm.s32 $0x8A00  }
0x10: {  	v18 =	vor.u32 s15, v0;
	v19 =	vor.u32 s16, v0;
	v20 =	vor.u32 s17, v0;
	s15 =	simm.s32 $0x1;
	s16 =	simm.s32 $0x600;
	s17 =	simm.s32 $0x2  }
0x11: {  	[tilespmem:$0x1FFD0] =	vst v33;
	v21 =	vor.u32 s18, v0;
	v22 =	vor.u32 s19, v0;
	s18 =	simm.s32 $0x800;
	s19 =	simm.s32 $0x3;
	v10 =	vor.u32 s3, v0;
	s3 =	simm.s32 $0x0  }
0x12: {  	v60 =	vor.u32 $0x21B0, v0;
	[tilespmem:$0x1FFE0] =	vst v62;
	v8 =	vor.u32 s30, v0;
	v30 =	vor.u32 s4, v0;
	s30 =	sand.u32 $0x1, s29;
	s4 =	sadd.s32 $0xDBC000, s5;
	s5 =	sadd.s32 $0x187000, s5  }
0x13: {  	v61 =	vor.u32 $0x21C0, v0;
	[tilespmem:$0x1FFF0] =	vst v63;
	v13 =	vor.u32 s10, v0;
	v32 =	vor.u32 s9, v0;
	[smem:$0x7FF] =	sst s3;
	s10 =	ssub.s32 $0x2, s30;
	s9 =	sshll.u32 s30, $0xD  }
0x14: {  	v1 =	vor.u32 s7, v0;
	v62 =	vor.u32 $0x21D0, v0;
	v14 =	vor.u32 s11, v0;
	_ =	strace $0x80000047;
	s11 =	sshrl.u32 s10, $0x1;
	s9 =	sor.u32 s7, s9  }
0x15: {  	v63 =	vor.u32 $0x21E0, v0;
	v23 =	vor.u32 s20, v0;
	v24 =	vor.u32 s21, v0;
	s10 =	ssub.s32 s10, s11;
	s7 =	sshrl.u32 s9, $0x3;
	s9 =	sshll.u32 s9, $0x3  }
0x16: {  	v25 =	vor.u32 s22, v0;
	v26 =	vor.u32 s23, v0;
	v27 =	vor.u32 s24, v0;
	s11 =	simm.s32 $0x200;
	s6 =	sadd.s32 s6, s7;
	s7 =	sadd.s32 s31, s2  }
0x17: {  	v28 =	vor.u32 s25, v0;
	v29 =	vor.u32 s26, v0;
	v31 =	vor.u32 s28, v0;
	s8 =	sadd.s32 s8, s9;
	s9 =	smax.u32 s10, $0x1;
	s10 =	simm.s32 $0x4  }
.LBB2_1:
0x18: {  	[tilespmem:s3], [sflag:$0x4] =	stream.linear.gather [hbm4b:s6+s3], $0x200, $0x38;
	[tilespmem:$0x19200] =	vst v63  }
0x19: {  	_ =	swait.ge [sflag:s10], $0x200  }
0x1a: {  	[sflag:s10] =	ssyncset.done $0x0  }
0x1b: {  	[sflag:s10] =	ssyncadd.s32 $0xFFFFFE00  }
0x1c: {  	v0 =	vld [tilespmem:$0x0];
	_ =	sdelay $0x2  }
0x1d: {  	v35 =	vld [tilespmem:$0x1FFD0];
	_ =	sdelay $0x1  }
0x1e: {  	vm0 =	vgt.s32 v0, $0xDBB9F  }
0x1f: {  	v33 =	vld [tilespmem:$0x10];
	v34 =	vsel vm0, v1, v0;
	v0 =	vadd.s32 $0xFFF24460, v0  }
0x20: {  	v0 =	vsel vm0, v0, v1  }
0x21: {  	[tilespmem:$0x400] =	vst v0;
	v0 =	vsel vm0, v35, v1  }
0x22: {  	[tilespmem:$0x600] =	vst v0;
	v0 =	vsel vm0, v1, v35;
	v35 =	vld [tilespmem:$0x1FFE0];
	_ =	sdelay $0x1  }
0x23: {  	vm9 =	vgt.s32 v33, $0xDBB9F;
	[tilespmem:$0x200] =	vst v34  }
0x24: {  	v34 =	vld [tilespmem:$0x20];
	[tilespmem:$0x800] =	vst v0;
	v0 =	vsel vm9, v2, v33;
	v33 =	vadd.s32 $0xFFF24460, v33  }
0x25: {  	[tilespmem:$0x210] =	vst v0;
	v0 =	vsel vm9, v33, v2  }
0x26: {  	[tilespmem:$0x410] =	vst v0;
	v0 =	vsel vm9, v35, v2  }
0x27: {  	[tilespmem:$0x610] =	vst v0;
	v0 =	vsel vm9, v2, v35;
	v35 =	vld [tilespmem:$0x1FFF0]  }
0x28: {  	v33 =	vld [tilespmem:$0x30]  }
0x29: {  	vm10 =	vgt.s32 v34, $0xDBB9F  }
0x2a: {  	[tilespmem:$0x810] =	vst v0;
	v0 =	vsel vm10, v3, v34;
	v34 =	vadd.s32 $0xFFF24460, v34  }
0x2b: {  	[tilespmem:$0x220] =	vst v0;
	v0 =	vsel vm10, v34, v3  }
0x2c: {  	v34 =	vld [tilespmem:$0x40];
	[tilespmem:$0x420] =	vst v0;
	v0 =	vsel vm10, v35, v3  }
0x2d: {  	vm11 =	vgt.s32 v33, $0xDBB9F;
	[tilespmem:$0x620] =	vst v0;
	v0 =	vsel vm10, v3, v35  }
0x2e: {  	[tilespmem:$0x820] =	vst v0;
	v0 =	vsel vm11, v4, v33;
	v33 =	vadd.s32 $0xFFF24460, v33  }
0x2f: {  	[tilespmem:$0x230] =	vst v0;
	v0 =	vsel vm11, v33, v4  }
0x30: {  	v33 =	vld [tilespmem:$0x50];
	[tilespmem:$0x430] =	vst v0;
	v0 =	vsel vm11, v36, v4  }
0x31: {  	vm12 =	vgt.s32 v34, $0xDBB9F;
	[tilespmem:$0x630] =	vst v0;
	v0 =	vsel vm11, v4, v36  }
0x32: {  	[tilespmem:$0x830] =	vst v0;
	v0 =	vsel vm12, v5, v34;
	v34 =	vadd.s32 $0xFFF24460, v34  }
0x33: {  	[tilespmem:$0x240] =	vst v0;
	v0 =	vsel vm12, v34, v5  }
0x34: {  	v34 =	vld [tilespmem:$0x60];
	[tilespmem:$0x440] =	vst v0;
	v0 =	vsel vm12, v37, v5  }
0x35: {  	vm13 =	vgt.s32 v33, $0xDBB9F;
	[tilespmem:$0x640] =	vst v0;
	v0 =	vsel vm12, v5, v37  }
0x36: {  	[tilespmem:$0x840] =	vst v0;
	v0 =	vsel vm13, v6, v33;
	v33 =	vadd.s32 $0xFFF24460, v33  }
0x37: {  	[tilespmem:$0x250] =	vst v0;
	v0 =	vsel vm13, v33, v6  }
0x38: {  	v33 =	vld [tilespmem:$0x70];
	[tilespmem:$0x450] =	vst v0;
	v0 =	vsel vm13, v38, v6  }
0x39: {  	vm14 =	vgt.s32 v34, $0xDBB9F;
	[tilespmem:$0x650] =	vst v0;
	v0 =	vsel vm13, v6, v38  }
0x3a: {  	[tilespmem:$0x850] =	vst v0;
	v0 =	vsel vm14, v7, v34;
	v34 =	vadd.s32 $0xFFF24460, v34  }
0x3b: {  	[tilespmem:$0x260] =	vst v0;
	v0 =	vsel vm14, v34, v7  }
0x3c: {  	v34 =	vld [tilespmem:$0x80];
	[tilespmem:$0x460] =	vst v0;
	v0 =	vsel vm14, v39, v7  }
0x3d: {  	vm15 =	vgt.s32 v33, $0xDBB9F;
	[tilespmem:$0x660] =	vst v0;
	v0 =	vsel vm14, v7, v39  }
0x3e: {  	[tilespmem:$0x860] =	vst v0;
	v0 =	vsel vm15, v8, v33;
	v33 =	vadd.s32 $0xFFF24460, v33  }
0x3f: {  	[tilespmem:$0x270] =	vst v0;
	v0 =	vsel vm15, v33, v8  }
0x40: {  	v33 =	vld [tilespmem:$0x90];
	[tilespmem:$0x470] =	vst v0;
	v0 =	vsel vm15, v40, v8  }
0x41: {  	vm4 =	vgt.s32 v34, $0xDBB9F;
	[tilespmem:$0x670] =	vst v0;
	v0 =	vsel vm15, v8, v40  }
0x42: {  	[tilespmem:$0x870] =	vst v0;
	v0 =	vsel vm4, v9, v34;
	v34 =	vadd.s32 $0xFFF24460, v34  }
0x43: {  	[tilespmem:$0x280] =	vst v0;
	v0 =	vsel vm4, v34, v9  }
0x44: {  	v34 =	vld [tilespmem:$0xA0];
	[tilespmem:$0x480] =	vst v0;
	v0 =	vsel vm4, v41, v9  }
0x45: {  	vm5 =	vgt.s32 v33, $0xDBB9F;
	[tilespmem:$0x680] =	vst v0;
	v0 =	vsel vm4, v9, v41  }
0x46: {  	[tilespmem:$0x880] =	vst v0;
	v0 =	vsel vm5, v10, v33;
	v33 =	vadd.s32 $0xFFF24460, v33  }
0x47: {  	[tilespmem:$0x290] =	vst v0;
	v0 =	vsel vm5, v33, v10  }
0x48: {  	v33 =	vld [tilespmem:$0xB0];
	[tilespmem:$0x490] =	vst v0;
	v0 =	vsel vm5, v42, v10  }
0x49: {  	vm6 =	vgt.s32 v34, $0xDBB9F;
	[tilespmem:$0x690] =	vst v0;
	v0 =	vsel vm5, v10, v42  }
0x4a: {  	[tilespmem:$0x890] =	vst v0;
	v0 =	vsel vm6, v11, v34;
	v34 =	vadd.s32 $0xFFF24460, v34  }
0x4b: {  	[tilespmem:$0x2A0] =	vst v0;
	v0 =	vsel vm6, v34, v11  }
0x4c: {  	v34 =	vld [tilespmem:$0xC0];
	[tilespmem:$0x4A0] =	vst v0;
	v0 =	vsel vm6, v43, v11  }
0x4d: {  	vm7 =	vgt.s32 v33, $0xDBB9F;
	[tilespmem:$0x6A0] =	vst v0;
	v0 =	vsel vm6, v11, v43  }
0x4e: {  	[tilespmem:$0x8A0] =	vst v0;
	v0 =	vsel vm7, v12, v33;
	v33 =	vadd.s32 $0xFFF24460, v33  }
0x4f: {  	[tilespmem:$0x2B0] =	vst v0;
	v0 =	vsel vm7, v33, v12  }
0x50: {  	v33 =	vld [tilespmem:$0xD0];
	[tilespmem:$0x4B0] =	vst v0;
	v0 =	vsel vm7, v44, v12  }
0x51: {  	vm8 =	vgt.s32 v34, $0xDBB9F;
	[tilespmem:$0x6B0] =	vst v0;
	v0 =	vsel vm7, v12, v44  }
0x52: {  	[tilespmem:$0x8B0] =	vst v0;
	v0 =	vsel vm8, v13, v34;
	v34 =	vadd.s32 $0xFFF24460, v34  }
0x53: {  	[tilespmem:$0x2C0] =	vst v0;
	v0 =	vsel vm8, v34, v13  }
0x54: {  	v34 =	vld [tilespmem:$0xE0];
	[tilespmem:$0x4C0] =	vst v0;
	v0 =	vsel vm8, v45, v13  }
0x55: {  	vm9 =	vgt.s32 v33, $0xDBB9F;
	[tilespmem:$0x6C0] =	vst v0;
	v0 =	vsel vm8, v13, v45  }
0x56: {  	[tilespmem:$0x8C0] =	vst v0;
	v0 =	vsel vm9, v14, v33;
	v33 =	vadd.s32 $0xFFF24460, v33  }
0x57: {  	[tilespmem:$0x2D0] =	vst v0;
	v0 =	vsel vm9, v33, v14  }
0x58: {  	v33 =	vld [tilespmem:$0xF0];
	[tilespmem:$0x4D0] =	vst v0;
	v0 =	vsel vm9, v46, v14  }
0x59: {  	vm10 =	vgt.s32 v34, $0xDBB9F;
	[tilespmem:$0x6D0] =	vst v0;
	v0 =	vsel vm9, v14, v46  }
0x5a: {  	[tilespmem:$0x8D0] =	vst v0;
	v0 =	vsel vm10, v15, v34;
	v34 =	vadd.s32 $0xFFF24460, v34  }
0x5b: {  	[tilespmem:$0x2E0] =	vst v0;
	v0 =	vsel vm10, v34, v15  }
0x5c: {  	v34 =	vld [tilespmem:$0x100];
	[tilespmem:$0x4E0] =	vst v0;
	v0 =	vsel vm10, v47, v15  }
0x5d: {  	vm11 =	vgt.s32 v33, $0xDBB9F;
	[tilespmem:$0x6E0] =	vst v0;
	v0 =	vsel vm10, v15, v47  }
0x5e: {  	[tilespmem:$0x8E0] =	vst v0;
	v0 =	vsel vm11, v16, v33;
	v33 =	vadd.s32 $0xFFF24460, v33  }
0x5f: {  	[tilespmem:$0x2F0] =	vst v0;
	v0 =	vsel vm11, v33, v16  }
0x60: {  	v33 =	vld [tilespmem:$0x110];
	[tilespmem:$0x4F0] =	vst v0;
	v0 =	vsel vm11, v48, v16  }
0x61: {  	vm12 =	vgt.s32 v34, $0xDBB9F;
	[tilespmem:$0x6F0] =	vst v0;
	v0 =	vsel vm11, v16, v48  }
0x62: {  	[tilespmem:$0x8F0] =	vst v0;
	v0 =	vsel vm12, v17, v34;
	v34 =	vadd.s32 $0xFFF24460, v34  }
0x63: {  	[tilespmem:$0x300] =	vst v0;
	v0 =	vsel vm12, v34, v17  }
0x64: {  	v34 =	vld [tilespmem:$0x120];
	[tilespmem:$0x500] =	vst v0;
	v0 =	vsel vm12, v49, v17  }
0x65: {  	vm13 =	vgt.s32 v33, $0xDBB9F;
	[tilespmem:$0x700] =	vst v0;
	v0 =	vsel vm12, v17, v49  }
0x66: {  	[tilespmem:$0x900] =	vst v0;
	v0 =	vsel vm13, v18, v33;
	v33 =	vadd.s32 $0xFFF24460, v33  }
0x67: {  	[tilespmem:$0x310] =	vst v0;
	v0 =	vsel vm13, v33, v18  }
0x68: {  	v33 =	vld [tilespmem:$0x130];
	[tilespmem:$0x510] =	vst v0;
	v0 =	vsel vm13, v50, v18  }
0x69: {  	vm14 =	vgt.s32 v34, $0xDBB9F;
	[tilespmem:$0x710] =	vst v0;
	v0 =	vsel vm13, v18, v50  }
0x6a: {  	[tilespmem:$0x910] =	vst v0;
	v0 =	vsel vm14, v19, v34;
	v34 =	vadd.s32 $0xFFF24460, v34  }
0x6b: {  	[tilespmem:$0x320] =	vst v0;
	v0 =	vsel vm14, v34, v19  }
0x6c: {  	v34 =	vld [tilespmem:$0x140];
	[tilespmem:$0x520] =	vst v0;
	v0 =	vsel vm14, v51, v19  }
0x6d: {  	vm15 =	vgt.s32 v33, $0xDBB9F;
	[tilespmem:$0x720] =	vst v0;
	v0 =	vsel vm14, v19, v51  }
0x6e: {  	[tilespmem:$0x920] =	vst v0;
	v0 =	vsel vm15, v20, v33;
	v33 =	vadd.s32 $0xFFF24460, v33  }
0x6f: {  	[tilespmem:$0x330] =	vst v0;
	v0 =	vsel vm15, v33, v20  }
0x70: {  	v33 =	vld [tilespmem:$0x150];
	[tilespmem:$0x530] =	vst v0;
	v0 =	vsel vm15, v52, v20  }
0x71: {  	vm4 =	vgt.s32 v34, $0xDBB9F;
	[tilespmem:$0x730] =	vst v0;
	v0 =	vsel vm15, v20, v52  }
0x72: {  	[tilespmem:$0x930] =	vst v0;
	v0 =	vsel vm4, v21, v34;
	v34 =	vadd.s32 $0xFFF24460, v34  }
0x73: {  	[tilespmem:$0x340] =	vst v0;
	v0 =	vsel vm4, v34, v21  }
0x74: {  	v34 =	vld [tilespmem:$0x160];
	[tilespmem:$0x540] =	vst v0;
	v0 =	vsel vm4, v53, v21  }
0x75: {  	vm5 =	vgt.s32 v33, $0xDBB9F;
	[tilespmem:$0x740] =	vst v0;
	v0 =	vsel vm4, v21, v53  }
0x76: {  	[tilespmem:$0x940] =	vst v0;
	v0 =	vsel vm5, v22, v33;
	v33 =	vadd.s32 $0xFFF24460, v33  }
0x77: {  	[tilespmem:$0x350] =	vst v0;
	v0 =	vsel vm5, v33, v22  }
0x78: {  	v33 =	vld [tilespmem:$0x170];
	[tilespmem:$0x550] =	vst v0;
	v0 =	vsel vm5, v54, v22  }
0x79: {  	vm6 =	vgt.s32 v34, $0xDBB9F;
	[tilespmem:$0x750] =	vst v0;
	v0 =	vsel vm5, v22, v54  }
0x7a: {  	[tilespmem:$0x950] =	vst v0;
	v0 =	vsel vm6, v23, v34;
	v34 =	vadd.s32 $0xFFF24460, v34  }
0x7b: {  	[tilespmem:$0x360] =	vst v0;
	v0 =	vsel vm6, v34, v23  }
0x7c: {  	v34 =	vld [tilespmem:$0x180];
	[tilespmem:$0x560] =	vst v0;
	v0 =	vsel vm6, v55, v23  }
0x7d: {  	vm7 =	vgt.s32 v33, $0xDBB9F;
	[tilespmem:$0x760] =	vst v0;
	v0 =	vsel vm6, v23, v55  }
0x7e: {  	[tilespmem:$0x960] =	vst v0;
	v0 =	vsel vm7, v24, v33;
	v33 =	vadd.s32 $0xFFF24460, v33  }
0x7f: {  	[tilespmem:$0x370] =	vst v0;
	v0 =	vsel vm7, v33, v24  }
0x80: {  	v33 =	vld [tilespmem:$0x190];
	[tilespmem:$0x570] =	vst v0;
	v0 =	vsel vm7, v56, v24  }
0x81: {  	vm8 =	vgt.s32 v34, $0xDBB9F;
	[tilespmem:$0x770] =	vst v0;
	v0 =	vsel vm7, v24, v56  }
0x82: {  	[tilespmem:$0x970] =	vst v0;
	v0 =	vsel vm8, v25, v34;
	v34 =	vadd.s32 $0xFFF24460, v34  }
0x83: {  	[tilespmem:$0x380] =	vst v0;
	v0 =	vsel vm8, v34, v25  }
0x84: {  	v34 =	vld [tilespmem:$0x1A0];
	[tilespmem:$0x580] =	vst v0;
	v0 =	vsel vm8, v57, v25  }
0x85: {  	vm9 =	vgt.s32 v33, $0xDBB9F;
	[tilespmem:$0x780] =	vst v0;
	v0 =	vsel vm8, v25, v57  }
0x86: {  	[tilespmem:$0x980] =	vst v0;
	v0 =	vsel vm9, v26, v33;
	v33 =	vadd.s32 $0xFFF24460, v33  }
0x87: {  	[tilespmem:$0x390] =	vst v0;
	v0 =	vsel vm9, v33, v26  }
0x88: {  	v33 =	vld [tilespmem:$0x1B0];
	[tilespmem:$0x590] =	vst v0;
	v0 =	vsel vm9, v58, v26  }
0x89: {  	vm10 =	vgt.s32 v34, $0xDBB9F;
	[tilespmem:$0x790] =	vst v0;
	v0 =	vsel vm9, v26, v58  }
0x8a: {  	[tilespmem:$0x990] =	vst v0;
	v0 =	vsel vm10, v27, v34;
	v34 =	vadd.s32 $0xFFF24460, v34  }
0x8b: {  	[tilespmem:$0x3A0] =	vst v0;
	v0 =	vsel vm10, v34, v27  }
0x8c: {  	v34 =	vld [tilespmem:$0x1C0];
	[tilespmem:$0x5A0] =	vst v0;
	v0 =	vsel vm10, v59, v27  }
0x8d: {  	vm11 =	vgt.s32 v33, $0xDBB9F;
	[tilespmem:$0x7A0] =	vst v0;
	v0 =	vsel vm10, v27, v59  }
0x8e: {  	[tilespmem:$0x9A0] =	vst v0;
	v0 =	vsel vm11, v28, v33;
	v33 =	vadd.s32 $0xFFF24460, v33  }
0x8f: {  	[tilespmem:$0x3B0] =	vst v0;
	v0 =	vsel vm11, v33, v28  }
0x90: {  	v33 =	vld [tilespmem:$0x1D0];
	[tilespmem:$0x5B0] =	vst v0;
	v0 =	vsel vm11, v60, v28  }
0x91: {  	vm12 =	vgt.s32 v34, $0xDBB9F;
	[tilespmem:$0x7B0] =	vst v0;
	v0 =	vsel vm11, v28, v60  }
0x92: {  	[tilespmem:$0x9B0] =	vst v0;
	v0 =	vsel vm12, v29, v34;
	v34 =	vadd.s32 $0xFFF24460, v34  }
0x93: {  	[tilespmem:$0x3C0] =	vst v0;
	v0 =	vsel vm12, v34, v29  }
0x94: {  	v34 =	vld [tilespmem:$0x1E0];
	[tilespmem:$0x5C0] =	vst v0;
	v0 =	vsel vm12, v61, v29  }
0x95: {  	vm13 =	vgt.s32 v33, $0xDBB9F;
	[tilespmem:$0x7C0] =	vst v0;
	v0 =	vsel vm12, v29, v61  }
0x96: {  	[tilespmem:$0x9C0] =	vst v0;
	v0 =	vsel vm13, v30, v33;
	v33 =	vadd.s32 $0xFFF24460, v33  }
0x97: {  	[tilespmem:$0x3D0] =	vst v0;
	v0 =	vsel vm13, v33, v30  }
0x98: {  	v33 =	vld [tilespmem:$0x1F0];
	[tilespmem:$0x5D0] =	vst v0;
	v0 =	vsel vm13, v62, v30  }
0x99: {  	vm14 =	vgt.s32 v34, $0xDBB9F;
	[tilespmem:$0x7D0] =	vst v0;
	v0 =	vsel vm13, v30, v62  }
0x9a: {  	[tilespmem:$0x9D0] =	vst v0;
	v0 =	vsel vm14, v31, v34;
	v34 =	vadd.s32 $0xFFF24460, v34  }
0x9b: {  	[tilespmem:$0x3E0] =	vst v0;
	v0 =	vsel vm14, v34, v31  }
0x9c: {  	[tilespmem:$0x5E0] =	vst v0;
	v0 =	vsel vm14, v63, v31  }
0x9d: {  	vm15 =	vgt.s32 v33, $0xDBB9F;
	[tilespmem:$0x7E0] =	vst v0;
	v0 =	vsel vm14, v31, v63  }
0x9e: {  	[tilespmem:$0x9E0] =	vst v0;
	v0 =	vsel vm15, v32, v33;
	v33 =	vadd.s32 $0xFFF24460, v33  }
0x9f: {  	[tilespmem:$0x3F0] =	vst v0;
	v0 =	vsel vm15, v33, v32;
	v33 =	vlaneseq.u32  }
0xa0: {  	v33 =	vor.u32 $0x21F0, v33  }
0xa1: {  	[tilespmem:$0x5F0] =	vst v0;
	v0 =	vsel vm15, v33, v32  }
0xa2: {  	[tilespmem:$0x7F0] =	vst v0;
	v0 =	vsel vm15, v32, v33  }
0xa3: {  	[tilespmem:$0x9F0] =	vst v0  }
0xa4: {  	[tilespmem:s12], [sflag:$0x1] =	stream.indirect.gather [hbm4b:s4+s11], $0x40, s11, s11, $0xb8;
	[tilespmem:$0x19200] =	vst v63  }
0xa5: {  	_ = 	snop  }
0xa6: {  	[tilespmem:s14], [sflag:$0x2] =	stream.indirect.gather [hbm4b:s5+s11], $0x40, s13, s11, $0xb8;
	[tilespmem:$0x19200] =	vst v63  }
0xa7: {  	_ =	swait.ge [sflag:s15], $0x8000  }
0xa8: {  	[sflag:s15] =	ssyncset.done $0x0  }
0xa9: {  	[sflag:s15] =	ssyncadd.s32 $0xFFFF8000  }
0xaa: {  	[spmem:s2] =	stream.indirect.scatter [tilespmem:s12], [sflag:$0x3], $0x40, s16, s11, $0xb8;
	[tilespmem:$0x19200] =	vst v63  }
0xab: {  	_ =	swait.ge [sflag:s17], $0x8000  }
0xac: {  	[sflag:s17] =	ssyncset.done $0x0  }
0xad: {  	[sflag:s17] =	ssyncadd.s32 $0xFFFF8000  }
0xae: {  	[spmem:s2] =	stream.indirect.scatter [tilespmem:s14], [sflag:$0x3], $0x40, s18, s11, $0xb8;
	[tilespmem:$0x19200] =	vst v63  }
0xaf: {  	_ =	swait.ge [sflag:s19], $0x8000  }
0xb0: {  	[sflag:s19] =	ssyncset.done $0x0  }
0xb1: {  	[sflag:s19] =	ssyncadd.s32 $0xFFFF8000  }
0xb2: {  	_ =	swait.ge [sflag:s19], $0x8000  }
0xb3: {  	[sflag:s19] =	ssyncset.done $0x0  }
0xb4: {  	[sflag:s19] =	ssyncadd.s32 $0xFFFF8000  }
0xb5: {  	[bflag:$0x0] =	sbarrier.arrive $0xFFFF  }
0xb6: {  	[tilespmem:s12], [sflag:$0x4] =	stream.linear.gather [spmem:s7], $0x8000, $0x38;
	[tilespmem:$0x19200] =	vst v63  }
0xb7: {  	_ =	swait.ge [sflag:s10], $0x8000  }
0xb8: {  	p0 =	sne.s32 s9, $0x1;
	[sflag:s10] =	ssyncset.done $0x0  }
.Ltmp0:
0xb9: {  	[sflag:s10] =	ssyncadd.s32 $0xFFFF8000;
	(pc) =	sbr.rel @p0 .LBB2_1-.Ltmp0, $4  }
0xba: {  	[hbm4b:s8+s3] =	stream.linear.scatter [tilespmem:s12], [sflag:$0x4], $0x8000, $0x38;
	[tilespmem:$0x19200] =	vst v63  }
0xbb: {  	_ =	swait.ge [sflag:s10], $0x8000  }
0xbc: {  	[sflag:s10] =	ssyncset.done $0x0  }
0xbd: {  	s9 =	sadd.s32 $0xFFFFFFFF, s9;
	[sflag:s10] =	ssyncadd.s32 $0xFFFF8000  }
0xbe: {  	_ =	sfence.sel $0x180000  }
0xbf: {  	[bflag:$0x0] =	sbarrier.arrive $0xFFFF  }
0xc0: {  	p0 =	sne.s32 s0, $0x0;
	_ =	strace $0x90000047  }
0xc1: {  	s0 =	sadd.s32 @!p0 $0x100000, s1;
	[bflag:$0x2] =	sbarrier.arrive $0xFFFF  }
0xc2: {  	[sflag:s0] =	ssyncadd.tile.s32 @!p0 $0x1;
	_ =	shalt  }
.Lfunc_end2:
_tile_overlayer_lowered:
.L_overlay_start_2:
0xc3: {  	(tag) =	ssettag $0x2  }
0xc4: {  	s0 =	rddreg [dreg:$0x0];
	s2 =	stileid.u32  }
0xc5: {  	s1 =	rddreg [dreg:$0x1];
	p0 =	sne.s32 s2, $0x0  }
0xc6: {  	s3 =	rddreg [dreg:$0x2];
	[bflag:$0x3] =	sbarrier.arrive $0xFFFF;
	s2 =	simm.s32 @!p0 $0x1C04  }
0xc7: {  	[timem:s3], [sflag:s2] =	dma.local @!p0 [hbm:s0], s1  }
0xc8: {  	s0 =	simm.s32 @!p0 $0x4  }
0xc9: {  	_ =	swait.ge @!p0 [sflag:s0], s1  }
0xca: {  	s1 =	ssub.s32 @!p0 $0x0, s1;
	[sflag:s0] =	ssyncset.done @!p0 $0x0  }
0xcb: {  	[sflag:s0] =	ssyncadd.s32 @!p0 s1  }
0xcc: {  	[bflag:$0x3] =	sbarrier.arrive $0xFFFF  }
0xcd: {  	_ =	shalt  }

</sc_bundles>
